<compile_context>
chip_gen: v7x
topology: tpu7x:2x2x1
jax: 0.10.2.dev20260603
libtpu: 0.0.44.dev20260713+nightly
codegen_flags: <defaults>
</compile_context>

<pallas_src>
import functools

import jax
import jax.numpy as jnp
from jax import lax
from jax.experimental import pallas as pl
from jax.experimental.pallas import tpu as pltpu
from jax.experimental.pallas import tpu_sc as plsc

_N = 10000
_E = 320000
_D = 128
_G = 64
_OUT = 64
_NPAD = 10112
_NC = 2
_NS = 16
_NW = _NC * _NS
_C = 128
_E2 = _E + _N
_Q = 2 * (-(-_E2 // (_NW * _C * 2)))
_E2P = _NW * _Q * _C
_SEG = 8
_NSEG = -(-_Q // _SEG)
_QP = _NSEG * _SEG
_RPT = _NPAD // _NS


def _zero_rows(ref, nrows, width):
    def row(i, _):
        for j in range(width // 16):
            ref[i, pl.ds(j * 16, 16)] = jnp.zeros((16,), jnp.float32)
        return 0
    lax.fori_loop(0, nrows, row, 0)


@functools.cache
def _sc_kernels():
    mesh = plsc.VectorSubcoreMesh(core_axis_name="c", subcore_axis_name="s",
                                  num_cores=_NC, num_subcores=_NS)

    @functools.partial(
        pl.kernel,
        out_type=jax.ShapeDtypeStruct((_NC * _NPAD, _D), jnp.float32),
        mesh=mesh,
        scratch_types=[
            pltpu.VMEM((_Q, _C), jnp.int32),
            pltpu.VMEM((_C, _D), jnp.float32),
            pltpu.VMEM((_C, _D), jnp.float32),
            pltpu.VMEM_SHARED((_NPAD, _D), jnp.float32),
        ],
    )
    def deg_kernel(dstw, degp, dst_v, ones_v, zbuf_v, acc):
        c = lax.axis_index("c")
        s = lax.axis_index("s")
        wid = s * _NC + c
        pltpu.sync_copy(dstw.at[wid], dst_v)
        def ones_row(i, _):
            for j in range(_D // 16):
                ones_v[i, pl.ds(j * 16, 16)] = jnp.ones((16,), jnp.float32)
            return 0
        lax.fori_loop(0, _C, ones_row, 0)
        _zero_rows(zbuf_v, _C, _D)
        off = 0
        while off < _RPT:
            n = min(_C, _RPT - off)
            pltpu.sync_copy(zbuf_v.at[pl.ds(0, n)],
                            acc.at[pl.ds(s * _RPT + off, n)])
            off += n
        plsc.subcore_barrier()
        def step(q, _):
            pltpu.sync_copy(ones_v, acc.at[dst_v.at[q]], add=True)
            return 0
        lax.fori_loop(0, _Q, step, 0)
        plsc.subcore_barrier()
        pltpu.sync_copy(acc.at[pl.ds(s * _RPT, _RPT)],
                        degp.at[pl.ds(c * _NPAD + s * _RPT, _RPT)])

    @functools.partial(
        pl.kernel,
        out_type=jax.ShapeDtypeStruct((_NC * _NPAD, _D), jnp.float32),
        mesh=mesh,
        scratch_types=[
            pltpu.VMEM((_Q, _C), jnp.int32),
            pltpu.VMEM((_Q, _C), jnp.int32),
            pltpu.VMEM((_C, _D), jnp.float32),
            pltpu.VMEM_SHARED((_NPAD, _D), jnp.float32),
            pltpu.SemaphoreType.DMA,
        ],
    )
    def agg_kernel(g_hbm, srcw, dstw, outp, src_v, dst_v, rows0, acc, sem0):
        c = lax.axis_index("c")
        s = lax.axis_index("s")
        wid = s * _NC + c
        pltpu.sync_copy(srcw.at[wid], src_v)
        pltpu.sync_copy(dstw.at[wid], dst_v)
        _zero_rows(rows0, _C, _D)
        off = 0
        while off < _RPT:
            n = min(_C, _RPT - off)
            pltpu.sync_copy(rows0.at[pl.ds(0, n)],
                            acc.at[pl.ds(s * _RPT + off, n)])
            off += n
        plsc.subcore_barrier()

        def gstart(q, rows, sem):
            pltpu.async_copy(g_hbm.at[src_v.at[q]], rows, sem)

        def gwait(q, rows, sem):
            pltpu.make_async_copy(g_hbm.at[src_v.at[q]], rows, sem).wait()

        def scat(q, rows):
            pltpu.sync_copy(rows, acc.at[dst_v.at[q]], add=True)

        def step(q, _):
            pltpu.async_copy(g_hbm.at[src_v.at[q]], rows0, sem0).wait()
            pltpu.sync_copy(rows0, acc.at[dst_v.at[q]], add=True)
            return 0
        lax.fori_loop(0, _Q, step, 0)
        plsc.subcore_barrier()
        pltpu.sync_copy(acc.at[pl.ds(s * _RPT, _RPT)],
                        outp.at[pl.ds(c * _NPAD + s * _RPT, _RPT)])

    return deg_kernel, agg_kernel


def _tc_first(degp, x, w1):
    def body(degp_ref, x_ref, w_ref, dinv_ref, g_ref):
        deg = degp_ref[0, :, 0:1] + degp_ref[1, :, 0:1]
        dinv = jnp.where(deg > 0, lax.rsqrt(deg), 0.0)
        dinv_ref[...] = dinv
        h = jnp.dot(x_ref[...], w_ref[...], preferred_element_type=jnp.float32)
        g_ref[...] = h * dinv[:_N]
    return pl.pallas_call(
        body,
        out_shape=(jax.ShapeDtypeStruct((_NPAD, 1), jnp.float32),
                   jax.ShapeDtypeStruct((_N, _D), jnp.float32)),
    )(degp.reshape(_NC, _NPAD, _D), x, w1)


def _tc_mid(p, dinv, b, w):
    def body(p_ref, dinv_ref, b_ref, w_ref, g_ref):
        dinv = dinv_ref[...]
        agg = p_ref[0, :_N] + p_ref[1, :_N]
        a = jnp.maximum(agg * dinv[:_N] + b_ref[...], 0.0)
        g_ref[...] = jnp.dot(a, w_ref[...],
                             preferred_element_type=jnp.float32) * dinv[:_N]
    return pl.pallas_call(
        body,
        out_shape=jax.ShapeDtypeStruct((_N, _D), jnp.float32),
    )(p.reshape(_NC, _NPAD, _D), dinv, b.reshape(1, _D), w)


def _tc_head(p, dinv, b3, batch_pad, wl1, bl1, wl2, bl2):
    def body(p_ref, dinv_ref, b_ref, batch_ref, wl1_ref, bl1_ref, wl2_ref,
             bl2_ref, out_ref, emb_ref):
        dinv = dinv_ref[...]
        agg = p_ref[0] + p_ref[1]
        a = jnp.maximum(agg * dinv + b_ref[...], 0.0)
        gid = lax.broadcasted_iota(jnp.int32, (_G, _NPAD), 0)
        onehot = (batch_ref[...] == gid).astype(jnp.float32)
        sums = jnp.dot(onehot, a, preferred_element_type=jnp.float32)
        cnts = jnp.sum(onehot, axis=1, keepdims=True)
        pooled = sums / jnp.maximum(cnts, 1.0)
        emb = jnp.maximum(
            jnp.dot(pooled, wl1_ref[...], preferred_element_type=jnp.float32)
            + bl1_ref[...], 0.0)
        emb_ref[...] = emb
        out_ref[...] = (jnp.dot(emb, wl2_ref[...],
                                preferred_element_type=jnp.float32)
                        + bl2_ref[...])
    return pl.pallas_call(
        body,
        out_shape=(jax.ShapeDtypeStruct((_G, _OUT), jnp.float32),
                   jax.ShapeDtypeStruct((_G, _D), jnp.float32)),
    )(p.reshape(_NC, _NPAD, _D), dinv, b3.reshape(1, _D), batch_pad,
      wl1, bl1.reshape(1, _D), wl2, bl2.reshape(1, _OUT))


def kernel(x, edge_index, batch, W1, b1, W2, b2, W3, b3, Wl1, bl1, Wl2, bl2):
    deg_kernel, agg_kernel = _sc_kernels()

    loop = jnp.arange(_N, dtype=jnp.int32)
    src = jnp.concatenate(
        [edge_index[0], loop, jnp.zeros((_E2P - _E2,), jnp.int32)])
    junk = _N + jnp.arange(_E2P - _E2, dtype=jnp.int32) % (_NPAD - _N)
    dst = jnp.concatenate([edge_index[1], loop, junk])
    srcw = src.reshape(_NW, _Q, _C)
    dstw = dst.reshape(_NW, _Q, _C)
    batch_pad = jnp.concatenate(
        [batch, jnp.full((_NPAD - _N,), _G, jnp.int32)]).reshape(1, _NPAD)

    degp = deg_kernel(dstw)
    dinv, g = _tc_first(degp, x, W1)
    p = agg_kernel(g, srcw, dstw)
    g = _tc_mid(p, dinv, b1, W2)
    p = agg_kernel(g, srcw, dstw)
    g = _tc_mid(p, dinv, b2, W3)
    p = agg_kernel(g, srcw, dstw)
    out, emb = _tc_head(p, dinv, b3, batch_pad, Wl1, bl1, Wl2, bl2)
    return (out, emb)

# --- scband reference (transcript-rebuilt; emitter-appended) ---
"""Pipeline reference for scband-basic-gcn-5411658793081 (READ-ONLY COPY).

The authoritative reference and input builder live on the scoring server;
editing this copy changes nothing except your own understanding.
"""

import jax, jax.numpy as jnp
import numpy as np

N = 10000
E = 320000
D = 128
H = 128
OUT = 64
G = 64


def _glorot(key, fan_in, fan_out):
    limit = float(np.sqrt(6.0 / (fan_in + fan_out)))
    return jax.random.uniform(key, (fan_in, fan_out), minval=-limit, maxval=limit, dtype=jnp.float32)


def setup_inputs(seed: int = 0) -> dict:
    key = jax.random.key(seed)
    ks = jax.random.split(key, 16)
    x = jax.random.normal(ks[0], (N, D), dtype=jnp.float32)
    edge_index = jax.random.randint(ks[1], (2, E), 0, N, dtype=jnp.int32)
    batch = jnp.sort(jax.random.randint(ks[2], (N,), 0, G, dtype=jnp.int32))
    return {
        'x': x,
        'edge_index': edge_index,
        'batch': batch,
        'W1': _glorot(ks[3], D, H), 'b1': jnp.zeros((H,), jnp.float32),
        'W2': _glorot(ks[4], H, H), 'b2': jnp.zeros((H,), jnp.float32),
        'W3': _glorot(ks[5], H, H), 'b3': jnp.zeros((H,), jnp.float32),
        'Wl1': _glorot(ks[6], H, H), 'bl1': jnp.zeros((H,), jnp.float32),
        'Wl2': _glorot(ks[7], H, OUT), 'bl2': jnp.zeros((OUT,), jnp.float32),
    }


def _gcn_conv(x, src, dst, norm, W, b):
    h = x @ W
    msg = h[src] * norm[:, None]
    out = jnp.zeros((N, h.shape[1]), dtype=h.dtype).at[dst].add(msg)
    return out + b


def reference(x, edge_index, batch, W1, b1, W2, b2, W3, b3, Wl1, bl1, Wl2, bl2):
    # GCNConv semantics (PyG): add self-loops, symmetric degree normalization
    loop = jnp.arange(N, dtype=edge_index.dtype)
    src = jnp.concatenate([edge_index[0], loop])
    dst = jnp.concatenate([edge_index[1], loop])
    deg = jnp.zeros((N,), jnp.float32).at[dst].add(1.0)
    dinv = jnp.where(deg > 0, jax.lax.rsqrt(deg), 0.0)
    norm = dinv[src] * dinv[dst]

    h = jax.nn.relu(_gcn_conv(x, src, dst, norm, W1, b1))
    h = jax.nn.relu(_gcn_conv(h, src, dst, norm, W2, b2))
    h = jax.nn.relu(_gcn_conv(h, src, dst, norm, W3, b3))

    # global mean pool over graphs in batch
    sums = jax.ops.segment_sum(h, batch, num_segments=G)
    cnts = jax.ops.segment_sum(jnp.ones((N,), jnp.float32), batch, num_segments=G)
    pooled = sums / jnp.maximum(cnts, 1.0)[:, None]

    embeddings = jax.nn.relu(pooled @ Wl1 + bl1)
    # dropout p=0.5 is identity in eval mode (deterministic reference)
    out = embeddings @ Wl2 + bl2
    return (out, embeddings)

if __name__ == "__main__":
    import jax
    _d = setup_inputs()
    print(jax.jit(kernel)(*tuple(_d.values())))

</pallas_src>

<mosaic_0001>
#map = affine_map<(d0, d1) -> (0, 0, 0)>
#map1 = affine_map<(d0, d1) -> (0, 0)>
module attributes {stable_mosaic.version = 14 : i64} {
  func.func @deg_kernel(%arg0: i32, %arg1: i32, %arg2: memref<32x82x128xi32, #tpu.memory_space<hbm>>, %arg3: memref<20224x128xf32, #tpu.memory_space<hbm>>, %arg4: memref<82x128xi32, #tpu.memory_space<vmem>>, %arg5: memref<128x128xf32, #tpu.memory_space<vmem>>, %arg6: memref<128x128xf32, #tpu.memory_space<vmem>>, %arg7: memref<10112x128xf32, #tpu.memory_space<vmem_shared>>) attributes {dimension_semantics = [#tpu.dimension_semantics<core_parallel>, #tpu.dimension_semantics<subcore_parallel>], iteration_bounds = array<i64: 2, 16>, scalar_prefetch = 0 : i64, scratch_operands = 4 : i64, tpu.core_type = #tpu.core_type<sc_vector_subcore>, window_params = [{transform_indices = #map}, {transform_indices = #map1}]} {
    %mul3A = arith.constant 2 : i32
    %mul3A_0 = arith.muli %arg1, %mul3A : i32
    %add3A = arith.addi %mul3A_0, %arg0 : i32
    "tpu.region"() ({
      %run_scoped3A = tpu.sem_alloc : memref<!tpu.dma_semaphore, #tpu.memory_space<semaphore_mem>>
      %dma_start3A = arith.constant 0 : i32
      %dma_start3A_49 = arith.constant 0 : i32
      %dma_start3A_50 = tpu.memref_slice %arg2[%add3A, %dma_start3A, %dma_start3A_49] : memref<32x82x128xi32, #tpu.memory_space<hbm>> -> memref<1x82x128xi32, #tpu.memory_space<hbm>>
      %dma_start3A_51 = tpu.memref_squeeze %dma_start3A_50 : memref<1x82x128xi32, #tpu.memory_space<hbm>> -> memref<82x128xi32, #tpu.memory_space<hbm>>
      %dma_start3A_52 = arith.constant 0 : i32
      %dma_start3A_53 = arith.constant 0 : i32
      %dma_start3A_54 = tpu.memref_slice %arg2[%add3A, %dma_start3A_52, %dma_start3A_53] : memref<32x82x128xi32, #tpu.memory_space<hbm>> -> memref<1x82x128xi32, #tpu.memory_space<hbm>>
      %dma_start3A_55 = tpu.memref_squeeze %dma_start3A_54 : memref<1x82x128xi32, #tpu.memory_space<hbm>> -> memref<82x128xi32, #tpu.memory_space<hbm>>
      tpu.enqueue_dma source(%dma_start3A_55 : memref<82x128xi32, #tpu.memory_space<hbm>>) target(%arg4 : memref<82x128xi32, #tpu.memory_space<vmem>>) target_semaphore(%run_scoped3A : memref<!tpu.dma_semaphore, #tpu.memory_space<semaphore_mem>>)
      %dma_wait3A = arith.constant 0 : i32
      %dma_wait3A_56 = arith.constant 0 : i32
      %dma_wait3A_57 = tpu.memref_slice %arg2[%add3A, %dma_wait3A, %dma_wait3A_56] : memref<32x82x128xi32, #tpu.memory_space<hbm>> -> memref<1x82x128xi32, #tpu.memory_space<hbm>>
      %dma_wait3A_58 = tpu.memref_squeeze %dma_wait3A_57 : memref<1x82x128xi32, #tpu.memory_space<hbm>> -> memref<82x128xi32, #tpu.memory_space<hbm>>
      %dma_wait3A_59 = arith.constant 0 : i32
      %dma_wait3A_60 = arith.constant 0 : i32
      %dma_wait3A_61 = tpu.memref_slice %arg2[%add3A, %dma_wait3A_59, %dma_wait3A_60] : memref<32x82x128xi32, #tpu.memory_space<hbm>> -> memref<1x82x128xi32, #tpu.memory_space<hbm>>
      %dma_wait3A_62 = tpu.memref_squeeze %dma_wait3A_61 : memref<1x82x128xi32, #tpu.memory_space<hbm>> -> memref<82x128xi32, #tpu.memory_space<hbm>>
      tpu.wait_dma2 semaphore(%run_scoped3A : memref<!tpu.dma_semaphore, #tpu.memory_space<semaphore_mem>>) src(%dma_wait3A_62 : memref<82x128xi32, #tpu.memory_space<hbm>>) dst(%arg4 : memref<82x128xi32, #tpu.memory_space<vmem>>)
      tpu.yield
    }) : () -> ()
    %scan3A = arith.constant 0 : i32
    %scan3A_1 = arith.constant 0 : i32
    %scan3A_2 = arith.constant 128 : i32
    %scan3A_3 = arith.addi %scan3A_1, %scan3A_2 : i32
    %scan3A_4 = arith.constant 1 : i32
    %scan3A_5 = scf.for %scan3A_49 = %scan3A_1 to %scan3A_3 step %scan3A_4 iter_args(%scan3A_50 = %scan3A) -> (i32)  : i32 {
      %broadcast_in_dim3A = arith.constant 1.000000e+00 : f32
      %broadcast_in_dim3A_51 = vector.broadcast %broadcast_in_dim3A : f32 to vector<16xf32>
      %swap3A = arith.index_cast %scan3A_49 : i32 to index
      %swap3A_52 = arith.constant 0 : index
      %swap3A_53 = tpu.vector_load %arg5[%swap3A, %swap3A_52] {strides = array<i32>} : memref<128x128xf32, #tpu.memory_space<vmem>>, vector<1x16xf32>,
      %swap3A_54 = vector.shape_cast %swap3A_53 : vector<1x16xf32> to vector<16xf32>
      %swap3A_55 = vector.shape_cast %broadcast_in_dim3A_51 : vector<16xf32> to vector<1x16xf32>
      tpu.vector_store %arg5[%swap3A, %swap3A_52], %swap3A_55 {strides = array<i32>} : memref<128x128xf32, #tpu.memory_space<vmem>>, vector<1x16xf32>,
      %broadcast_in_dim3A_56 = arith.constant 1.000000e+00 : f32
      %broadcast_in_dim3A_57 = vector.broadcast %broadcast_in_dim3A_56 : f32 to vector<16xf32>
      %swap3A_58 = arith.index_cast %scan3A_49 : i32 to index
      %swap3A_59 = arith.constant 16 : index
      %swap3A_60 = tpu.vector_load %arg5[%swap3A_58, %swap3A_59] {strides = array<i32>} : memref<128x128xf32, #tpu.memory_space<vmem>>, vector<1x16xf32>,
      %swap3A_61 = vector.shape_cast %swap3A_60 : vector<1x16xf32> to vector<16xf32>
      %swap3A_62 = vector.shape_cast %broadcast_in_dim3A_57 : vector<16xf32> to vector<1x16xf32>
      tpu.vector_store %arg5[%swap3A_58, %swap3A_59], %swap3A_62 {strides = array<i32>} : memref<128x128xf32, #tpu.memory_space<vmem>>, vector<1x16xf32>,
      %broadcast_in_dim3A_63 = arith.constant 1.000000e+00 : f32
      %broadcast_in_dim3A_64 = vector.broadcast %broadcast_in_dim3A_63 : f32 to vector<16xf32>
      %swap3A_65 = arith.index_cast %scan3A_49 : i32 to index
      %swap3A_66 = arith.constant 32 : index
      %swap3A_67 = tpu.vector_load %arg5[%swap3A_65, %swap3A_66] {strides = array<i32>} : memref<128x128xf32, #tpu.memory_space<vmem>>, vector<1x16xf32>,
      %swap3A_68 = vector.shape_cast %swap3A_67 : vector<1x16xf32> to vector<16xf32>
      %swap3A_69 = vector.shape_cast %broadcast_in_dim3A_64 : vector<16xf32> to vector<1x16xf32>
      tpu.vector_store %arg5[%swap3A_65, %swap3A_66], %swap3A_69 {strides = array<i32>} : memref<128x128xf32, #tpu.memory_space<vmem>>, vector<1x16xf32>,
      %broadcast_in_dim3A_70 = arith.constant 1.000000e+00 : f32
      %broadcast_in_dim3A_71 = vector.broadcast %broadcast_in_dim3A_70 : f32 to vector<16xf32>
      %swap3A_72 = arith.index_cast %scan3A_49 : i32 to index
      %swap3A_73 = arith.constant 48 : index
      %swap3A_74 = tpu.vector_load %arg5[%swap3A_72, %swap3A_73] {strides = array<i32>} : memref<128x128xf32, #tpu.memory_space<vmem>>, vector<1x16xf32>,
      %swap3A_75 = vector.shape_cast %swap3A_74 : vector<1x16xf32> to vector<16xf32>
      %swap3A_76 = vector.shape_cast %broadcast_in_dim3A_71 : vector<16xf32> to vector<1x16xf32>
      tpu.vector_store %arg5[%swap3A_72, %swap3A_73], %swap3A_76 {strides = array<i32>} : memref<128x128xf32, #tpu.memory_space<vmem>>, vector<1x16xf32>,
      %broadcast_in_dim3A_77 = arith.constant 1.000000e+00 : f32
      %broadcast_in_dim3A_78 = vector.broadcast %broadcast_in_dim3A_77 : f32 to vector<16xf32>
      %swap3A_79 = arith.index_cast %scan3A_49 : i32 to index
      %swap3A_80 = arith.constant 64 : index
      %swap3A_81 = tpu.vector_load %arg5[%swap3A_79, %swap3A_80] {strides = array<i32>} : memref<128x128xf32, #tpu.memory_space<vmem>>, vector<1x16xf32>,
      %swap3A_82 = vector.shape_cast %swap3A_81 : vector<1x16xf32> to vector<16xf32>
      %swap3A_83 = vector.shape_cast %broadcast_in_dim3A_78 : vector<16xf32> to vector<1x16xf32>
      tpu.vector_store %arg5[%swap3A_79, %swap3A_80], %swap3A_83 {strides = array<i32>} : memref<128x128xf32, #tpu.memory_space<vmem>>, vector<1x16xf32>,
      %broadcast_in_dim3A_84 = arith.constant 1.000000e+00 : f32
      %broadcast_in_dim3A_85 = vector.broadcast %broadcast_in_dim3A_84 : f32 to vector<16xf32>
      %swap3A_86 = arith.index_cast %scan3A_49 : i32 to index
      %swap3A_87 = arith.constant 80 : index
      %swap3A_88 = tpu.vector_load %arg5[%swap3A_86, %swap3A_87] {strides = array<i32>} : memref<128x128xf32, #tpu.memory_space<vmem>>, vector<1x16xf32>,
      %swap3A_89 = vector.shape_cast %swap3A_88 : vector<1x16xf32> to vector<16xf32>
      %swap3A_90 = vector.shape_cast %broadcast_in_dim3A_85 : vector<16xf32> to vector<1x16xf32>
      tpu.vector_store %arg5[%swap3A_86, %swap3A_87], %swap3A_90 {strides = array<i32>} : memref<128x128xf32, #tpu.memory_space<vmem>>, vector<1x16xf32>,
      %broadcast_in_dim3A_91 = arith.constant 1.000000e+00 : f32
      %broadcast_in_dim3A_92 = vector.broadcast %broadcast_in_dim3A_91 : f32 to vector<16xf32>
      %swap3A_93 = arith.index_cast %scan3A_49 : i32 to index
      %swap3A_94 = arith.constant 96 : index
      %swap3A_95 = tpu.vector_load %arg5[%swap3A_93, %swap3A_94] {strides = array<i32>} : memref<128x128xf32, #tpu.memory_space<vmem>>, vector<1x16xf32>,
      %swap3A_96 = vector.shape_cast %swap3A_95 : vector<1x16xf32> to vector<16xf32>
      %swap3A_97 = vector.shape_cast %broadcast_in_dim3A_92 : vector<16xf32> to vector<1x16xf32>
      tpu.vector_store %arg5[%swap3A_93, %swap3A_94], %swap3A_97 {strides = array<i32>} : memref<128x128xf32, #tpu.memory_space<vmem>>, vector<1x16xf32>,
      %broadcast_in_dim3A_98 = arith.constant 1.000000e+00 : f32
      %broadcast_in_dim3A_99 = vector.broadcast %broadcast_in_dim3A_98 : f32 to vector<16xf32>
      %swap3A_100 = arith.index_cast %scan3A_49 : i32 to index
      %swap3A_101 = arith.constant 112 : index
      %swap3A_102 = tpu.vector_load %arg5[%swap3A_100, %swap3A_101] {strides = array<i32>} : memref<128x128xf32, #tpu.memory_space<vmem>>, vector<1x16xf32>,
      %swap3A_103 = vector.shape_cast %swap3A_102 : vector<1x16xf32> to vector<16xf32>
      %swap3A_104 = vector.shape_cast %broadcast_in_dim3A_99 : vector<16xf32> to vector<1x16xf32>
      tpu.vector_store %arg5[%swap3A_100, %swap3A_101], %swap3A_104 {strides = array<i32>} : memref<128x128xf32, #tpu.memory_space<vmem>>, vector<1x16xf32>,
      %scan3A_105 = arith.constant 0 : i32
      scf.yield %scan3A_105 : i32
    }
    %scan3A_6 = arith.constant 128 : i32
    %scan3A_7 = arith.constant 0 : i32
    %scan3A_8 = arith.constant 0 : i32
    %scan3A_9 = arith.constant 128 : i32
    %scan3A_10 = arith.addi %scan3A_8, %scan3A_9 : i32
    %scan3A_11 = arith.constant 1 : i32
    %scan3A_12 = scf.for %scan3A_49 = %scan3A_8 to %scan3A_10 step %scan3A_11 iter_args(%scan3A_50 = %scan3A_7) -> (i32)  : i32 {
      %broadcast_in_dim3A = arith.constant 0.000000e+00 : f32
      %broadcast_in_dim3A_51 = vector.broadcast %broadcast_in_dim3A : f32 to vector<16xf32>
      %swap3A = arith.index_cast %scan3A_49 : i32 to index
      %swap3A_52 = arith.constant 0 : index
      %swap3A_53 = tpu.vector_load %arg6[%swap3A, %swap3A_52] {strides = array<i32>} : memref<128x128xf32, #tpu.memory_space<vmem>>, vector<1x16xf32>,
      %swap3A_54 = vector.shape_cast %swap3A_53 : vector<1x16xf32> to vector<16xf32>
      %swap3A_55 = vector.shape_cast %broadcast_in_dim3A_51 : vector<16xf32> to vector<1x16xf32>
      tpu.vector_store %arg6[%swap3A, %swap3A_52], %swap3A_55 {strides = array<i32>} : memref<128x128xf32, #tpu.memory_space<vmem>>, vector<1x16xf32>,
      %broadcast_in_dim3A_56 = arith.constant 0.000000e+00 : f32
      %broadcast_in_dim3A_57 = vector.broadcast %broadcast_in_dim3A_56 : f32 to vector<16xf32>
      %swap3A_58 = arith.index_cast %scan3A_49 : i32 to index
      %swap3A_59 = arith.constant 16 : index
      %swap3A_60 = tpu.vector_load %arg6[%swap3A_58, %swap3A_59] {strides = array<i32>} : memref<128x128xf32, #tpu.memory_space<vmem>>, vector<1x16xf32>,
      %swap3A_61 = vector.shape_cast %swap3A_60 : vector<1x16xf32> to vector<16xf32>
      %swap3A_62 = vector.shape_cast %broadcast_in_dim3A_57 : vector<16xf32> to vector<1x16xf32>
      tpu.vector_store %arg6[%swap3A_58, %swap3A_59], %swap3A_62 {strides = array<i32>} : memref<128x128xf32, #tpu.memory_space<vmem>>, vector<1x16xf32>,
      %broadcast_in_dim3A_63 = arith.constant 0.000000e+00 : f32
      %broadcast_in_dim3A_64 = vector.broadcast %broadcast_in_dim3A_63 : f32 to vector<16xf32>
      %swap3A_65 = arith.index_cast %scan3A_49 : i32 to index
      %swap3A_66 = arith.constant 32 : index
      %swap3A_67 = tpu.vector_load %arg6[%swap3A_65, %swap3A_66] {strides = array<i32>} : memref<128x128xf32, #tpu.memory_space<vmem>>, vector<1x16xf32>,
      %swap3A_68 = vector.shape_cast %swap3A_67 : vector<1x16xf32> to vector<16xf32>
      %swap3A_69 = vector.shape_cast %broadcast_in_dim3A_64 : vector<16xf32> to vector<1x16xf32>
      tpu.vector_store %arg6[%swap3A_65, %swap3A_66], %swap3A_69 {strides = array<i32>} : memref<128x128xf32, #tpu.memory_space<vmem>>, vector<1x16xf32>,
      %broadcast_in_dim3A_70 = arith.constant 0.000000e+00 : f32
      %broadcast_in_dim3A_71 = vector.broadcast %broadcast_in_dim3A_70 : f32 to vector<16xf32>
      %swap3A_72 = arith.index_cast %scan3A_49 : i32 to index
      %swap3A_73 = arith.constant 48 : index
      %swap3A_74 = tpu.vector_load %arg6[%swap3A_72, %swap3A_73] {strides = array<i32>} : memref<128x128xf32, #tpu.memory_space<vmem>>, vector<1x16xf32>,
      %swap3A_75 = vector.shape_cast %swap3A_74 : vector<1x16xf32> to vector<16xf32>
      %swap3A_76 = vector.shape_cast %broadcast_in_dim3A_71 : vector<16xf32> to vector<1x16xf32>
      tpu.vector_store %arg6[%swap3A_72, %swap3A_73], %swap3A_76 {strides = array<i32>} : memref<128x128xf32, #tpu.memory_space<vmem>>, vector<1x16xf32>,
      %broadcast_in_dim3A_77 = arith.constant 0.000000e+00 : f32
      %broadcast_in_dim3A_78 = vector.broadcast %broadcast_in_dim3A_77 : f32 to vector<16xf32>
      %swap3A_79 = arith.index_cast %scan3A_49 : i32 to index
      %swap3A_80 = arith.constant 64 : index
      %swap3A_81 = tpu.vector_load %arg6[%swap3A_79, %swap3A_80] {strides = array<i32>} : memref<128x128xf32, #tpu.memory_space<vmem>>, vector<1x16xf32>,
      %swap3A_82 = vector.shape_cast %swap3A_81 : vector<1x16xf32> to vector<16xf32>
      %swap3A_83 = vector.shape_cast %broadcast_in_dim3A_78 : vector<16xf32> to vector<1x16xf32>
      tpu.vector_store %arg6[%swap3A_79, %swap3A_80], %swap3A_83 {strides = array<i32>} : memref<128x128xf32, #tpu.memory_space<vmem>>, vector<1x16xf32>,
      %broadcast_in_dim3A_84 = arith.constant 0.000000e+00 : f32
      %broadcast_in_dim3A_85 = vector.broadcast %broadcast_in_dim3A_84 : f32 to vector<16xf32>
      %swap3A_86 = arith.index_cast %scan3A_49 : i32 to index
      %swap3A_87 = arith.constant 80 : index
      %swap3A_88 = tpu.vector_load %arg6[%swap3A_86, %swap3A_87] {strides = array<i32>} : memref<128x128xf32, #tpu.memory_space<vmem>>, vector<1x16xf32>,
      %swap3A_89 = vector.shape_cast %swap3A_88 : vector<1x16xf32> to vector<16xf32>
      %swap3A_90 = vector.shape_cast %broadcast_in_dim3A_85 : vector<16xf32> to vector<1x16xf32>
      tpu.vector_store %arg6[%swap3A_86, %swap3A_87], %swap3A_90 {strides = array<i32>} : memref<128x128xf32, #tpu.memory_space<vmem>>, vector<1x16xf32>,
      %broadcast_in_dim3A_91 = arith.constant 0.000000e+00 : f32
      %broadcast_in_dim3A_92 = vector.broadcast %broadcast_in_dim3A_91 : f32 to vector<16xf32>
      %swap3A_93 = arith.index_cast %scan3A_49 : i32 to index
      %swap3A_94 = arith.constant 96 : index
      %swap3A_95 = tpu.vector_load %arg6[%swap3A_93, %swap3A_94] {strides = array<i32>} : memref<128x128xf32, #tpu.memory_space<vmem>>, vector<1x16xf32>,
      %swap3A_96 = vector.shape_cast %swap3A_95 : vector<1x16xf32> to vector<16xf32>
      %swap3A_97 = vector.shape_cast %broadcast_in_dim3A_92 : vector<16xf32> to vector<1x16xf32>
      tpu.vector_store %arg6[%swap3A_93, %swap3A_94], %swap3A_97 {strides = array<i32>} : memref<128x128xf32, #tpu.memory_space<vmem>>, vector<1x16xf32>,
      %broadcast_in_dim3A_98 = arith.constant 0.000000e+00 : f32
      %broadcast_in_dim3A_99 = vector.broadcast %broadcast_in_dim3A_98 : f32 to vector<16xf32>
      %swap3A_100 = arith.index_cast %scan3A_49 : i32 to index
      %swap3A_101 = arith.constant 112 : index
      %swap3A_102 = tpu.vector_load %arg6[%swap3A_100, %swap3A_101] {strides = array<i32>} : memref<128x128xf32, #tpu.memory_space<vmem>>, vector<1x16xf32>,
      %swap3A_103 = vector.shape_cast %swap3A_102 : vector<1x16xf32> to vector<16xf32>
      %swap3A_104 = vector.shape_cast %broadcast_in_dim3A_99 : vector<16xf32> to vector<1x16xf32>
      tpu.vector_store %arg6[%swap3A_100, %swap3A_101], %swap3A_104 {strides = array<i32>} : memref<128x128xf32, #tpu.memory_space<vmem>>, vector<1x16xf32>,
      %scan3A_105 = arith.constant 0 : i32
      scf.yield %scan3A_105 : i32
    }
    %scan3A_13 = arith.constant 128 : i32
    %mul3A_14 = arith.constant 632 : i32
    %mul3A_15 = arith.muli %arg1, %mul3A_14 : i32
    %add3A_16 = arith.constant 0 : i32
    %add3A_17 = arith.addi %mul3A_15, %add3A_16 : i32
    "tpu.region"() ({
      %run_scoped3A = tpu.sem_alloc : memref<!tpu.dma_semaphore, #tpu.memory_space<semaphore_mem>>
      %dma_start3A = arith.constant 0 : i32
      %dma_start3A_49 = arith.constant 0 : i32
      %dma_start3A_50 = tpu.memref_slice %arg6[%dma_start3A, %dma_start3A_49] : memref<128x128xf32, #tpu.memory_space<vmem>> -> memref<128x128xf32, #tpu.memory_space<vmem>>
      %dma_start3A_51 = arith.constant 0 : i32
      %dma_start3A_52 = tpu.memref_slice %arg7[%add3A_17, %dma_start3A_51] : memref<10112x128xf32, #tpu.memory_space<vmem_shared>> -> memref<128x128xf32, #tpu.memory_space<vmem_shared>>
      %dma_start3A_53 = arith.constant 0 : i32
      %dma_start3A_54 = tpu.memref_slice %arg7[%add3A_17, %dma_start3A_53] : memref<10112x128xf32, #tpu.memory_space<vmem_shared>> -> memref<128x128xf32, #tpu.memory_space<vmem_shared>>
      %dma_start3A_55 = arith.constant 0 : i32
      %dma_start3A_56 = arith.constant 0 : i32
      %dma_start3A_57 = tpu.memref_slice %arg6[%dma_start3A_55, %dma_start3A_56] : memref<128x128xf32, #tpu.memory_space<vmem>> -> memref<128x128xf32, #tpu.memory_space<vmem>>
      tpu.enqueue_dma source(%dma_start3A_57 : memref<128x128xf32, #tpu.memory_space<vmem>>) target(%dma_start3A_54 : memref<128x128xf32, #tpu.memory_space<vmem_shared>>) target_semaphore(%run_scoped3A : memref<!tpu.dma_semaphore, #tpu.memory_space<semaphore_mem>>)
      %dma_wait3A = arith.constant 0 : i32
      %dma_wait3A_58 = arith.constant 0 : i32
      %dma_wait3A_59 = tpu.memref_slice %arg6[%dma_wait3A, %dma_wait3A_58] : memref<128x128xf32, #tpu.memory_space<vmem>> -> memref<128x128xf32, #tpu.memory_space<vmem>>
      %dma_wait3A_60 = arith.constant 0 : i32
      %dma_wait3A_61 = tpu.memref_slice %arg7[%add3A_17, %dma_wait3A_60] : memref<10112x128xf32, #tpu.memory_space<vmem_shared>> -> memref<128x128xf32, #tpu.memory_space<vmem_shared>>
      %dma_wait3A_62 = arith.constant 0 : i32
      %dma_wait3A_63 = tpu.memref_slice %arg7[%add3A_17, %dma_wait3A_62] : memref<10112x128xf32, #tpu.memory_space<vmem_shared>> -> memref<128x128xf32, #tpu.memory_space<vmem_shared>>
      %dma_wait3A_64 = arith.constant 0 : i32
      %dma_wait3A_65 = arith.constant 0 : i32
      %dma_wait3A_66 = tpu.memref_slice %arg6[%dma_wait3A_64, %dma_wait3A_65] : memref<128x128xf32, #tpu.memory_space<vmem>> -> memref<128x128xf32, #tpu.memory_space<vmem>>
      tpu.wait_dma2 semaphore(%run_scoped3A : memref<!tpu.dma_semaphore, #tpu.memory_space<semaphore_mem>>) src(%dma_wait3A_66 : memref<128x128xf32, #tpu.memory_space<vmem>>) dst(%dma_wait3A_63 : memref<128x128xf32, #tpu.memory_space<vmem_shared>>)
      tpu.yield
    }) : () -> ()
    %mul3A_18 = arith.constant 632 : i32
    %mul3A_19 = arith.muli %arg1, %mul3A_18 : i32
    %add3A_20 = arith.constant 128 : i32
    %add3A_21 = arith.addi %mul3A_19, %add3A_20 : i32
    "tpu.region"() ({
      %run_scoped3A = tpu.sem_alloc : memref<!tpu.dma_semaphore, #tpu.memory_space<semaphore_mem>>
      %dma_start3A = arith.constant 0 : i32
      %dma_start3A_49 = arith.constant 0 : i32
      %dma_start3A_50 = tpu.memref_slice %arg6[%dma_start3A, %dma_start3A_49] : memref<128x128xf32, #tpu.memory_space<vmem>> -> memref<128x128xf32, #tpu.memory_space<vmem>>
      %dma_start3A_51 = arith.constant 0 : i32
      %dma_start3A_52 = tpu.memref_slice %arg7[%add3A_21, %dma_start3A_51] : memref<10112x128xf32, #tpu.memory_space<vmem_shared>> -> memref<128x128xf32, #tpu.memory_space<vmem_shared>>
      %dma_start3A_53 = arith.constant 0 : i32
      %dma_start3A_54 = tpu.memref_slice %arg7[%add3A_21, %dma_start3A_53] : memref<10112x128xf32, #tpu.memory_space<vmem_shared>> -> memref<128x128xf32, #tpu.memory_space<vmem_shared>>
      %dma_start3A_55 = arith.constant 0 : i32
      %dma_start3A_56 = arith.constant 0 : i32
      %dma_start3A_57 = tpu.memref_slice %arg6[%dma_start3A_55, %dma_start3A_56] : memref<128x128xf32, #tpu.memory_space<vmem>> -> memref<128x128xf32, #tpu.memory_space<vmem>>
      tpu.enqueue_dma source(%dma_start3A_57 : memref<128x128xf32, #tpu.memory_space<vmem>>) target(%dma_start3A_54 : memref<128x128xf32, #tpu.memory_space<vmem_shared>>) target_semaphore(%run_scoped3A : memref<!tpu.dma_semaphore, #tpu.memory_space<semaphore_mem>>)
      %dma_wait3A = arith.constant 0 : i32
      %dma_wait3A_58 = arith.constant 0 : i32
      %dma_wait3A_59 = tpu.memref_slice %arg6[%dma_wait3A, %dma_wait3A_58] : memref<128x128xf32, #tpu.memory_space<vmem>> -> memref<128x128xf32, #tpu.memory_space<vmem>>
      %dma_wait3A_60 = arith.constant 0 : i32
      %dma_wait3A_61 = tpu.memref_slice %arg7[%add3A_21, %dma_wait3A_60] : memref<10112x128xf32, #tpu.memory_space<vmem_shared>> -> memref<128x128xf32, #tpu.memory_space<vmem_shared>>
      %dma_wait3A_62 = arith.constant 0 : i32
      %dma_wait3A_63 = tpu.memref_slice %arg7[%add3A_21, %dma_wait3A_62] : memref<10112x128xf32, #tpu.memory_space<vmem_shared>> -> memref<128x128xf32, #tpu.memory_space<vmem_shared>>
      %dma_wait3A_64 = arith.constant 0 : i32
      %dma_wait3A_65 = arith.constant 0 : i32
      %dma_wait3A_66 = tpu.memref_slice %arg6[%dma_wait3A_64, %dma_wait3A_65] : memref<128x128xf32, #tpu.memory_space<vmem>> -> memref<128x128xf32, #tpu.memory_space<vmem>>
      tpu.wait_dma2 semaphore(%run_scoped3A : memref<!tpu.dma_semaphore, #tpu.memory_space<semaphore_mem>>) src(%dma_wait3A_66 : memref<128x128xf32, #tpu.memory_space<vmem>>) dst(%dma_wait3A_63 : memref<128x128xf32, #tpu.memory_space<vmem_shared>>)
      tpu.yield
    }) : () -> ()
    %mul3A_22 = arith.constant 632 : i32
    %mul3A_23 = arith.muli %arg1, %mul3A_22 : i32
    %add3A_24 = arith.constant 256 : i32
    %add3A_25 = arith.addi %mul3A_23, %add3A_24 : i32
    "tpu.region"() ({
      %run_scoped3A = tpu.sem_alloc : memref<!tpu.dma_semaphore, #tpu.memory_space<semaphore_mem>>
      %dma_start3A = arith.constant 0 : i32
      %dma_start3A_49 = arith.constant 0 : i32
      %dma_start3A_50 = tpu.memref_slice %arg6[%dma_start3A, %dma_start3A_49] : memref<128x128xf32, #tpu.memory_space<vmem>> -> memref<128x128xf32, #tpu.memory_space<vmem>>
      %dma_start3A_51 = arith.constant 0 : i32
      %dma_start3A_52 = tpu.memref_slice %arg7[%add3A_25, %dma_start3A_51] : memref<10112x128xf32, #tpu.memory_space<vmem_shared>> -> memref<128x128xf32, #tpu.memory_space<vmem_shared>>
      %dma_start3A_53 = arith.constant 0 : i32
      %dma_start3A_54 = tpu.memref_slice %arg7[%add3A_25, %dma_start3A_53] : memref<10112x128xf32, #tpu.memory_space<vmem_shared>> -> memref<128x128xf32, #tpu.memory_space<vmem_shared>>
      %dma_start3A_55 = arith.constant 0 : i32
      %dma_start3A_56 = arith.constant 0 : i32
      %dma_start3A_57 = tpu.memref_slice %arg6[%dma_start3A_55, %dma_start3A_56] : memref<128x128xf32, #tpu.memory_space<vmem>> -> memref<128x128xf32, #tpu.memory_space<vmem>>
      tpu.enqueue_dma source(%dma_start3A_57 : memref<128x128xf32, #tpu.memory_space<vmem>>) target(%dma_start3A_54 : memref<128x128xf32, #tpu.memory_space<vmem_shared>>) target_semaphore(%run_scoped3A : memref<!tpu.dma_semaphore, #tpu.memory_space<semaphore_mem>>)
      %dma_wait3A = arith.constant 0 : i32
      %dma_wait3A_58 = arith.constant 0 : i32
      %dma_wait3A_59 = tpu.memref_slice %arg6[%dma_wait3A, %dma_wait3A_58] : memref<128x128xf32, #tpu.memory_space<vmem>> -> memref<128x128xf32, #tpu.memory_space<vmem>>
      %dma_wait3A_60 = arith.constant 0 : i32
      %dma_wait3A_61 = tpu.memref_slice %arg7[%add3A_25, %dma_wait3A_60] : memref<10112x128xf32, #tpu.memory_space<vmem_shared>> -> memref<128x128xf32, #tpu.memory_space<vmem_shared>>
      %dma_wait3A_62 = arith.constant 0 : i32
      %dma_wait3A_63 = tpu.memref_slice %arg7[%add3A_25, %dma_wait3A_62] : memref<10112x128xf32, #tpu.memory_space<vmem_shared>> -> memref<128x128xf32, #tpu.memory_space<vmem_shared>>
      %dma_wait3A_64 = arith.constant 0 : i32
      %dma_wait3A_65 = arith.constant 0 : i32
      %dma_wait3A_66 = tpu.memref_slice %arg6[%dma_wait3A_64, %dma_wait3A_65] : memref<128x128xf32, #tpu.memory_space<vmem>> -> memref<128x128xf32, #tpu.memory_space<vmem>>
      tpu.wait_dma2 semaphore(%run_scoped3A : memref<!tpu.dma_semaphore, #tpu.memory_space<semaphore_mem>>) src(%dma_wait3A_66 : memref<128x128xf32, #tpu.memory_space<vmem>>) dst(%dma_wait3A_63 : memref<128x128xf32, #tpu.memory_space<vmem_shared>>)
      tpu.yield
    }) : () -> ()
    %mul3A_26 = arith.constant 632 : i32
    %mul3A_27 = arith.muli %arg1, %mul3A_26 : i32
    %add3A_28 = arith.constant 384 : i32
    %add3A_29 = arith.addi %mul3A_27, %add3A_28 : i32
    "tpu.region"() ({
      %run_scoped3A = tpu.sem_alloc : memref<!tpu.dma_semaphore, #tpu.memory_space<semaphore_mem>>
      %dma_start3A = arith.constant 0 : i32
      %dma_start3A_49 = arith.constant 0 : i32
      %dma_start3A_50 = tpu.memref_slice %arg6[%dma_start3A, %dma_start3A_49] : memref<128x128xf32, #tpu.memory_space<vmem>> -> memref<128x128xf32, #tpu.memory_space<vmem>>
      %dma_start3A_51 = arith.constant 0 : i32
      %dma_start3A_52 = tpu.memref_slice %arg7[%add3A_29, %dma_start3A_51] : memref<10112x128xf32, #tpu.memory_space<vmem_shared>> -> memref<128x128xf32, #tpu.memory_space<vmem_shared>>
      %dma_start3A_53 = arith.constant 0 : i32
      %dma_start3A_54 = tpu.memref_slice %arg7[%add3A_29, %dma_start3A_53] : memref<10112x128xf32, #tpu.memory_space<vmem_shared>> -> memref<128x128xf32, #tpu.memory_space<vmem_shared>>
      %dma_start3A_55 = arith.constant 0 : i32
      %dma_start3A_56 = arith.constant 0 : i32
      %dma_start3A_57 = tpu.memref_slice %arg6[%dma_start3A_55, %dma_start3A_56] : memref<128x128xf32, #tpu.memory_space<vmem>> -> memref<128x128xf32, #tpu.memory_space<vmem>>
      tpu.enqueue_dma source(%dma_start3A_57 : memref<128x128xf32, #tpu.memory_space<vmem>>) target(%dma_start3A_54 : memref<128x128xf32, #tpu.memory_space<vmem_shared>>) target_semaphore(%run_scoped3A : memref<!tpu.dma_semaphore, #tpu.memory_space<semaphore_mem>>)
      %dma_wait3A = arith.constant 0 : i32
      %dma_wait3A_58 = arith.constant 0 : i32
      %dma_wait3A_59 = tpu.memref_slice %arg6[%dma_wait3A, %dma_wait3A_58] : memref<128x128xf32, #tpu.memory_space<vmem>> -> memref<128x128xf32, #tpu.memory_space<vmem>>
      %dma_wait3A_60 = arith.constant 0 : i32
      %dma_wait3A_61 = tpu.memref_slice %arg7[%add3A_29, %dma_wait3A_60] : memref<10112x128xf32, #tpu.memory_space<vmem_shared>> -> memref<128x128xf32, #tpu.memory_space<vmem_shared>>
      %dma_wait3A_62 = arith.constant 0 : i32
      %dma_wait3A_63 = tpu.memref_slice %arg7[%add3A_29, %dma_wait3A_62] : memref<10112x128xf32, #tpu.memory_space<vmem_shared>> -> memref<128x128xf32, #tpu.memory_space<vmem_shared>>
      %dma_wait3A_64 = arith.constant 0 : i32
      %dma_wait3A_65 = arith.constant 0 : i32
      %dma_wait3A_66 = tpu.memref_slice %arg6[%dma_wait3A_64, %dma_wait3A_65] : memref<128x128xf32, #tpu.memory_space<vmem>> -> memref<128x128xf32, #tpu.memory_space<vmem>>
      tpu.wait_dma2 semaphore(%run_scoped3A : memref<!tpu.dma_semaphore, #tpu.memory_space<semaphore_mem>>) src(%dma_wait3A_66 : memref<128x128xf32, #tpu.memory_space<vmem>>) dst(%dma_wait3A_63 : memref<128x128xf32, #tpu.memory_space<vmem_shared>>)
      tpu.yield
    }) : () -> ()
    %mul3A_30 = arith.constant 632 : i32
    %mul3A_31 = arith.muli %arg1, %mul3A_30 : i32
    %add3A_32 = arith.constant 512 : i32
    %add3A_33 = arith.addi %mul3A_31, %add3A_32 : i32
    "tpu.region"() ({
      %run_scoped3A = tpu.sem_alloc : memref<!tpu.dma_semaphore, #tpu.memory_space<semaphore_mem>>
      %dma_start3A = arith.constant 0 : i32
      %dma_start3A_49 = arith.constant 0 : i32
      %dma_start3A_50 = tpu.memref_slice %arg6[%dma_start3A, %dma_start3A_49] : memref<128x128xf32, #tpu.memory_space<vmem>> -> memref<120x128xf32, #tpu.memory_space<vmem>>
      %dma_start3A_51 = arith.constant 0 : i32
      %dma_start3A_52 = tpu.memref_slice %arg7[%add3A_33, %dma_start3A_51] : memref<10112x128xf32, #tpu.memory_space<vmem_shared>> -> memref<120x128xf32, #tpu.memory_space<vmem_shared>>
      %dma_start3A_53 = arith.constant 0 : i32
      %dma_start3A_54 = tpu.memref_slice %arg7[%add3A_33, %dma_start3A_53] : memref<10112x128xf32, #tpu.memory_space<vmem_shared>> -> memref<120x128xf32, #tpu.memory_space<vmem_shared>>
      %dma_start3A_55 = arith.constant 0 : i32
      %dma_start3A_56 = arith.constant 0 : i32
      %dma_start3A_57 = tpu.memref_slice %arg6[%dma_start3A_55, %dma_start3A_56] : memref<128x128xf32, #tpu.memory_space<vmem>> -> memref<120x128xf32, #tpu.memory_space<vmem>>
      tpu.enqueue_dma source(%dma_start3A_57 : memref<120x128xf32, #tpu.memory_space<vmem>>) target(%dma_start3A_54 : memref<120x128xf32, #tpu.memory_space<vmem_shared>>) target_semaphore(%run_scoped3A : memref<!tpu.dma_semaphore, #tpu.memory_space<semaphore_mem>>)
      %dma_wait3A = arith.constant 0 : i32
      %dma_wait3A_58 = arith.constant 0 : i32
      %dma_wait3A_59 = tpu.memref_slice %arg6[%dma_wait3A, %dma_wait3A_58] : memref<128x128xf32, #tpu.memory_space<vmem>> -> memref<120x128xf32, #tpu.memory_space<vmem>>
      %dma_wait3A_60 = arith.constant 0 : i32
      %dma_wait3A_61 = tpu.memref_slice %arg7[%add3A_33, %dma_wait3A_60] : memref<10112x128xf32, #tpu.memory_space<vmem_shared>> -> memref<120x128xf32, #tpu.memory_space<vmem_shared>>
      %dma_wait3A_62 = arith.constant 0 : i32
      %dma_wait3A_63 = tpu.memref_slice %arg7[%add3A_33, %dma_wait3A_62] : memref<10112x128xf32, #tpu.memory_space<vmem_shared>> -> memref<120x128xf32, #tpu.memory_space<vmem_shared>>
      %dma_wait3A_64 = arith.constant 0 : i32
      %dma_wait3A_65 = arith.constant 0 : i32
      %dma_wait3A_66 = tpu.memref_slice %arg6[%dma_wait3A_64, %dma_wait3A_65] : memref<128x128xf32, #tpu.memory_space<vmem>> -> memref<120x128xf32, #tpu.memory_space<vmem>>
      tpu.wait_dma2 semaphore(%run_scoped3A : memref<!tpu.dma_semaphore, #tpu.memory_space<semaphore_mem>>) src(%dma_wait3A_66 : memref<120x128xf32, #tpu.memory_space<vmem>>) dst(%dma_wait3A_63 : memref<120x128xf32, #tpu.memory_space<vmem_shared>>)
      tpu.yield
    }) : () -> ()
    %barrier3A = arith.constant 0 : index
    tpu.barrier barrier_id(%barrier3A)
    %scan3A_34 = arith.constant 0 : i32
    %scan3A_35 = arith.constant 0 : i32
    %scan3A_36 = arith.constant 82 : i32
    %scan3A_37 = arith.addi %scan3A_35, %scan3A_36 : i32
    %scan3A_38 = arith.constant 1 : i32
    %scan3A_39 = scf.for %scan3A_49 = %scan3A_35 to %scan3A_37 step %scan3A_38 iter_args(%scan3A_50 = %scan3A_34) -> (i32)  : i32 {
      "tpu.region"() ({
        %run_scoped3A = tpu.sem_alloc : memref<!tpu.dma_semaphore, #tpu.memory_space<semaphore_mem>>
        %dma_start3A = arith.constant 0 : i32
        %dma_start3A_52 = tpu.memref_slice %arg4[%scan3A_49, %dma_start3A] : memref<82x128xi32, #tpu.memory_space<vmem>> -> memref<1x128xi32, #tpu.memory_space<vmem>>
        %dma_start3A_53 = tpu.memref_squeeze %dma_start3A_52 : memref<1x128xi32, #tpu.memory_space<vmem>> -> memref<128xi32, #tpu.memory_space<vmem>>
        %dma_start3A_54 = arith.constant 0 : i32
        %dma_start3A_55 = arith.constant 0 : i32
        %dma_start3A_56 = tpu.memref_slice %arg7[%dma_start3A_54, %dma_start3A_55] : memref<10112x128xf32, #tpu.memory_space<vmem_shared>> -> memref<10112x128xf32, #tpu.memory_space<vmem_shared>>
        tpu.enqueue_indirect_dma source(%arg5 : memref<128x128xf32, #tpu.memory_space<vmem>>) target(%dma_start3A_56 : memref<10112x128xf32, #tpu.memory_space<vmem_shared>>) offsets(%dma_start3A_53 : memref<128xi32, #tpu.memory_space<vmem>>) semaphore(%run_scoped3A : memref<!tpu.dma_semaphore, #tpu.memory_space<semaphore_mem>>) {add = true}
        %dma_wait3A = arith.constant 0 : i32
        %dma_wait3A_57 = tpu.memref_slice %arg4[%scan3A_49, %dma_wait3A] : memref<82x128xi32, #tpu.memory_space<vmem>> -> memref<1x128xi32, #tpu.memory_space<vmem>>
        %dma_wait3A_58 = tpu.memref_squeeze %dma_wait3A_57 : memref<1x128xi32, #tpu.memory_space<vmem>> -> memref<128xi32, #tpu.memory_space<vmem>>
        %dma_wait3A_59 = arith.constant 0 : i32
        %dma_wait3A_60 = arith.constant 0 : i32
        %dma_wait3A_61 = tpu.memref_slice %arg7[%dma_wait3A_59, %dma_wait3A_60] : memref<10112x128xf32, #tpu.memory_space<vmem_shared>> -> memref<10112x128xf32, #tpu.memory_space<vmem_shared>>
        tpu.wait_indirect_dma semaphore(%run_scoped3A : memref<!tpu.dma_semaphore, #tpu.memory_space<semaphore_mem>>) src(%arg5 : memref<128x128xf32, #tpu.memory_space<vmem>>) dst(%dma_wait3A_61 : memref<10112x128xf32, #tpu.memory_space<vmem_shared>>)
        tpu.yield
      }) : () -> ()
      %scan3A_51 = arith.constant 0 : i32
      scf.yield %scan3A_51 : i32
    }
    %scan3A_40 = arith.constant 82 : i32
    %barrier3A_41 = arith.constant 0 : index
    tpu.barrier barrier_id(%barrier3A_41)
    %mul3A_42 = arith.constant 632 : i32
    %mul3A_43 = arith.muli %arg1, %mul3A_42 : i32
    %mul3A_44 = arith.constant 10112 : i32
    %mul3A_45 = arith.muli %arg0, %mul3A_44 : i32
    %mul3A_46 = arith.constant 632 : i32
    %mul3A_47 = arith.muli %arg1, %mul3A_46 : i32
    %add3A_48 = arith.addi %mul3A_45, %mul3A_47 : i32
    "tpu.region"() ({
      %run_scoped3A = tpu.sem_alloc : memref<!tpu.dma_semaphore, #tpu.memory_space<semaphore_mem>>
      %dma_start3A = arith.constant 0 : i32
      %dma_start3A_49 = tpu.memref_slice %arg3[%add3A_48, %dma_start3A] : memref<20224x128xf32, #tpu.memory_space<hbm>> -> memref<632x128xf32, #tpu.memory_space<hbm>>
      %dma_start3A_50 = arith.constant 0 : i32
      %dma_start3A_51 = tpu.memref_slice %arg7[%mul3A_43, %dma_start3A_50] : memref<10112x128xf32, #tpu.memory_space<vmem_shared>> -> memref<632x128xf32, #tpu.memory_space<vmem_shared>>
      tpu.enqueue_dma source(%dma_start3A_51 : memref<632x128xf32, #tpu.memory_space<vmem_shared>>) target(%dma_start3A_49 : memref<632x128xf32, #tpu.memory_space<hbm>>) target_semaphore(%run_scoped3A : memref<!tpu.dma_semaphore, #tpu.memory_space<semaphore_mem>>)
      %dma_wait3A = arith.constant 0 : i32
      %dma_wait3A_52 = tpu.memref_slice %arg3[%add3A_48, %dma_wait3A] : memref<20224x128xf32, #tpu.memory_space<hbm>> -> memref<632x128xf32, #tpu.memory_space<hbm>>
      %dma_wait3A_53 = arith.constant 0 : i32
      %dma_wait3A_54 = tpu.memref_slice %arg7[%mul3A_43, %dma_wait3A_53] : memref<10112x128xf32, #tpu.memory_space<vmem_shared>> -> memref<632x128xf32, #tpu.memory_space<vmem_shared>>
      tpu.wait_dma2 semaphore(%run_scoped3A : memref<!tpu.dma_semaphore, #tpu.memory_space<semaphore_mem>>) src(%dma_wait3A_54 : memref<632x128xf32, #tpu.memory_space<vmem_shared>>) dst(%dma_wait3A_52 : memref<632x128xf32, #tpu.memory_space<hbm>>)
      tpu.yield
    }) : () -> ()
    return
  }
}

#map = affine_map<(d0, d1) -> (0, 0)>
#map1 = affine_map<(d0, d1) -> (0, 0, 0)>
module attributes {stable_mosaic.version = 14 : i64} {
  func.func @agg_kernel(%arg0: i32, %arg1: i32, %arg2: memref<10000x128xf32, #tpu.memory_space<hbm>>, %arg3: memref<32x82x128xi32, #tpu.memory_space<hbm>>, %arg4: memref<32x82x128xi32, #tpu.memory_space<hbm>>, %arg5: memref<20224x128xf32, #tpu.memory_space<hbm>>, %arg6: memref<82x128xi32, #tpu.memory_space<vmem>>, %arg7: memref<82x128xi32, #tpu.memory_space<vmem>>, %arg8: memref<128x128xf32, #tpu.memory_space<vmem>>, %arg9: memref<10112x128xf32, #tpu.memory_space<vmem_shared>>, %arg10: memref<!tpu.dma_semaphore, #tpu.memory_space<semaphore_mem>>) attributes {dimension_semantics = [#tpu.dimension_semantics<core_parallel>, #tpu.dimension_semantics<subcore_parallel>], iteration_bounds = array<i64: 2, 16>, scalar_prefetch = 0 : i64, scratch_operands = 5 : i64, tpu.core_type = #tpu.core_type<sc_vector_subcore>, window_params = [{transform_indices = #map}, {transform_indices = #map1}, {transform_indices = #map1}, {transform_indices = #map}]} {
    %mul3A = arith.constant 2 : i32
    %mul3A_0 = arith.muli %arg1, %mul3A : i32
    %add3A = arith.addi %mul3A_0, %arg0 : i32
    "tpu.region"() ({
      %run_scoped3A = tpu.sem_alloc : memref<!tpu.dma_semaphore, #tpu.memory_space<semaphore_mem>>
      %dma_start3A = arith.constant 0 : i32
      %dma_start3A_42 = arith.constant 0 : i32
      %dma_start3A_43 = tpu.memref_slice %arg3[%add3A, %dma_start3A, %dma_start3A_42] : memref<32x82x128xi32, #tpu.memory_space<hbm>> -> memref<1x82x128xi32, #tpu.memory_space<hbm>>
      %dma_start3A_44 = tpu.memref_squeeze %dma_start3A_43 : memref<1x82x128xi32, #tpu.memory_space<hbm>> -> memref<82x128xi32, #tpu.memory_space<hbm>>
      %dma_start3A_45 = arith.constant 0 : i32
      %dma_start3A_46 = arith.constant 0 : i32
      %dma_start3A_47 = tpu.memref_slice %arg3[%add3A, %dma_start3A_45, %dma_start3A_46] : memref<32x82x128xi32, #tpu.memory_space<hbm>> -> memref<1x82x128xi32, #tpu.memory_space<hbm>>
      %dma_start3A_48 = tpu.memref_squeeze %dma_start3A_47 : memref<1x82x128xi32, #tpu.memory_space<hbm>> -> memref<82x128xi32, #tpu.memory_space<hbm>>
      tpu.enqueue_dma source(%dma_start3A_48 : memref<82x128xi32, #tpu.memory_space<hbm>>) target(%arg6 : memref<82x128xi32, #tpu.memory_space<vmem>>) target_semaphore(%run_scoped3A : memref<!tpu.dma_semaphore, #tpu.memory_space<semaphore_mem>>)
      %dma_wait3A = arith.constant 0 : i32
      %dma_wait3A_49 = arith.constant 0 : i32
      %dma_wait3A_50 = tpu.memref_slice %arg3[%add3A, %dma_wait3A, %dma_wait3A_49] : memref<32x82x128xi32, #tpu.memory_space<hbm>> -> memref<1x82x128xi32, #tpu.memory_space<hbm>>
      %dma_wait3A_51 = tpu.memref_squeeze %dma_wait3A_50 : memref<1x82x128xi32, #tpu.memory_space<hbm>> -> memref<82x128xi32, #tpu.memory_space<hbm>>
      %dma_wait3A_52 = arith.constant 0 : i32
      %dma_wait3A_53 = arith.constant 0 : i32
      %dma_wait3A_54 = tpu.memref_slice %arg3[%add3A, %dma_wait3A_52, %dma_wait3A_53] : memref<32x82x128xi32, #tpu.memory_space<hbm>> -> memref<1x82x128xi32, #tpu.memory_space<hbm>>
      %dma_wait3A_55 = tpu.memref_squeeze %dma_wait3A_54 : memref<1x82x128xi32, #tpu.memory_space<hbm>> -> memref<82x128xi32, #tpu.memory_space<hbm>>
      tpu.wait_dma2 semaphore(%run_scoped3A : memref<!tpu.dma_semaphore, #tpu.memory_space<semaphore_mem>>) src(%dma_wait3A_55 : memref<82x128xi32, #tpu.memory_space<hbm>>) dst(%arg6 : memref<82x128xi32, #tpu.memory_space<vmem>>)
      tpu.yield
    }) : () -> ()
    "tpu.region"() ({
      %run_scoped3A = tpu.sem_alloc : memref<!tpu.dma_semaphore, #tpu.memory_space<semaphore_mem>>
      %dma_start3A = arith.constant 0 : i32
      %dma_start3A_42 = arith.constant 0 : i32
      %dma_start3A_43 = tpu.memref_slice %arg4[%add3A, %dma_start3A, %dma_start3A_42] : memref<32x82x128xi32, #tpu.memory_space<hbm>> -> memref<1x82x128xi32, #tpu.memory_space<hbm>>
      %dma_start3A_44 = tpu.memref_squeeze %dma_start3A_43 : memref<1x82x128xi32, #tpu.memory_space<hbm>> -> memref<82x128xi32, #tpu.memory_space<hbm>>
      %dma_start3A_45 = arith.constant 0 : i32
      %dma_start3A_46 = arith.constant 0 : i32
      %dma_start3A_47 = tpu.memref_slice %arg4[%add3A, %dma_start3A_45, %dma_start3A_46] : memref<32x82x128xi32, #tpu.memory_space<hbm>> -> memref<1x82x128xi32, #tpu.memory_space<hbm>>
      %dma_start3A_48 = tpu.memref_squeeze %dma_start3A_47 : memref<1x82x128xi32, #tpu.memory_space<hbm>> -> memref<82x128xi32, #tpu.memory_space<hbm>>
      tpu.enqueue_dma source(%dma_start3A_48 : memref<82x128xi32, #tpu.memory_space<hbm>>) target(%arg7 : memref<82x128xi32, #tpu.memory_space<vmem>>) target_semaphore(%run_scoped3A : memref<!tpu.dma_semaphore, #tpu.memory_space<semaphore_mem>>)
      %dma_wait3A = arith.constant 0 : i32
      %dma_wait3A_49 = arith.constant 0 : i32
      %dma_wait3A_50 = tpu.memref_slice %arg4[%add3A, %dma_wait3A, %dma_wait3A_49] : memref<32x82x128xi32, #tpu.memory_space<hbm>> -> memref<1x82x128xi32, #tpu.memory_space<hbm>>
      %dma_wait3A_51 = tpu.memref_squeeze %dma_wait3A_50 : memref<1x82x128xi32, #tpu.memory_space<hbm>> -> memref<82x128xi32, #tpu.memory_space<hbm>>
      %dma_wait3A_52 = arith.constant 0 : i32
      %dma_wait3A_53 = arith.constant 0 : i32
      %dma_wait3A_54 = tpu.memref_slice %arg4[%add3A, %dma_wait3A_52, %dma_wait3A_53] : memref<32x82x128xi32, #tpu.memory_space<hbm>> -> memref<1x82x128xi32, #tpu.memory_space<hbm>>
      %dma_wait3A_55 = tpu.memref_squeeze %dma_wait3A_54 : memref<1x82x128xi32, #tpu.memory_space<hbm>> -> memref<82x128xi32, #tpu.memory_space<hbm>>
      tpu.wait_dma2 semaphore(%run_scoped3A : memref<!tpu.dma_semaphore, #tpu.memory_space<semaphore_mem>>) src(%dma_wait3A_55 : memref<82x128xi32, #tpu.memory_space<hbm>>) dst(%arg7 : memref<82x128xi32, #tpu.memory_space<vmem>>)
      tpu.yield
    }) : () -> ()
    %scan3A = arith.constant 0 : i32
    %scan3A_1 = arith.constant 0 : i32
    %scan3A_2 = arith.constant 128 : i32
    %scan3A_3 = arith.addi %scan3A_1, %scan3A_2 : i32
    %scan3A_4 = arith.constant 1 : i32
    %scan3A_5 = scf.for %scan3A_42 = %scan3A_1 to %scan3A_3 step %scan3A_4 iter_args(%scan3A_43 = %scan3A) -> (i32)  : i32 {
      %broadcast_in_dim3A = arith.constant 0.000000e+00 : f32
      %broadcast_in_dim3A_44 = vector.broadcast %broadcast_in_dim3A : f32 to vector<16xf32>
      %swap3A = arith.index_cast %scan3A_42 : i32 to index
      %swap3A_45 = arith.constant 0 : index
      %swap3A_46 = tpu.vector_load %arg8[%swap3A, %swap3A_45] {strides = array<i32>} : memref<128x128xf32, #tpu.memory_space<vmem>>, vector<1x16xf32>,
      %swap3A_47 = vector.shape_cast %swap3A_46 : vector<1x16xf32> to vector<16xf32>
      %swap3A_48 = vector.shape_cast %broadcast_in_dim3A_44 : vector<16xf32> to vector<1x16xf32>
      tpu.vector_store %arg8[%swap3A, %swap3A_45], %swap3A_48 {strides = array<i32>} : memref<128x128xf32, #tpu.memory_space<vmem>>, vector<1x16xf32>,
      %broadcast_in_dim3A_49 = arith.constant 0.000000e+00 : f32
      %broadcast_in_dim3A_50 = vector.broadcast %broadcast_in_dim3A_49 : f32 to vector<16xf32>
      %swap3A_51 = arith.index_cast %scan3A_42 : i32 to index
      %swap3A_52 = arith.constant 16 : index
      %swap3A_53 = tpu.vector_load %arg8[%swap3A_51, %swap3A_52] {strides = array<i32>} : memref<128x128xf32, #tpu.memory_space<vmem>>, vector<1x16xf32>,
      %swap3A_54 = vector.shape_cast %swap3A_53 : vector<1x16xf32> to vector<16xf32>
      %swap3A_55 = vector.shape_cast %broadcast_in_dim3A_50 : vector<16xf32> to vector<1x16xf32>
      tpu.vector_store %arg8[%swap3A_51, %swap3A_52], %swap3A_55 {strides = array<i32>} : memref<128x128xf32, #tpu.memory_space<vmem>>, vector<1x16xf32>,
      %broadcast_in_dim3A_56 = arith.constant 0.000000e+00 : f32
      %broadcast_in_dim3A_57 = vector.broadcast %broadcast_in_dim3A_56 : f32 to vector<16xf32>
      %swap3A_58 = arith.index_cast %scan3A_42 : i32 to index
      %swap3A_59 = arith.constant 32 : index
      %swap3A_60 = tpu.vector_load %arg8[%swap3A_58, %swap3A_59] {strides = array<i32>} : memref<128x128xf32, #tpu.memory_space<vmem>>, vector<1x16xf32>,
      %swap3A_61 = vector.shape_cast %swap3A_60 : vector<1x16xf32> to vector<16xf32>
      %swap3A_62 = vector.shape_cast %broadcast_in_dim3A_57 : vector<16xf32> to vector<1x16xf32>
      tpu.vector_store %arg8[%swap3A_58, %swap3A_59], %swap3A_62 {strides = array<i32>} : memref<128x128xf32, #tpu.memory_space<vmem>>, vector<1x16xf32>,
      %broadcast_in_dim3A_63 = arith.constant 0.000000e+00 : f32
      %broadcast_in_dim3A_64 = vector.broadcast %broadcast_in_dim3A_63 : f32 to vector<16xf32>
      %swap3A_65 = arith.index_cast %scan3A_42 : i32 to index
      %swap3A_66 = arith.constant 48 : index
      %swap3A_67 = tpu.vector_load %arg8[%swap3A_65, %swap3A_66] {strides = array<i32>} : memref<128x128xf32, #tpu.memory_space<vmem>>, vector<1x16xf32>,
      %swap3A_68 = vector.shape_cast %swap3A_67 : vector<1x16xf32> to vector<16xf32>
      %swap3A_69 = vector.shape_cast %broadcast_in_dim3A_64 : vector<16xf32> to vector<1x16xf32>
      tpu.vector_store %arg8[%swap3A_65, %swap3A_66], %swap3A_69 {strides = array<i32>} : memref<128x128xf32, #tpu.memory_space<vmem>>, vector<1x16xf32>,
      %broadcast_in_dim3A_70 = arith.constant 0.000000e+00 : f32
      %broadcast_in_dim3A_71 = vector.broadcast %broadcast_in_dim3A_70 : f32 to vector<16xf32>
      %swap3A_72 = arith.index_cast %scan3A_42 : i32 to index
      %swap3A_73 = arith.constant 64 : index
      %swap3A_74 = tpu.vector_load %arg8[%swap3A_72, %swap3A_73] {strides = array<i32>} : memref<128x128xf32, #tpu.memory_space<vmem>>, vector<1x16xf32>,
      %swap3A_75 = vector.shape_cast %swap3A_74 : vector<1x16xf32> to vector<16xf32>
      %swap3A_76 = vector.shape_cast %broadcast_in_dim3A_71 : vector<16xf32> to vector<1x16xf32>
      tpu.vector_store %arg8[%swap3A_72, %swap3A_73], %swap3A_76 {strides = array<i32>} : memref<128x128xf32, #tpu.memory_space<vmem>>, vector<1x16xf32>,
      %broadcast_in_dim3A_77 = arith.constant 0.000000e+00 : f32
      %broadcast_in_dim3A_78 = vector.broadcast %broadcast_in_dim3A_77 : f32 to vector<16xf32>
      %swap3A_79 = arith.index_cast %scan3A_42 : i32 to index
      %swap3A_80 = arith.constant 80 : index
      %swap3A_81 = tpu.vector_load %arg8[%swap3A_79, %swap3A_80] {strides = array<i32>} : memref<128x128xf32, #tpu.memory_space<vmem>>, vector<1x16xf32>,
      %swap3A_82 = vector.shape_cast %swap3A_81 : vector<1x16xf32> to vector<16xf32>
      %swap3A_83 = vector.shape_cast %broadcast_in_dim3A_78 : vector<16xf32> to vector<1x16xf32>
      tpu.vector_store %arg8[%swap3A_79, %swap3A_80], %swap3A_83 {strides = array<i32>} : memref<128x128xf32, #tpu.memory_space<vmem>>, vector<1x16xf32>,
      %broadcast_in_dim3A_84 = arith.constant 0.000000e+00 : f32
      %broadcast_in_dim3A_85 = vector.broadcast %broadcast_in_dim3A_84 : f32 to vector<16xf32>
      %swap3A_86 = arith.index_cast %scan3A_42 : i32 to index
      %swap3A_87 = arith.constant 96 : index
      %swap3A_88 = tpu.vector_load %arg8[%swap3A_86, %swap3A_87] {strides = array<i32>} : memref<128x128xf32, #tpu.memory_space<vmem>>, vector<1x16xf32>,
      %swap3A_89 = vector.shape_cast %swap3A_88 : vector<1x16xf32> to vector<16xf32>
      %swap3A_90 = vector.shape_cast %broadcast_in_dim3A_85 : vector<16xf32> to vector<1x16xf32>
      tpu.vector_store %arg8[%swap3A_86, %swap3A_87], %swap3A_90 {strides = array<i32>} : memref<128x128xf32, #tpu.memory_space<vmem>>, vector<1x16xf32>,
      %broadcast_in_dim3A_91 = arith.constant 0.000000e+00 : f32
      %broadcast_in_dim3A_92 = vector.broadcast %broadcast_in_dim3A_91 : f32 to vector<16xf32>
      %swap3A_93 = arith.index_cast %scan3A_42 : i32 to index
      %swap3A_94 = arith.constant 112 : index
      %swap3A_95 = tpu.vector_load %arg8[%swap3A_93, %swap3A_94] {strides = array<i32>} : memref<128x128xf32, #tpu.memory_space<vmem>>, vector<1x16xf32>,
      %swap3A_96 = vector.shape_cast %swap3A_95 : vector<1x16xf32> to vector<16xf32>
      %swap3A_97 = vector.shape_cast %broadcast_in_dim3A_92 : vector<16xf32> to vector<1x16xf32>
      tpu.vector_store %arg8[%swap3A_93, %swap3A_94], %swap3A_97 {strides = array<i32>} : memref<128x128xf32, #tpu.memory_space<vmem>>, vector<1x16xf32>,
      %scan3A_98 = arith.constant 0 : i32
      scf.yield %scan3A_98 : i32
    }
    %scan3A_6 = arith.constant 128 : i32
    %mul3A_7 = arith.constant 632 : i32
    %mul3A_8 = arith.muli %arg1, %mul3A_7 : i32
    %add3A_9 = arith.constant 0 : i32
    %add3A_10 = arith.addi %mul3A_8, %add3A_9 : i32
    "tpu.region"() ({
      %run_scoped3A = tpu.sem_alloc : memref<!tpu.dma_semaphore, #tpu.memory_space<semaphore_mem>>
      %dma_start3A = arith.constant 0 : i32
      %dma_start3A_42 = arith.constant 0 : i32
      %dma_start3A_43 = tpu.memref_slice %arg8[%dma_start3A, %dma_start3A_42] : memref<128x128xf32, #tpu.memory_space<vmem>> -> memref<128x128xf32, #tpu.memory_space<vmem>>
      %dma_start3A_44 = arith.constant 0 : i32
      %dma_start3A_45 = tpu.memref_slice %arg9[%add3A_10, %dma_start3A_44] : memref<10112x128xf32, #tpu.memory_space<vmem_shared>> -> memref<128x128xf32, #tpu.memory_space<vmem_shared>>
      %dma_start3A_46 = arith.constant 0 : i32
      %dma_start3A_47 = tpu.memref_slice %arg9[%add3A_10, %dma_start3A_46] : memref<10112x128xf32, #tpu.memory_space<vmem_shared>> -> memref<128x128xf32, #tpu.memory_space<vmem_shared>>
      %dma_start3A_48 = arith.constant 0 : i32
      %dma_start3A_49 = arith.constant 0 : i32
      %dma_start3A_50 = tpu.memref_slice %arg8[%dma_start3A_48, %dma_start3A_49] : memref<128x128xf32, #tpu.memory_space<vmem>> -> memref<128x128xf32, #tpu.memory_space<vmem>>
      tpu.enqueue_dma source(%dma_start3A_50 : memref<128x128xf32, #tpu.memory_space<vmem>>) target(%dma_start3A_47 : memref<128x128xf32, #tpu.memory_space<vmem_shared>>) target_semaphore(%run_scoped3A : memref<!tpu.dma_semaphore, #tpu.memory_space<semaphore_mem>>)
      %dma_wait3A = arith.constant 0 : i32
      %dma_wait3A_51 = arith.constant 0 : i32
      %dma_wait3A_52 = tpu.memref_slice %arg8[%dma_wait3A, %dma_wait3A_51] : memref<128x128xf32, #tpu.memory_space<vmem>> -> memref<128x128xf32, #tpu.memory_space<vmem>>
      %dma_wait3A_53 = arith.constant 0 : i32
      %dma_wait3A_54 = tpu.memref_slice %arg9[%add3A_10, %dma_wait3A_53] : memref<10112x128xf32, #tpu.memory_space<vmem_shared>> -> memref<128x128xf32, #tpu.memory_space<vmem_shared>>
      %dma_wait3A_55 = arith.constant 0 : i32
      %dma_wait3A_56 = tpu.memref_slice %arg9[%add3A_10, %dma_wait3A_55] : memref<10112x128xf32, #tpu.memory_space<vmem_shared>> -> memref<128x128xf32, #tpu.memory_space<vmem_shared>>
      %dma_wait3A_57 = arith.constant 0 : i32
      %dma_wait3A_58 = arith.constant 0 : i32
      %dma_wait3A_59 = tpu.memref_slice %arg8[%dma_wait3A_57, %dma_wait3A_58] : memref<128x128xf32, #tpu.memory_space<vmem>> -> memref<128x128xf32, #tpu.memory_space<vmem>>
      tpu.wait_dma2 semaphore(%run_scoped3A : memref<!tpu.dma_semaphore, #tpu.memory_space<semaphore_mem>>) src(%dma_wait3A_59 : memref<128x128xf32, #tpu.memory_space<vmem>>) dst(%dma_wait3A_56 : memref<128x128xf32, #tpu.memory_space<vmem_shared>>)
      tpu.yield
    }) : () -> ()
    %mul3A_11 = arith.constant 632 : i32
    %mul3A_12 = arith.muli %arg1, %mul3A_11 : i32
    %add3A_13 = arith.constant 128 : i32
    %add3A_14 = arith.addi %mul3A_12, %add3A_13 : i32
    "tpu.region"() ({
      %run_scoped3A = tpu.sem_alloc : memref<!tpu.dma_semaphore, #tpu.memory_space<semaphore_mem>>
      %dma_start3A = arith.constant 0 : i32
      %dma_start3A_42 = arith.constant 0 : i32
      %dma_start3A_43 = tpu.memref_slice %arg8[%dma_start3A, %dma_start3A_42] : memref<128x128xf32, #tpu.memory_space<vmem>> -> memref<128x128xf32, #tpu.memory_space<vmem>>
      %dma_start3A_44 = arith.constant 0 : i32
      %dma_start3A_45 = tpu.memref_slice %arg9[%add3A_14, %dma_start3A_44] : memref<10112x128xf32, #tpu.memory_space<vmem_shared>> -> memref<128x128xf32, #tpu.memory_space<vmem_shared>>
      %dma_start3A_46 = arith.constant 0 : i32
      %dma_start3A_47 = tpu.memref_slice %arg9[%add3A_14, %dma_start3A_46] : memref<10112x128xf32, #tpu.memory_space<vmem_shared>> -> memref<128x128xf32, #tpu.memory_space<vmem_shared>>
      %dma_start3A_48 = arith.constant 0 : i32
      %dma_start3A_49 = arith.constant 0 : i32
      %dma_start3A_50 = tpu.memref_slice %arg8[%dma_start3A_48, %dma_start3A_49] : memref<128x128xf32, #tpu.memory_space<vmem>> -> memref<128x128xf32, #tpu.memory_space<vmem>>
      tpu.enqueue_dma source(%dma_start3A_50 : memref<128x128xf32, #tpu.memory_space<vmem>>) target(%dma_start3A_47 : memref<128x128xf32, #tpu.memory_space<vmem_shared>>) target_semaphore(%run_scoped3A : memref<!tpu.dma_semaphore, #tpu.memory_space<semaphore_mem>>)
      %dma_wait3A = arith.constant 0 : i32
      %dma_wait3A_51 = arith.constant 0 : i32
      %dma_wait3A_52 = tpu.memref_slice %arg8[%dma_wait3A, %dma_wait3A_51] : memref<128x128xf32, #tpu.memory_space<vmem>> -> memref<128x128xf32, #tpu.memory_space<vmem>>
      %dma_wait3A_53 = arith.constant 0 : i32
      %dma_wait3A_54 = tpu.memref_slice %arg9[%add3A_14, %dma_wait3A_53] : memref<10112x128xf32, #tpu.memory_space<vmem_shared>> -> memref<128x128xf32, #tpu.memory_space<vmem_shared>>
      %dma_wait3A_55 = arith.constant 0 : i32
      %dma_wait3A_56 = tpu.memref_slice %arg9[%add3A_14, %dma_wait3A_55] : memref<10112x128xf32, #tpu.memory_space<vmem_shared>> -> memref<128x128xf32, #tpu.memory_space<vmem_shared>>
      %dma_wait3A_57 = arith.constant 0 : i32
      %dma_wait3A_58 = arith.constant 0 : i32
      %dma_wait3A_59 = tpu.memref_slice %arg8[%dma_wait3A_57, %dma_wait3A_58] : memref<128x128xf32, #tpu.memory_space<vmem>> -> memref<128x128xf32, #tpu.memory_space<vmem>>
      tpu.wait_dma2 semaphore(%run_scoped3A : memref<!tpu.dma_semaphore, #tpu.memory_space<semaphore_mem>>) src(%dma_wait3A_59 : memref<128x128xf32, #tpu.memory_space<vmem>>) dst(%dma_wait3A_56 : memref<128x128xf32, #tpu.memory_space<vmem_shared>>)
      tpu.yield
    }) : () -> ()
    %mul3A_15 = arith.constant 632 : i32
    %mul3A_16 = arith.muli %arg1, %mul3A_15 : i32
    %add3A_17 = arith.constant 256 : i32
    %add3A_18 = arith.addi %mul3A_16, %add3A_17 : i32
    "tpu.region"() ({
      %run_scoped3A = tpu.sem_alloc : memref<!tpu.dma_semaphore, #tpu.memory_space<semaphore_mem>>
      %dma_start3A = arith.constant 0 : i32
      %dma_start3A_42 = arith.constant 0 : i32
      %dma_start3A_43 = tpu.memref_slice %arg8[%dma_start3A, %dma_start3A_42] : memref<128x128xf32, #tpu.memory_space<vmem>> -> memref<128x128xf32, #tpu.memory_space<vmem>>
      %dma_start3A_44 = arith.constant 0 : i32
      %dma_start3A_45 = tpu.memref_slice %arg9[%add3A_18, %dma_start3A_44] : memref<10112x128xf32, #tpu.memory_space<vmem_shared>> -> memref<128x128xf32, #tpu.memory_space<vmem_shared>>
      %dma_start3A_46 = arith.constant 0 : i32
      %dma_start3A_47 = tpu.memref_slice %arg9[%add3A_18, %dma_start3A_46] : memref<10112x128xf32, #tpu.memory_space<vmem_shared>> -> memref<128x128xf32, #tpu.memory_space<vmem_shared>>
      %dma_start3A_48 = arith.constant 0 : i32
      %dma_start3A_49 = arith.constant 0 : i32
      %dma_start3A_50 = tpu.memref_slice %arg8[%dma_start3A_48, %dma_start3A_49] : memref<128x128xf32, #tpu.memory_space<vmem>> -> memref<128x128xf32, #tpu.memory_space<vmem>>
      tpu.enqueue_dma source(%dma_start3A_50 : memref<128x128xf32, #tpu.memory_space<vmem>>) target(%dma_start3A_47 : memref<128x128xf32, #tpu.memory_space<vmem_shared>>) target_semaphore(%run_scoped3A : memref<!tpu.dma_semaphore, #tpu.memory_space<semaphore_mem>>)
      %dma_wait3A = arith.constant 0 : i32
      %dma_wait3A_51 = arith.constant 0 : i32
      %dma_wait3A_52 = tpu.memref_slice %arg8[%dma_wait3A, %dma_wait3A_51] : memref<128x128xf32, #tpu.memory_space<vmem>> -> memref<128x128xf32, #tpu.memory_space<vmem>>
      %dma_wait3A_53 = arith.constant 0 : i32
      %dma_wait3A_54 = tpu.memref_slice %arg9[%add3A_18, %dma_wait3A_53] : memref<10112x128xf32, #tpu.memory_space<vmem_shared>> -> memref<128x128xf32, #tpu.memory_space<vmem_shared>>
      %dma_wait3A_55 = arith.constant 0 : i32
      %dma_wait3A_56 = tpu.memref_slice %arg9[%add3A_18, %dma_wait3A_55] : memref<10112x128xf32, #tpu.memory_space<vmem_shared>> -> memref<128x128xf32, #tpu.memory_space<vmem_shared>>
      %dma_wait3A_57 = arith.constant 0 : i32
      %dma_wait3A_58 = arith.constant 0 : i32
      %dma_wait3A_59 = tpu.memref_slice %arg8[%dma_wait3A_57, %dma_wait3A_58] : memref<128x128xf32, #tpu.memory_space<vmem>> -> memref<128x128xf32, #tpu.memory_space<vmem>>
      tpu.wait_dma2 semaphore(%run_scoped3A : memref<!tpu.dma_semaphore, #tpu.memory_space<semaphore_mem>>) src(%dma_wait3A_59 : memref<128x128xf32, #tpu.memory_space<vmem>>) dst(%dma_wait3A_56 : memref<128x128xf32, #tpu.memory_space<vmem_shared>>)
      tpu.yield
    }) : () -> ()
    %mul3A_19 = arith.constant 632 : i32
    %mul3A_20 = arith.muli %arg1, %mul3A_19 : i32
    %add3A_21 = arith.constant 384 : i32
    %add3A_22 = arith.addi %mul3A_20, %add3A_21 : i32
    "tpu.region"() ({
      %run_scoped3A = tpu.sem_alloc : memref<!tpu.dma_semaphore, #tpu.memory_space<semaphore_mem>>
      %dma_start3A = arith.constant 0 : i32
      %dma_start3A_42 = arith.constant 0 : i32
      %dma_start3A_43 = tpu.memref_slice %arg8[%dma_start3A, %dma_start3A_42] : memref<128x128xf32, #tpu.memory_space<vmem>> -> memref<128x128xf32, #tpu.memory_space<vmem>>
      %dma_start3A_44 = arith.constant 0 : i32
      %dma_start3A_45 = tpu.memref_slice %arg9[%add3A_22, %dma_start3A_44] : memref<10112x128xf32, #tpu.memory_space<vmem_shared>> -> memref<128x128xf32, #tpu.memory_space<vmem_shared>>
      %dma_start3A_46 = arith.constant 0 : i32
      %dma_start3A_47 = tpu.memref_slice %arg9[%add3A_22, %dma_start3A_46] : memref<10112x128xf32, #tpu.memory_space<vmem_shared>> -> memref<128x128xf32, #tpu.memory_space<vmem_shared>>
      %dma_start3A_48 = arith.constant 0 : i32
      %dma_start3A_49 = arith.constant 0 : i32
      %dma_start3A_50 = tpu.memref_slice %arg8[%dma_start3A_48, %dma_start3A_49] : memref<128x128xf32, #tpu.memory_space<vmem>> -> memref<128x128xf32, #tpu.memory_space<vmem>>
      tpu.enqueue_dma source(%dma_start3A_50 : memref<128x128xf32, #tpu.memory_space<vmem>>) target(%dma_start3A_47 : memref<128x128xf32, #tpu.memory_space<vmem_shared>>) target_semaphore(%run_scoped3A : memref<!tpu.dma_semaphore, #tpu.memory_space<semaphore_mem>>)
      %dma_wait3A = arith.constant 0 : i32
      %dma_wait3A_51 = arith.constant 0 : i32
      %dma_wait3A_52 = tpu.memref_slice %arg8[%dma_wait3A, %dma_wait3A_51] : memref<128x128xf32, #tpu.memory_space<vmem>> -> memref<128x128xf32, #tpu.memory_space<vmem>>
      %dma_wait3A_53 = arith.constant 0 : i32
      %dma_wait3A_54 = tpu.memref_slice %arg9[%add3A_22, %dma_wait3A_53] : memref<10112x128xf32, #tpu.memory_space<vmem_shared>> -> memref<128x128xf32, #tpu.memory_space<vmem_shared>>
      %dma_wait3A_55 = arith.constant 0 : i32
      %dma_wait3A_56 = tpu.memref_slice %arg9[%add3A_22, %dma_wait3A_55] : memref<10112x128xf32, #tpu.memory_space<vmem_shared>> -> memref<128x128xf32, #tpu.memory_space<vmem_shared>>
      %dma_wait3A_57 = arith.constant 0 : i32
      %dma_wait3A_58 = arith.constant 0 : i32
      %dma_wait3A_59 = tpu.memref_slice %arg8[%dma_wait3A_57, %dma_wait3A_58] : memref<128x128xf32, #tpu.memory_space<vmem>> -> memref<128x128xf32, #tpu.memory_space<vmem>>
      tpu.wait_dma2 semaphore(%run_scoped3A : memref<!tpu.dma_semaphore, #tpu.memory_space<semaphore_mem>>) src(%dma_wait3A_59 : memref<128x128xf32, #tpu.memory_space<vmem>>) dst(%dma_wait3A_56 : memref<128x128xf32, #tpu.memory_space<vmem_shared>>)
      tpu.yield
    }) : () -> ()
    %mul3A_23 = arith.constant 632 : i32
    %mul3A_24 = arith.muli %arg1, %mul3A_23 : i32
    %add3A_25 = arith.constant 512 : i32
    %add3A_26 = arith.addi %mul3A_24, %add3A_25 : i32
    "tpu.region"() ({
      %run_scoped3A = tpu.sem_alloc : memref<!tpu.dma_semaphore, #tpu.memory_space<semaphore_mem>>
      %dma_start3A = arith.constant 0 : i32
      %dma_start3A_42 = arith.constant 0 : i32
      %dma_start3A_43 = tpu.memref_slice %arg8[%dma_start3A, %dma_start3A_42] : memref<128x128xf32, #tpu.memory_space<vmem>> -> memref<120x128xf32, #tpu.memory_space<vmem>>
      %dma_start3A_44 = arith.constant 0 : i32
      %dma_start3A_45 = tpu.memref_slice %arg9[%add3A_26, %dma_start3A_44] : memref<10112x128xf32, #tpu.memory_space<vmem_shared>> -> memref<120x128xf32, #tpu.memory_space<vmem_shared>>
      %dma_start3A_46 = arith.constant 0 : i32
      %dma_start3A_47 = tpu.memref_slice %arg9[%add3A_26, %dma_start3A_46] : memref<10112x128xf32, #tpu.memory_space<vmem_shared>> -> memref<120x128xf32, #tpu.memory_space<vmem_shared>>
      %dma_start3A_48 = arith.constant 0 : i32
      %dma_start3A_49 = arith.constant 0 : i32
      %dma_start3A_50 = tpu.memref_slice %arg8[%dma_start3A_48, %dma_start3A_49] : memref<128x128xf32, #tpu.memory_space<vmem>> -> memref<120x128xf32, #tpu.memory_space<vmem>>
      tpu.enqueue_dma source(%dma_start3A_50 : memref<120x128xf32, #tpu.memory_space<vmem>>) target(%dma_start3A_47 : memref<120x128xf32, #tpu.memory_space<vmem_shared>>) target_semaphore(%run_scoped3A : memref<!tpu.dma_semaphore, #tpu.memory_space<semaphore_mem>>)
      %dma_wait3A = arith.constant 0 : i32
      %dma_wait3A_51 = arith.constant 0 : i32
      %dma_wait3A_52 = tpu.memref_slice %arg8[%dma_wait3A, %dma_wait3A_51] : memref<128x128xf32, #tpu.memory_space<vmem>> -> memref<120x128xf32, #tpu.memory_space<vmem>>
      %dma_wait3A_53 = arith.constant 0 : i32
      %dma_wait3A_54 = tpu.memref_slice %arg9[%add3A_26, %dma_wait3A_53] : memref<10112x128xf32, #tpu.memory_space<vmem_shared>> -> memref<120x128xf32, #tpu.memory_space<vmem_shared>>
      %dma_wait3A_55 = arith.constant 0 : i32
      %dma_wait3A_56 = tpu.memref_slice %arg9[%add3A_26, %dma_wait3A_55] : memref<10112x128xf32, #tpu.memory_space<vmem_shared>> -> memref<120x128xf32, #tpu.memory_space<vmem_shared>>
      %dma_wait3A_57 = arith.constant 0 : i32
      %dma_wait3A_58 = arith.constant 0 : i32
      %dma_wait3A_59 = tpu.memref_slice %arg8[%dma_wait3A_57, %dma_wait3A_58] : memref<128x128xf32, #tpu.memory_space<vmem>> -> memref<120x128xf32, #tpu.memory_space<vmem>>
      tpu.wait_dma2 semaphore(%run_scoped3A : memref<!tpu.dma_semaphore, #tpu.memory_space<semaphore_mem>>) src(%dma_wait3A_59 : memref<120x128xf32, #tpu.memory_space<vmem>>) dst(%dma_wait3A_56 : memref<120x128xf32, #tpu.memory_space<vmem_shared>>)
      tpu.yield
    }) : () -> ()
    %barrier3A = arith.constant 0 : index
    tpu.barrier barrier_id(%barrier3A)
    %scan3A_27 = arith.constant 0 : i32
    %scan3A_28 = arith.constant 0 : i32
    %scan3A_29 = arith.constant 82 : i32
    %scan3A_30 = arith.addi %scan3A_28, %scan3A_29 : i32
    %scan3A_31 = arith.constant 1 : i32
    %scan3A_32 = scf.for %scan3A_42 = %scan3A_28 to %scan3A_30 step %scan3A_31 iter_args(%scan3A_43 = %scan3A_27) -> (i32)  : i32 {
      %dma_start3A = arith.constant 0 : i32
      %dma_start3A_44 = tpu.memref_slice %arg6[%scan3A_42, %dma_start3A] : memref<82x128xi32, #tpu.memory_space<vmem>> -> memref<1x128xi32, #tpu.memory_space<vmem>>
      %dma_start3A_45 = tpu.memref_squeeze %dma_start3A_44 : memref<1x128xi32, #tpu.memory_space<vmem>> -> memref<128xi32, #tpu.memory_space<vmem>>
      %dma_start3A_46 = arith.constant 0 : i32
      %dma_start3A_47 = arith.constant 0 : i32
      %dma_start3A_48 = tpu.memref_slice %arg2[%dma_start3A_46, %dma_start3A_47] : memref<10000x128xf32, #tpu.memory_space<hbm>> -> memref<10000x128xf32, #tpu.memory_space<hbm>>
      tpu.enqueue_indirect_dma source(%dma_start3A_48 : memref<10000x128xf32, #tpu.memory_space<hbm>>) target(%arg8 : memref<128x128xf32, #tpu.memory_space<vmem>>) offsets(%dma_start3A_45 : memref<128xi32, #tpu.memory_space<vmem>>) semaphore(%arg10 : memref<!tpu.dma_semaphore, #tpu.memory_space<semaphore_mem>>)
      %dma_wait3A = arith.constant 0 : i32
      %dma_wait3A_49 = tpu.memref_slice %arg6[%scan3A_42, %dma_wait3A] : memref<82x128xi32, #tpu.memory_space<vmem>> -> memref<1x128xi32, #tpu.memory_space<vmem>>
      %dma_wait3A_50 = tpu.memref_squeeze %dma_wait3A_49 : memref<1x128xi32, #tpu.memory_space<vmem>> -> memref<128xi32, #tpu.memory_space<vmem>>
      %dma_wait3A_51 = arith.constant 0 : i32
      %dma_wait3A_52 = arith.constant 0 : i32
      %dma_wait3A_53 = tpu.memref_slice %arg2[%dma_wait3A_51, %dma_wait3A_52] : memref<10000x128xf32, #tpu.memory_space<hbm>> -> memref<10000x128xf32, #tpu.memory_space<hbm>>
      tpu.wait_indirect_dma semaphore(%arg10 : memref<!tpu.dma_semaphore, #tpu.memory_space<semaphore_mem>>) src(%dma_wait3A_53 : memref<10000x128xf32, #tpu.memory_space<hbm>>) dst(%arg8 : memref<128x128xf32, #tpu.memory_space<vmem>>)
      "tpu.region"() ({
        %run_scoped3A = tpu.sem_alloc : memref<!tpu.dma_semaphore, #tpu.memory_space<semaphore_mem>>
        %dma_start3A_55 = arith.constant 0 : i32
        %dma_start3A_56 = tpu.memref_slice %arg7[%scan3A_42, %dma_start3A_55] : memref<82x128xi32, #tpu.memory_space<vmem>> -> memref<1x128xi32, #tpu.memory_space<vmem>>
        %dma_start3A_57 = tpu.memref_squeeze %dma_start3A_56 : memref<1x128xi32, #tpu.memory_space<vmem>> -> memref<128xi32, #tpu.memory_space<vmem>>
        %dma_start3A_58 = arith.constant 0 : i32
        %dma_start3A_59 = arith.constant 0 : i32
        %dma_start3A_60 = tpu.memref_slice %arg9[%dma_start3A_58, %dma_start3A_59] : memref<10112x128xf32, #tpu.memory_space<vmem_shared>> -> memref<10112x128xf32, #tpu.memory_space<vmem_shared>>
        tpu.enqueue_indirect_dma source(%arg8 : memref<128x128xf32, #tpu.memory_space<vmem>>) target(%dma_start3A_60 : memref<10112x128xf32, #tpu.memory_space<vmem_shared>>) offsets(%dma_start3A_57 : memref<128xi32, #tpu.memory_space<vmem>>) semaphore(%run_scoped3A : memref<!tpu.dma_semaphore, #tpu.memory_space<semaphore_mem>>) {add = true}
        %dma_wait3A_61 = arith.constant 0 : i32
        %dma_wait3A_62 = tpu.memref_slice %arg7[%scan3A_42, %dma_wait3A_61] : memref<82x128xi32, #tpu.memory_space<vmem>> -> memref<1x128xi32, #tpu.memory_space<vmem>>
        %dma_wait3A_63 = tpu.memref_squeeze %dma_wait3A_62 : memref<1x128xi32, #tpu.memory_space<vmem>> -> memref<128xi32, #tpu.memory_space<vmem>>
        %dma_wait3A_64 = arith.constant 0 : i32
        %dma_wait3A_65 = arith.constant 0 : i32
        %dma_wait3A_66 = tpu.memref_slice %arg9[%dma_wait3A_64, %dma_wait3A_65] : memref<10112x128xf32, #tpu.memory_space<vmem_shared>> -> memref<10112x128xf32, #tpu.memory_space<vmem_shared>>
        tpu.wait_indirect_dma semaphore(%run_scoped3A : memref<!tpu.dma_semaphore, #tpu.memory_space<semaphore_mem>>) src(%arg8 : memref<128x128xf32, #tpu.memory_space<vmem>>) dst(%dma_wait3A_66 : memref<10112x128xf32, #tpu.memory_space<vmem_shared>>)
        tpu.yield
      }) : () -> ()
      %scan3A_54 = arith.constant 0 : i32
      scf.yield %scan3A_54 : i32
    }
    %scan3A_33 = arith.constant 82 : i32
    %barrier3A_34 = arith.constant 0 : index
    tpu.barrier barrier_id(%barrier3A_34)
    %mul3A_35 = arith.constant 632 : i32
    %mul3A_36 = arith.muli %arg1, %mul3A_35 : i32
    %mul3A_37 = arith.constant 10112 : i32
    %mul3A_38 = arith.muli %arg0, %mul3A_37 : i32
    %mul3A_39 = arith.constant 632 : i32
    %mul3A_40 = arith.muli %arg1, %mul3A_39 : i32
    %add3A_41 = arith.addi %mul3A_38, %mul3A_40 : i32
    "tpu.region"() ({
      %run_scoped3A = tpu.sem_alloc : memref<!tpu.dma_semaphore, #tpu.memory_space<semaphore_mem>>
      %dma_start3A = arith.constant 0 : i32
      %dma_start3A_42 = tpu.memref_slice %arg5[%add3A_41, %dma_start3A] : memref<20224x128xf32, #tpu.memory_space<hbm>> -> memref<632x128xf32, #tpu.memory_space<hbm>>
      %dma_start3A_43 = arith.constant 0 : i32
      %dma_start3A_44 = tpu.memref_slice %arg9[%mul3A_36, %dma_start3A_43] : memref<10112x128xf32, #tpu.memory_space<vmem_shared>> -> memref<632x128xf32, #tpu.memory_space<vmem_shared>>
      tpu.enqueue_dma source(%dma_start3A_44 : memref<632x128xf32, #tpu.memory_space<vmem_shared>>) target(%dma_start3A_42 : memref<632x128xf32, #tpu.memory_space<hbm>>) target_semaphore(%run_scoped3A : memref<!tpu.dma_semaphore, #tpu.memory_space<semaphore_mem>>)
      %dma_wait3A = arith.constant 0 : i32
      %dma_wait3A_45 = tpu.memref_slice %arg5[%add3A_41, %dma_wait3A] : memref<20224x128xf32, #tpu.memory_space<hbm>> -> memref<632x128xf32, #tpu.memory_space<hbm>>
      %dma_wait3A_46 = arith.constant 0 : i32
      %dma_wait3A_47 = tpu.memref_slice %arg9[%mul3A_36, %dma_wait3A_46] : memref<10112x128xf32, #tpu.memory_space<vmem_shared>> -> memref<632x128xf32, #tpu.memory_space<vmem_shared>>
      tpu.wait_dma2 semaphore(%run_scoped3A : memref<!tpu.dma_semaphore, #tpu.memory_space<semaphore_mem>>) src(%dma_wait3A_47 : memref<632x128xf32, #tpu.memory_space<vmem_shared>>) dst(%dma_wait3A_45 : memref<632x128xf32, #tpu.memory_space<hbm>>)
      tpu.yield
    }) : () -> ()
    return
  }
}

#map = affine_map<(d0, d1) -> (0, 0)>
#map1 = affine_map<(d0, d1) -> (0, 0, 0)>
module attributes {stable_mosaic.version = 14 : i64} {
  func.func @agg_kernel(%arg0: i32, %arg1: i32, %arg2: memref<10000x128xf32, #tpu.memory_space<hbm>>, %arg3: memref<32x82x128xi32, #tpu.memory_space<hbm>>, %arg4: memref<32x82x128xi32, #tpu.memory_space<hbm>>, %arg5: memref<20224x128xf32, #tpu.memory_space<hbm>>, %arg6: memref<82x128xi32, #tpu.memory_space<vmem>>, %arg7: memref<82x128xi32, #tpu.memory_space<vmem>>, %arg8: memref<128x128xf32, #tpu.memory_space<vmem>>, %arg9: memref<10112x128xf32, #tpu.memory_space<vmem_shared>>, %arg10: memref<!tpu.dma_semaphore, #tpu.memory_space<semaphore_mem>>) attributes {dimension_semantics = [#tpu.dimension_semantics<core_parallel>, #tpu.dimension_semantics<subcore_parallel>], iteration_bounds = array<i64: 2, 16>, scalar_prefetch = 0 : i64, scratch_operands = 5 : i64, tpu.core_type = #tpu.core_type<sc_vector_subcore>, window_params = [{transform_indices = #map}, {transform_indices = #map1}, {transform_indices = #map1}, {transform_indices = #map}]} {
    %mul3A = arith.constant 2 : i32
    %mul3A_0 = arith.muli %arg1, %mul3A : i32
    %add3A = arith.addi %mul3A_0, %arg0 : i32
    "tpu.region"() ({
      %run_scoped3A = tpu.sem_alloc : memref<!tpu.dma_semaphore, #tpu.memory_space<semaphore_mem>>
      %dma_start3A = arith.constant 0 : i32
      %dma_start3A_42 = arith.constant 0 : i32
      %dma_start3A_43 = tpu.memref_slice %arg3[%add3A, %dma_start3A, %dma_start3A_42] : memref<32x82x128xi32, #tpu.memory_space<hbm>> -> memref<1x82x128xi32, #tpu.memory_space<hbm>>
      %dma_start3A_44 = tpu.memref_squeeze %dma_start3A_43 : memref<1x82x128xi32, #tpu.memory_space<hbm>> -> memref<82x128xi32, #tpu.memory_space<hbm>>
      %dma_start3A_45 = arith.constant 0 : i32
      %dma_start3A_46 = arith.constant 0 : i32
      %dma_start3A_47 = tpu.memref_slice %arg3[%add3A, %dma_start3A_45, %dma_start3A_46] : memref<32x82x128xi32, #tpu.memory_space<hbm>> -> memref<1x82x128xi32, #tpu.memory_space<hbm>>
      %dma_start3A_48 = tpu.memref_squeeze %dma_start3A_47 : memref<1x82x128xi32, #tpu.memory_space<hbm>> -> memref<82x128xi32, #tpu.memory_space<hbm>>
      tpu.enqueue_dma source(%dma_start3A_48 : memref<82x128xi32, #tpu.memory_space<hbm>>) target(%arg6 : memref<82x128xi32, #tpu.memory_space<vmem>>) target_semaphore(%run_scoped3A : memref<!tpu.dma_semaphore, #tpu.memory_space<semaphore_mem>>)
      %dma_wait3A = arith.constant 0 : i32
      %dma_wait3A_49 = arith.constant 0 : i32
      %dma_wait3A_50 = tpu.memref_slice %arg3[%add3A, %dma_wait3A, %dma_wait3A_49] : memref<32x82x128xi32, #tpu.memory_space<hbm>> -> memref<1x82x128xi32, #tpu.memory_space<hbm>>
      %dma_wait3A_51 = tpu.memref_squeeze %dma_wait3A_50 : memref<1x82x128xi32, #tpu.memory_space<hbm>> -> memref<82x128xi32, #tpu.memory_space<hbm>>
      %dma_wait3A_52 = arith.constant 0 : i32
      %dma_wait3A_53 = arith.constant 0 : i32
      %dma_wait3A_54 = tpu.memref_slice %arg3[%add3A, %dma_wait3A_52, %dma_wait3A_53] : memref<32x82x128xi32, #tpu.memory_space<hbm>> -> memref<1x82x128xi32, #tpu.memory_space<hbm>>
      %dma_wait3A_55 = tpu.memref_squeeze %dma_wait3A_54 : memref<1x82x128xi32, #tpu.memory_space<hbm>> -> memref<82x128xi32, #tpu.memory_space<hbm>>
      tpu.wait_dma2 semaphore(%run_scoped3A : memref<!tpu.dma_semaphore, #tpu.memory_space<semaphore_mem>>) src(%dma_wait3A_55 : memref<82x128xi32, #tpu.memory_space<hbm>>) dst(%arg6 : memref<82x128xi32, #tpu.memory_space<vmem>>)
      tpu.yield
    }) : () -> ()
    "tpu.region"() ({
      %run_scoped3A = tpu.sem_alloc : memref<!tpu.dma_semaphore, #tpu.memory_space<semaphore_mem>>
      %dma_start3A = arith.constant 0 : i32
      %dma_start3A_42 = arith.constant 0 : i32
      %dma_start3A_43 = tpu.memref_slice %arg4[%add3A, %dma_start3A, %dma_start3A_42] : memref<32x82x128xi32, #tpu.memory_space<hbm>> -> memref<1x82x128xi32, #tpu.memory_space<hbm>>
      %dma_start3A_44 = tpu.memref_squeeze %dma_start3A_43 : memref<1x82x128xi32, #tpu.memory_space<hbm>> -> memref<82x128xi32, #tpu.memory_space<hbm>>
      %dma_start3A_45 = arith.constant 0 : i32
      %dma_start3A_46 = arith.constant 0 : i32
      %dma_start3A_47 = tpu.memref_slice %arg4[%add3A, %dma_start3A_45, %dma_start3A_46] : memref<32x82x128xi32, #tpu.memory_space<hbm>> -> memref<1x82x128xi32, #tpu.memory_space<hbm>>
      %dma_start3A_48 = tpu.memref_squeeze %dma_start3A_47 : memref<1x82x128xi32, #tpu.memory_space<hbm>> -> memref<82x128xi32, #tpu.memory_space<hbm>>
      tpu.enqueue_dma source(%dma_start3A_48 : memref<82x128xi32, #tpu.memory_space<hbm>>) target(%arg7 : memref<82x128xi32, #tpu.memory_space<vmem>>) target_semaphore(%run_scoped3A : memref<!tpu.dma_semaphore, #tpu.memory_space<semaphore_mem>>)
      %dma_wait3A = arith.constant 0 : i32
      %dma_wait3A_49 = arith.constant 0 : i32
      %dma_wait3A_50 = tpu.memref_slice %arg4[%add3A, %dma_wait3A, %dma_wait3A_49] : memref<32x82x128xi32, #tpu.memory_space<hbm>> -> memref<1x82x128xi32, #tpu.memory_space<hbm>>
      %dma_wait3A_51 = tpu.memref_squeeze %dma_wait3A_50 : memref<1x82x128xi32, #tpu.memory_space<hbm>> -> memref<82x128xi32, #tpu.memory_space<hbm>>
      %dma_wait3A_52 = arith.constant 0 : i32
      %dma_wait3A_53 = arith.constant 0 : i32
      %dma_wait3A_54 = tpu.memref_slice %arg4[%add3A, %dma_wait3A_52, %dma_wait3A_53] : memref<32x82x128xi32, #tpu.memory_space<hbm>> -> memref<1x82x128xi32, #tpu.memory_space<hbm>>
      %dma_wait3A_55 = tpu.memref_squeeze %dma_wait3A_54 : memref<1x82x128xi32, #tpu.memory_space<hbm>> -> memref<82x128xi32, #tpu.memory_space<hbm>>
      tpu.wait_dma2 semaphore(%run_scoped3A : memref<!tpu.dma_semaphore, #tpu.memory_space<semaphore_mem>>) src(%dma_wait3A_55 : memref<82x128xi32, #tpu.memory_space<hbm>>) dst(%arg7 : memref<82x128xi32, #tpu.memory_space<vmem>>)
      tpu.yield
    }) : () -> ()
    %scan3A = arith.constant 0 : i32
    %scan3A_1 = arith.constant 0 : i32
    %scan3A_2 = arith.constant 128 : i32
    %scan3A_3 = arith.addi %scan3A_1, %scan3A_2 : i32
    %scan3A_4 = arith.constant 1 : i32
    %scan3A_5 = scf.for %scan3A_42 = %scan3A_1 to %scan3A_3 step %scan3A_4 iter_args(%scan3A_43 = %scan3A) -> (i32)  : i32 {
      %broadcast_in_dim3A = arith.constant 0.000000e+00 : f32
      %broadcast_in_dim3A_44 = vector.broadcast %broadcast_in_dim3A : f32 to vector<16xf32>
      %swap3A = arith.index_cast %scan3A_42 : i32 to index
      %swap3A_45 = arith.constant 0 : index
      %swap3A_46 = tpu.vector_load %arg8[%swap3A, %swap3A_45] {strides = array<i32>} : memref<128x128xf32, #tpu.memory_space<vmem>>, vector<1x16xf32>,
      %swap3A_47 = vector.shape_cast %swap3A_46 : vector<1x16xf32> to vector<16xf32>
      %swap3A_48 = vector.shape_cast %broadcast_in_dim3A_44 : vector<16xf32> to vector<1x16xf32>
      tpu.vector_store %arg8[%swap3A, %swap3A_45], %swap3A_48 {strides = array<i32>} : memref<128x128xf32, #tpu.memory_space<vmem>>, vector<1x16xf32>,
      %broadcast_in_dim3A_49 = arith.constant 0.000000e+00 : f32
      %broadcast_in_dim3A_50 = vector.broadcast %broadcast_in_dim3A_49 : f32 to vector<16xf32>
      %swap3A_51 = arith.index_cast %scan3A_42 : i32 to index
      %swap3A_52 = arith.constant 16 : index
      %swap3A_53 = tpu.vector_load %arg8[%swap3A_51, %swap3A_52] {strides = array<i32>} : memref<128x128xf32, #tpu.memory_space<vmem>>, vector<1x16xf32>,
      %swap3A_54 = vector.shape_cast %swap3A_53 : vector<1x16xf32> to vector<16xf32>
      %swap3A_55 = vector.shape_cast %broadcast_in_dim3A_50 : vector<16xf32> to vector<1x16xf32>
      tpu.vector_store %arg8[%swap3A_51, %swap3A_52], %swap3A_55 {strides = array<i32>} : memref<128x128xf32, #tpu.memory_space<vmem>>, vector<1x16xf32>,
      %broadcast_in_dim3A_56 = arith.constant 0.000000e+00 : f32
      %broadcast_in_dim3A_57 = vector.broadcast %broadcast_in_dim3A_56 : f32 to vector<16xf32>
      %swap3A_58 = arith.index_cast %scan3A_42 : i32 to index
      %swap3A_59 = arith.constant 32 : index
      %swap3A_60 = tpu.vector_load %arg8[%swap3A_58, %swap3A_59] {strides = array<i32>} : memref<128x128xf32, #tpu.memory_space<vmem>>, vector<1x16xf32>,
      %swap3A_61 = vector.shape_cast %swap3A_60 : vector<1x16xf32> to vector<16xf32>
      %swap3A_62 = vector.shape_cast %broadcast_in_dim3A_57 : vector<16xf32> to vector<1x16xf32>
      tpu.vector_store %arg8[%swap3A_58, %swap3A_59], %swap3A_62 {strides = array<i32>} : memref<128x128xf32, #tpu.memory_space<vmem>>, vector<1x16xf32>,
      %broadcast_in_dim3A_63 = arith.constant 0.000000e+00 : f32
      %broadcast_in_dim3A_64 = vector.broadcast %broadcast_in_dim3A_63 : f32 to vector<16xf32>
      %swap3A_65 = arith.index_cast %scan3A_42 : i32 to index
      %swap3A_66 = arith.constant 48 : index
      %swap3A_67 = tpu.vector_load %arg8[%swap3A_65, %swap3A_66] {strides = array<i32>} : memref<128x128xf32, #tpu.memory_space<vmem>>, vector<1x16xf32>,
      %swap3A_68 = vector.shape_cast %swap3A_67 : vector<1x16xf32> to vector<16xf32>
      %swap3A_69 = vector.shape_cast %broadcast_in_dim3A_64 : vector<16xf32> to vector<1x16xf32>
      tpu.vector_store %arg8[%swap3A_65, %swap3A_66], %swap3A_69 {strides = array<i32>} : memref<128x128xf32, #tpu.memory_space<vmem>>, vector<1x16xf32>,
      %broadcast_in_dim3A_70 = arith.constant 0.000000e+00 : f32
      %broadcast_in_dim3A_71 = vector.broadcast %broadcast_in_dim3A_70 : f32 to vector<16xf32>
      %swap3A_72 = arith.index_cast %scan3A_42 : i32 to index
      %swap3A_73 = arith.constant 64 : index
      %swap3A_74 = tpu.vector_load %arg8[%swap3A_72, %swap3A_73] {strides = array<i32>} : memref<128x128xf32, #tpu.memory_space<vmem>>, vector<1x16xf32>,
      %swap3A_75 = vector.shape_cast %swap3A_74 : vector<1x16xf32> to vector<16xf32>
      %swap3A_76 = vector.shape_cast %broadcast_in_dim3A_71 : vector<16xf32> to vector<1x16xf32>
      tpu.vector_store %arg8[%swap3A_72, %swap3A_73], %swap3A_76 {strides = array<i32>} : memref<128x128xf32, #tpu.memory_space<vmem>>, vector<1x16xf32>,
      %broadcast_in_dim3A_77 = arith.constant 0.000000e+00 : f32
      %broadcast_in_dim3A_78 = vector.broadcast %broadcast_in_dim3A_77 : f32 to vector<16xf32>
      %swap3A_79 = arith.index_cast %scan3A_42 : i32 to index
      %swap3A_80 = arith.constant 80 : index
      %swap3A_81 = tpu.vector_load %arg8[%swap3A_79, %swap3A_80] {strides = array<i32>} : memref<128x128xf32, #tpu.memory_space<vmem>>, vector<1x16xf32>,
      %swap3A_82 = vector.shape_cast %swap3A_81 : vector<1x16xf32> to vector<16xf32>
      %swap3A_83 = vector.shape_cast %broadcast_in_dim3A_78 : vector<16xf32> to vector<1x16xf32>
      tpu.vector_store %arg8[%swap3A_79, %swap3A_80], %swap3A_83 {strides = array<i32>} : memref<128x128xf32, #tpu.memory_space<vmem>>, vector<1x16xf32>,
      %broadcast_in_dim3A_84 = arith.constant 0.000000e+00 : f32
      %broadcast_in_dim3A_85 = vector.broadcast %broadcast_in_dim3A_84 : f32 to vector<16xf32>
      %swap3A_86 = arith.index_cast %scan3A_42 : i32 to index
      %swap3A_87 = arith.constant 96 : index
      %swap3A_88 = tpu.vector_load %arg8[%swap3A_86, %swap3A_87] {strides = array<i32>} : memref<128x128xf32, #tpu.memory_space<vmem>>, vector<1x16xf32>,
      %swap3A_89 = vector.shape_cast %swap3A_88 : vector<1x16xf32> to vector<16xf32>
      %swap3A_90 = vector.shape_cast %broadcast_in_dim3A_85 : vector<16xf32> to vector<1x16xf32>
      tpu.vector_store %arg8[%swap3A_86, %swap3A_87], %swap3A_90 {strides = array<i32>} : memref<128x128xf32, #tpu.memory_space<vmem>>, vector<1x16xf32>,
      %broadcast_in_dim3A_91 = arith.constant 0.000000e+00 : f32
      %broadcast_in_dim3A_92 = vector.broadcast %broadcast_in_dim3A_91 : f32 to vector<16xf32>
      %swap3A_93 = arith.index_cast %scan3A_42 : i32 to index
      %swap3A_94 = arith.constant 112 : index
      %swap3A_95 = tpu.vector_load %arg8[%swap3A_93, %swap3A_94] {strides = array<i32>} : memref<128x128xf32, #tpu.memory_space<vmem>>, vector<1x16xf32>,
      %swap3A_96 = vector.shape_cast %swap3A_95 : vector<1x16xf32> to vector<16xf32>
      %swap3A_97 = vector.shape_cast %broadcast_in_dim3A_92 : vector<16xf32> to vector<1x16xf32>
      tpu.vector_store %arg8[%swap3A_93, %swap3A_94], %swap3A_97 {strides = array<i32>} : memref<128x128xf32, #tpu.memory_space<vmem>>, vector<1x16xf32>,
      %scan3A_98 = arith.constant 0 : i32
      scf.yield %scan3A_98 : i32
    }
    %scan3A_6 = arith.constant 128 : i32
    %mul3A_7 = arith.constant 632 : i32
    %mul3A_8 = arith.muli %arg1, %mul3A_7 : i32
    %add3A_9 = arith.constant 0 : i32
    %add3A_10 = arith.addi %mul3A_8, %add3A_9 : i32
    "tpu.region"() ({
      %run_scoped3A = tpu.sem_alloc : memref<!tpu.dma_semaphore, #tpu.memory_space<semaphore_mem>>
      %dma_start3A = arith.constant 0 : i32
      %dma_start3A_42 = arith.constant 0 : i32
      %dma_start3A_43 = tpu.memref_slice %arg8[%dma_start3A, %dma_start3A_42] : memref<128x128xf32, #tpu.memory_space<vmem>> -> memref<128x128xf32, #tpu.memory_space<vmem>>
      %dma_start3A_44 = arith.constant 0 : i32
      %dma_start3A_45 = tpu.memref_slice %arg9[%add3A_10, %dma_start3A_44] : memref<10112x128xf32, #tpu.memory_space<vmem_shared>> -> memref<128x128xf32, #tpu.memory_space<vmem_shared>>
      %dma_start3A_46 = arith.constant 0 : i32
      %dma_start3A_47 = tpu.memref_slice %arg9[%add3A_10, %dma_start3A_46] : memref<10112x128xf32, #tpu.memory_space<vmem_shared>> -> memref<128x128xf32, #tpu.memory_space<vmem_shared>>
      %dma_start3A_48 = arith.constant 0 : i32
      %dma_start3A_49 = arith.constant 0 : i32
      %dma_start3A_50 = tpu.memref_slice %arg8[%dma_start3A_48, %dma_start3A_49] : memref<128x128xf32, #tpu.memory_space<vmem>> -> memref<128x128xf32, #tpu.memory_space<vmem>>
      tpu.enqueue_dma source(%dma_start3A_50 : memref<128x128xf32, #tpu.memory_space<vmem>>) target(%dma_start3A_47 : memref<128x128xf32, #tpu.memory_space<vmem_shared>>) target_semaphore(%run_scoped3A : memref<!tpu.dma_semaphore, #tpu.memory_space<semaphore_mem>>)
      %dma_wait3A = arith.constant 0 : i32
      %dma_wait3A_51 = arith.constant 0 : i32
      %dma_wait3A_52 = tpu.memref_slice %arg8[%dma_wait3A, %dma_wait3A_51] : memref<128x128xf32, #tpu.memory_space<vmem>> -> memref<128x128xf32, #tpu.memory_space<vmem>>
      %dma_wait3A_53 = arith.constant 0 : i32
      %dma_wait3A_54 = tpu.memref_slice %arg9[%add3A_10, %dma_wait3A_53] : memref<10112x128xf32, #tpu.memory_space<vmem_shared>> -> memref<128x128xf32, #tpu.memory_space<vmem_shared>>
      %dma_wait3A_55 = arith.constant 0 : i32
      %dma_wait3A_56 = tpu.memref_slice %arg9[%add3A_10, %dma_wait3A_55] : memref<10112x128xf32, #tpu.memory_space<vmem_shared>> -> memref<128x128xf32, #tpu.memory_space<vmem_shared>>
      %dma_wait3A_57 = arith.constant 0 : i32
      %dma_wait3A_58 = arith.constant 0 : i32
      %dma_wait3A_59 = tpu.memref_slice %arg8[%dma_wait3A_57, %dma_wait3A_58] : memref<128x128xf32, #tpu.memory_space<vmem>> -> memref<128x128xf32, #tpu.memory_space<vmem>>
      tpu.wait_dma2 semaphore(%run_scoped3A : memref<!tpu.dma_semaphore, #tpu.memory_space<semaphore_mem>>) src(%dma_wait3A_59 : memref<128x128xf32, #tpu.memory_space<vmem>>) dst(%dma_wait3A_56 : memref<128x128xf32, #tpu.memory_space<vmem_shared>>)
      tpu.yield
    }) : () -> ()
    %mul3A_11 = arith.constant 632 : i32
    %mul3A_12 = arith.muli %arg1, %mul3A_11 : i32
    %add3A_13 = arith.constant 128 : i32
    %add3A_14 = arith.addi %mul3A_12, %add3A_13 : i32
    "tpu.region"() ({
      %run_scoped3A = tpu.sem_alloc : memref<!tpu.dma_semaphore, #tpu.memory_space<semaphore_mem>>
      %dma_start3A = arith.constant 0 : i32
      %dma_start3A_42 = arith.constant 0 : i32
      %dma_start3A_43 = tpu.memref_slice %arg8[%dma_start3A, %dma_start3A_42] : memref<128x128xf32, #tpu.memory_space<vmem>> -> memref<128x128xf32, #tpu.memory_space<vmem>>
      %dma_start3A_44 = arith.constant 0 : i32
      %dma_start3A_45 = tpu.memref_slice %arg9[%add3A_14, %dma_start3A_44] : memref<10112x128xf32, #tpu.memory_space<vmem_shared>> -> memref<128x128xf32, #tpu.memory_space<vmem_shared>>
      %dma_start3A_46 = arith.constant 0 : i32
      %dma_start3A_47 = tpu.memref_slice %arg9[%add3A_14, %dma_start3A_46] : memref<10112x128xf32, #tpu.memory_space<vmem_shared>> -> memref<128x128xf32, #tpu.memory_space<vmem_shared>>
      %dma_start3A_48 = arith.constant 0 : i32
      %dma_start3A_49 = arith.constant 0 : i32
      %dma_start3A_50 = tpu.memref_slice %arg8[%dma_start3A_48, %dma_start3A_49] : memref<128x128xf32, #tpu.memory_space<vmem>> -> memref<128x128xf32, #tpu.memory_space<vmem>>
      tpu.enqueue_dma source(%dma_start3A_50 : memref<128x128xf32, #tpu.memory_space<vmem>>) target(%dma_start3A_47 : memref<128x128xf32, #tpu.memory_space<vmem_shared>>) target_semaphore(%run_scoped3A : memref<!tpu.dma_semaphore, #tpu.memory_space<semaphore_mem>>)
      %dma_wait3A = arith.constant 0 : i32
      %dma_wait3A_51 = arith.constant 0 : i32
      %dma_wait3A_52 = tpu.memref_slice %arg8[%dma_wait3A, %dma_wait3A_51] : memref<128x128xf32, #tpu.memory_space<vmem>> -> memref<128x128xf32, #tpu.memory_space<vmem>>
      %dma_wait3A_53 = arith.constant 0 : i32
      %dma_wait3A_54 = tpu.memref_slice %arg9[%add3A_14, %dma_wait3A_53] : memref<10112x128xf32, #tpu.memory_space<vmem_shared>> -> memref<128x128xf32, #tpu.memory_space<vmem_shared>>
      %dma_wait3A_55 = arith.constant 0 : i32
      %dma_wait3A_56 = tpu.memref_slice %arg9[%add3A_14, %dma_wait3A_55] : memref<10112x128xf32, #tpu.memory_space<vmem_shared>> -> memref<128x128xf32, #tpu.memory_space<vmem_shared>>
      %dma_wait3A_57 = arith.constant 0 : i32
      %dma_wait3A_58 = arith.constant 0 : i32
      %dma_wait3A_59 = tpu.memref_slice %arg8[%dma_wait3A_57, %dma_wait3A_58] : memref<128x128xf32, #tpu.memory_space<vmem>> -> memref<128x128xf32, #tpu.memory_space<vmem>>
      tpu.wait_dma2 semaphore(%run_scoped3A : memref<!tpu.dma_semaphore, #tpu.memory_space<semaphore_mem>>) src(%dma_wait3A_59 : memref<128x128xf32, #tpu.memory_space<vmem>>) dst(%dma_wait3A_56 : memref<128x128xf32, #tpu.memory_space<vmem_shared>>)
      tpu.yield
    }) : () -> ()
    %mul3A_15 = arith.constant 632 : i32
    %mul3A_16 = arith.muli %arg1, %mul3A_15 : i32
    %add3A_17 = arith.constant 256 : i32
    %add3A_18 = arith.addi %mul3A_16, %add3A_17 : i32
    "tpu.region"() ({
      %run_scoped3A = tpu.sem_alloc : memref<!tpu.dma_semaphore, #tpu.memory_space<semaphore_mem>>
      %dma_start3A = arith.constant 0 : i32
      %dma_start3A_42 = arith.constant 0 : i32
      %dma_start3A_43 = tpu.memref_slice %arg8[%dma_start3A, %dma_start3A_42] : memref<128x128xf32, #tpu.memory_space<vmem>> -> memref<128x128xf32, #tpu.memory_space<vmem>>
      %dma_start3A_44 = arith.constant 0 : i32
      %dma_start3A_45 = tpu.memref_slice %arg9[%add3A_18, %dma_start3A_44] : memref<10112x128xf32, #tpu.memory_space<vmem_shared>> -> memref<128x128xf32, #tpu.memory_space<vmem_shared>>
      %dma_start3A_46 = arith.constant 0 : i32
      %dma_start3A_47 = tpu.memref_slice %arg9[%add3A_18, %dma_start3A_46] : memref<10112x128xf32, #tpu.memory_space<vmem_shared>> -> memref<128x128xf32, #tpu.memory_space<vmem_shared>>
      %dma_start3A_48 = arith.constant 0 : i32
      %dma_start3A_49 = arith.constant 0 : i32
      %dma_start3A_50 = tpu.memref_slice %arg8[%dma_start3A_48, %dma_start3A_49] : memref<128x128xf32, #tpu.memory_space<vmem>> -> memref<128x128xf32, #tpu.memory_space<vmem>>
      tpu.enqueue_dma source(%dma_start3A_50 : memref<128x128xf32, #tpu.memory_space<vmem>>) target(%dma_start3A_47 : memref<128x128xf32, #tpu.memory_space<vmem_shared>>) target_semaphore(%run_scoped3A : memref<!tpu.dma_semaphore, #tpu.memory_space<semaphore_mem>>)
      %dma_wait3A = arith.constant 0 : i32
      %dma_wait3A_51 = arith.constant 0 : i32
      %dma_wait3A_52 = tpu.memref_slice %arg8[%dma_wait3A, %dma_wait3A_51] : memref<128x128xf32, #tpu.memory_space<vmem>> -> memref<128x128xf32, #tpu.memory_space<vmem>>
      %dma_wait3A_53 = arith.constant 0 : i32
      %dma_wait3A_54 = tpu.memref_slice %arg9[%add3A_18, %dma_wait3A_53] : memref<10112x128xf32, #tpu.memory_space<vmem_shared>> -> memref<128x128xf32, #tpu.memory_space<vmem_shared>>
      %dma_wait3A_55 = arith.constant 0 : i32
      %dma_wait3A_56 = tpu.memref_slice %arg9[%add3A_18, %dma_wait3A_55] : memref<10112x128xf32, #tpu.memory_space<vmem_shared>> -> memref<128x128xf32, #tpu.memory_space<vmem_shared>>
      %dma_wait3A_57 = arith.constant 0 : i32
      %dma_wait3A_58 = arith.constant 0 : i32
      %dma_wait3A_59 = tpu.memref_slice %arg8[%dma_wait3A_57, %dma_wait3A_58] : memref<128x128xf32, #tpu.memory_space<vmem>> -> memref<128x128xf32, #tpu.memory_space<vmem>>
      tpu.wait_dma2 semaphore(%run_scoped3A : memref<!tpu.dma_semaphore, #tpu.memory_space<semaphore_mem>>) src(%dma_wait3A_59 : memref<128x128xf32, #tpu.memory_space<vmem>>) dst(%dma_wait3A_56 : memref<128x128xf32, #tpu.memory_space<vmem_shared>>)
      tpu.yield
    }) : () -> ()
    %mul3A_19 = arith.constant 632 : i32
    %mul3A_20 = arith.muli %arg1, %mul3A_19 : i32
    %add3A_21 = arith.constant 384 : i32
    %add3A_22 = arith.addi %mul3A_20, %add3A_21 : i32
    "tpu.region"() ({
      %run_scoped3A = tpu.sem_alloc : memref<!tpu.dma_semaphore, #tpu.memory_space<semaphore_mem>>
      %dma_start3A = arith.constant 0 : i32
      %dma_start3A_42 = arith.constant 0 : i32
      %dma_start3A_43 = tpu.memref_slice %arg8[%dma_start3A, %dma_start3A_42] : memref<128x128xf32, #tpu.memory_space<vmem>> -> memref<128x128xf32, #tpu.memory_space<vmem>>
      %dma_start3A_44 = arith.constant 0 : i32
      %dma_start3A_45 = tpu.memref_slice %arg9[%add3A_22, %dma_start3A_44] : memref<10112x128xf32, #tpu.memory_space<vmem_shared>> -> memref<128x128xf32, #tpu.memory_space<vmem_shared>>
      %dma_start3A_46 = arith.constant 0 : i32
      %dma_start3A_47 = tpu.memref_slice %arg9[%add3A_22, %dma_start3A_46] : memref<10112x128xf32, #tpu.memory_space<vmem_shared>> -> memref<128x128xf32, #tpu.memory_space<vmem_shared>>
      %dma_start3A_48 = arith.constant 0 : i32
      %dma_start3A_49 = arith.constant 0 : i32
      %dma_start3A_50 = tpu.memref_slice %arg8[%dma_start3A_48, %dma_start3A_49] : memref<128x128xf32, #tpu.memory_space<vmem>> -> memref<128x128xf32, #tpu.memory_space<vmem>>
      tpu.enqueue_dma source(%dma_start3A_50 : memref<128x128xf32, #tpu.memory_space<vmem>>) target(%dma_start3A_47 : memref<128x128xf32, #tpu.memory_space<vmem_shared>>) target_semaphore(%run_scoped3A : memref<!tpu.dma_semaphore, #tpu.memory_space<semaphore_mem>>)
      %dma_wait3A = arith.constant 0 : i32
      %dma_wait3A_51 = arith.constant 0 : i32
      %dma_wait3A_52 = tpu.memref_slice %arg8[%dma_wait3A, %dma_wait3A_51] : memref<128x128xf32, #tpu.memory_space<vmem>> -> memref<128x128xf32, #tpu.memory_space<vmem>>
      %dma_wait3A_53 = arith.constant 0 : i32
      %dma_wait3A_54 = tpu.memref_slice %arg9[%add3A_22, %dma_wait3A_53] : memref<10112x128xf32, #tpu.memory_space<vmem_shared>> -> memref<128x128xf32, #tpu.memory_space<vmem_shared>>
      %dma_wait3A_55 = arith.constant 0 : i32
      %dma_wait3A_56 = tpu.memref_slice %arg9[%add3A_22, %dma_wait3A_55] : memref<10112x128xf32, #tpu.memory_space<vmem_shared>> -> memref<128x128xf32, #tpu.memory_space<vmem_shared>>
      %dma_wait3A_57 = arith.constant 0 : i32
      %dma_wait3A_58 = arith.constant 0 : i32
      %dma_wait3A_59 = tpu.memref_slice %arg8[%dma_wait3A_57, %dma_wait3A_58] : memref<128x128xf32, #tpu.memory_space<vmem>> -> memref<128x128xf32, #tpu.memory_space<vmem>>
      tpu.wait_dma2 semaphore(%run_scoped3A : memref<!tpu.dma_semaphore, #tpu.memory_space<semaphore_mem>>) src(%dma_wait3A_59 : memref<128x128xf32, #tpu.memory_space<vmem>>) dst(%dma_wait3A_56 : memref<128x128xf32, #tpu.memory_space<vmem_shared>>)
      tpu.yield
    }) : () -> ()
    %mul3A_23 = arith.constant 632 : i32
    %mul3A_24 = arith.muli %arg1, %mul3A_23 : i32
    %add3A_25 = arith.constant 512 : i32
    %add3A_26 = arith.addi %mul3A_24, %add3A_25 : i32
    "tpu.region"() ({
      %run_scoped3A = tpu.sem_alloc : memref<!tpu.dma_semaphore, #tpu.memory_space<semaphore_mem>>
      %dma_start3A = arith.constant 0 : i32
      %dma_start3A_42 = arith.constant 0 : i32
      %dma_start3A_43 = tpu.memref_slice %arg8[%dma_start3A, %dma_start3A_42] : memref<128x128xf32, #tpu.memory_space<vmem>> -> memref<120x128xf32, #tpu.memory_space<vmem>>
      %dma_start3A_44 = arith.constant 0 : i32
      %dma_start3A_45 = tpu.memref_slice %arg9[%add3A_26, %dma_start3A_44] : memref<10112x128xf32, #tpu.memory_space<vmem_shared>> -> memref<120x128xf32, #tpu.memory_space<vmem_shared>>
      %dma_start3A_46 = arith.constant 0 : i32
      %dma_start3A_47 = tpu.memref_slice %arg9[%add3A_26, %dma_start3A_46] : memref<10112x128xf32, #tpu.memory_space<vmem_shared>> -> memref<120x128xf32, #tpu.memory_space<vmem_shared>>
      %dma_start3A_48 = arith.constant 0 : i32
      %dma_start3A_49 = arith.constant 0 : i32
      %dma_start3A_50 = tpu.memref_slice %arg8[%dma_start3A_48, %dma_start3A_49] : memref<128x128xf32, #tpu.memory_space<vmem>> -> memref<120x128xf32, #tpu.memory_space<vmem>>
      tpu.enqueue_dma source(%dma_start3A_50 : memref<120x128xf32, #tpu.memory_space<vmem>>) target(%dma_start3A_47 : memref<120x128xf32, #tpu.memory_space<vmem_shared>>) target_semaphore(%run_scoped3A : memref<!tpu.dma_semaphore, #tpu.memory_space<semaphore_mem>>)
      %dma_wait3A = arith.constant 0 : i32
      %dma_wait3A_51 = arith.constant 0 : i32
      %dma_wait3A_52 = tpu.memref_slice %arg8[%dma_wait3A, %dma_wait3A_51] : memref<128x128xf32, #tpu.memory_space<vmem>> -> memref<120x128xf32, #tpu.memory_space<vmem>>
      %dma_wait3A_53 = arith.constant 0 : i32
      %dma_wait3A_54 = tpu.memref_slice %arg9[%add3A_26, %dma_wait3A_53] : memref<10112x128xf32, #tpu.memory_space<vmem_shared>> -> memref<120x128xf32, #tpu.memory_space<vmem_shared>>
      %dma_wait3A_55 = arith.constant 0 : i32
      %dma_wait3A_56 = tpu.memref_slice %arg9[%add3A_26, %dma_wait3A_55] : memref<10112x128xf32, #tpu.memory_space<vmem_shared>> -> memref<120x128xf32, #tpu.memory_space<vmem_shared>>
      %dma_wait3A_57 = arith.constant 0 : i32
      %dma_wait3A_58 = arith.constant 0 : i32
      %dma_wait3A_59 = tpu.memref_slice %arg8[%dma_wait3A_57, %dma_wait3A_58] : memref<128x128xf32, #tpu.memory_space<vmem>> -> memref<120x128xf32, #tpu.memory_space<vmem>>
      tpu.wait_dma2 semaphore(%run_scoped3A : memref<!tpu.dma_semaphore, #tpu.memory_space<semaphore_mem>>) src(%dma_wait3A_59 : memref<120x128xf32, #tpu.memory_space<vmem>>) dst(%dma_wait3A_56 : memref<120x128xf32, #tpu.memory_space<vmem_shared>>)
      tpu.yield
    }) : () -> ()
    %barrier3A = arith.constant 0 : index
    tpu.barrier barrier_id(%barrier3A)
    %scan3A_27 = arith.constant 0 : i32
    %scan3A_28 = arith.constant 0 : i32
    %scan3A_29 = arith.constant 82 : i32
    %scan3A_30 = arith.addi %scan3A_28, %scan3A_29 : i32
    %scan3A_31 = arith.constant 1 : i32
    %scan3A_32 = scf.for %scan3A_42 = %scan3A_28 to %scan3A_30 step %scan3A_31 iter_args(%scan3A_43 = %scan3A_27) -> (i32)  : i32 {
      %dma_start3A = arith.constant 0 : i32
      %dma_start3A_44 = tpu.memref_slice %arg6[%scan3A_42, %dma_start3A] : memref<82x128xi32, #tpu.memory_space<vmem>> -> memref<1x128xi32, #tpu.memory_space<vmem>>
      %dma_start3A_45 = tpu.memref_squeeze %dma_start3A_44 : memref<1x128xi32, #tpu.memory_space<vmem>> -> memref<128xi32, #tpu.memory_space<vmem>>
      %dma_start3A_46 = arith.constant 0 : i32
      %dma_start3A_47 = arith.constant 0 : i32
      %dma_start3A_48 = tpu.memref_slice %arg2[%dma_start3A_46, %dma_start3A_47] : memref<10000x128xf32, #tpu.memory_space<hbm>> -> memref<10000x128xf32, #tpu.memory_space<hbm>>
      tpu.enqueue_indirect_dma source(%dma_start3A_48 : memref<10000x128xf32, #tpu.memory_space<hbm>>) target(%arg8 : memref<128x128xf32, #tpu.memory_space<vmem>>) offsets(%dma_start3A_45 : memref<128xi32, #tpu.memory_space<vmem>>) semaphore(%arg10 : memref<!tpu.dma_semaphore, #tpu.memory_space<semaphore_mem>>)
      %dma_wait3A = arith.constant 0 : i32
      %dma_wait3A_49 = tpu.memref_slice %arg6[%scan3A_42, %dma_wait3A] : memref<82x128xi32, #tpu.memory_space<vmem>> -> memref<1x128xi32, #tpu.memory_space<vmem>>
      %dma_wait3A_50 = tpu.memref_squeeze %dma_wait3A_49 : memref<1x128xi32, #tpu.memory_space<vmem>> -> memref<128xi32, #tpu.memory_space<vmem>>
      %dma_wait3A_51 = arith.constant 0 : i32
      %dma_wait3A_52 = arith.constant 0 : i32
      %dma_wait3A_53 = tpu.memref_slice %arg2[%dma_wait3A_51, %dma_wait3A_52] : memref<10000x128xf32, #tpu.memory_space<hbm>> -> memref<10000x128xf32, #tpu.memory_space<hbm>>
      tpu.wait_indirect_dma semaphore(%arg10 : memref<!tpu.dma_semaphore, #tpu.memory_space<semaphore_mem>>) src(%dma_wait3A_53 : memref<10000x128xf32, #tpu.memory_space<hbm>>) dst(%arg8 : memref<128x128xf32, #tpu.memory_space<vmem>>)
      "tpu.region"() ({
        %run_scoped3A = tpu.sem_alloc : memref<!tpu.dma_semaphore, #tpu.memory_space<semaphore_mem>>
        %dma_start3A_55 = arith.constant 0 : i32
        %dma_start3A_56 = tpu.memref_slice %arg7[%scan3A_42, %dma_start3A_55] : memref<82x128xi32, #tpu.memory_space<vmem>> -> memref<1x128xi32, #tpu.memory_space<vmem>>
        %dma_start3A_57 = tpu.memref_squeeze %dma_start3A_56 : memref<1x128xi32, #tpu.memory_space<vmem>> -> memref<128xi32, #tpu.memory_space<vmem>>
        %dma_start3A_58 = arith.constant 0 : i32
        %dma_start3A_59 = arith.constant 0 : i32
        %dma_start3A_60 = tpu.memref_slice %arg9[%dma_start3A_58, %dma_start3A_59] : memref<10112x128xf32, #tpu.memory_space<vmem_shared>> -> memref<10112x128xf32, #tpu.memory_space<vmem_shared>>
        tpu.enqueue_indirect_dma source(%arg8 : memref<128x128xf32, #tpu.memory_space<vmem>>) target(%dma_start3A_60 : memref<10112x128xf32, #tpu.memory_space<vmem_shared>>) offsets(%dma_start3A_57 : memref<128xi32, #tpu.memory_space<vmem>>) semaphore(%run_scoped3A : memref<!tpu.dma_semaphore, #tpu.memory_space<semaphore_mem>>) {add = true}
        %dma_wait3A_61 = arith.constant 0 : i32
        %dma_wait3A_62 = tpu.memref_slice %arg7[%scan3A_42, %dma_wait3A_61] : memref<82x128xi32, #tpu.memory_space<vmem>> -> memref<1x128xi32, #tpu.memory_space<vmem>>
        %dma_wait3A_63 = tpu.memref_squeeze %dma_wait3A_62 : memref<1x128xi32, #tpu.memory_space<vmem>> -> memref<128xi32, #tpu.memory_space<vmem>>
        %dma_wait3A_64 = arith.constant 0 : i32
        %dma_wait3A_65 = arith.constant 0 : i32
        %dma_wait3A_66 = tpu.memref_slice %arg9[%dma_wait3A_64, %dma_wait3A_65] : memref<10112x128xf32, #tpu.memory_space<vmem_shared>> -> memref<10112x128xf32, #tpu.memory_space<vmem_shared>>
        tpu.wait_indirect_dma semaphore(%run_scoped3A : memref<!tpu.dma_semaphore, #tpu.memory_space<semaphore_mem>>) src(%arg8 : memref<128x128xf32, #tpu.memory_space<vmem>>) dst(%dma_wait3A_66 : memref<10112x128xf32, #tpu.memory_space<vmem_shared>>)
        tpu.yield
      }) : () -> ()
      %scan3A_54 = arith.constant 0 : i32
      scf.yield %scan3A_54 : i32
    }
    %scan3A_33 = arith.constant 82 : i32
    %barrier3A_34 = arith.constant 0 : index
    tpu.barrier barrier_id(%barrier3A_34)
    %mul3A_35 = arith.constant 632 : i32
    %mul3A_36 = arith.muli %arg1, %mul3A_35 : i32
    %mul3A_37 = arith.constant 10112 : i32
    %mul3A_38 = arith.muli %arg0, %mul3A_37 : i32
    %mul3A_39 = arith.constant 632 : i32
    %mul3A_40 = arith.muli %arg1, %mul3A_39 : i32
    %add3A_41 = arith.addi %mul3A_38, %mul3A_40 : i32
    "tpu.region"() ({
      %run_scoped3A = tpu.sem_alloc : memref<!tpu.dma_semaphore, #tpu.memory_space<semaphore_mem>>
      %dma_start3A = arith.constant 0 : i32
      %dma_start3A_42 = tpu.memref_slice %arg5[%add3A_41, %dma_start3A] : memref<20224x128xf32, #tpu.memory_space<hbm>> -> memref<632x128xf32, #tpu.memory_space<hbm>>
      %dma_start3A_43 = arith.constant 0 : i32
      %dma_start3A_44 = tpu.memref_slice %arg9[%mul3A_36, %dma_start3A_43] : memref<10112x128xf32, #tpu.memory_space<vmem_shared>> -> memref<632x128xf32, #tpu.memory_space<vmem_shared>>
      tpu.enqueue_dma source(%dma_start3A_44 : memref<632x128xf32, #tpu.memory_space<vmem_shared>>) target(%dma_start3A_42 : memref<632x128xf32, #tpu.memory_space<hbm>>) target_semaphore(%run_scoped3A : memref<!tpu.dma_semaphore, #tpu.memory_space<semaphore_mem>>)
      %dma_wait3A = arith.constant 0 : i32
      %dma_wait3A_45 = tpu.memref_slice %arg5[%add3A_41, %dma_wait3A] : memref<20224x128xf32, #tpu.memory_space<hbm>> -> memref<632x128xf32, #tpu.memory_space<hbm>>
      %dma_wait3A_46 = arith.constant 0 : i32
      %dma_wait3A_47 = tpu.memref_slice %arg9[%mul3A_36, %dma_wait3A_46] : memref<10112x128xf32, #tpu.memory_space<vmem_shared>> -> memref<632x128xf32, #tpu.memory_space<vmem_shared>>
      tpu.wait_dma2 semaphore(%run_scoped3A : memref<!tpu.dma_semaphore, #tpu.memory_space<semaphore_mem>>) src(%dma_wait3A_47 : memref<632x128xf32, #tpu.memory_space<vmem_shared>>) dst(%dma_wait3A_45 : memref<632x128xf32, #tpu.memory_space<hbm>>)
      tpu.yield
    }) : () -> ()
    return
  }
}

#map = affine_map<(d0, d1) -> (0, 0)>
#map1 = affine_map<(d0, d1) -> (0, 0, 0)>
module attributes {stable_mosaic.version = 14 : i64} {
  func.func @agg_kernel(%arg0: i32, %arg1: i32, %arg2: memref<10000x128xf32, #tpu.memory_space<hbm>>, %arg3: memref<32x82x128xi32, #tpu.memory_space<hbm>>, %arg4: memref<32x82x128xi32, #tpu.memory_space<hbm>>, %arg5: memref<20224x128xf32, #tpu.memory_space<hbm>>, %arg6: memref<82x128xi32, #tpu.memory_space<vmem>>, %arg7: memref<82x128xi32, #tpu.memory_space<vmem>>, %arg8: memref<128x128xf32, #tpu.memory_space<vmem>>, %arg9: memref<10112x128xf32, #tpu.memory_space<vmem_shared>>, %arg10: memref<!tpu.dma_semaphore, #tpu.memory_space<semaphore_mem>>) attributes {dimension_semantics = [#tpu.dimension_semantics<core_parallel>, #tpu.dimension_semantics<subcore_parallel>], iteration_bounds = array<i64: 2, 16>, scalar_prefetch = 0 : i64, scratch_operands = 5 : i64, tpu.core_type = #tpu.core_type<sc_vector_subcore>, window_params = [{transform_indices = #map}, {transform_indices = #map1}, {transform_indices = #map1}, {transform_indices = #map}]} {
    %mul3A = arith.constant 2 : i32
    %mul3A_0 = arith.muli %arg1, %mul3A : i32
    %add3A = arith.addi %mul3A_0, %arg0 : i32
    "tpu.region"() ({
      %run_scoped3A = tpu.sem_alloc : memref<!tpu.dma_semaphore, #tpu.memory_space<semaphore_mem>>
      %dma_start3A = arith.constant 0 : i32
      %dma_start3A_42 = arith.constant 0 : i32
      %dma_start3A_43 = tpu.memref_slice %arg3[%add3A, %dma_start3A, %dma_start3A_42] : memref<32x82x128xi32, #tpu.memory_space<hbm>> -> memref<1x82x128xi32, #tpu.memory_space<hbm>>
      %dma_start3A_44 = tpu.memref_squeeze %dma_start3A_43 : memref<1x82x128xi32, #tpu.memory_space<hbm>> -> memref<82x128xi32, #tpu.memory_space<hbm>>
      %dma_start3A_45 = arith.constant 0 : i32
      %dma_start3A_46 = arith.constant 0 : i32
      %dma_start3A_47 = tpu.memref_slice %arg3[%add3A, %dma_start3A_45, %dma_start3A_46] : memref<32x82x128xi32, #tpu.memory_space<hbm>> -> memref<1x82x128xi32, #tpu.memory_space<hbm>>
      %dma_start3A_48 = tpu.memref_squeeze %dma_start3A_47 : memref<1x82x128xi32, #tpu.memory_space<hbm>> -> memref<82x128xi32, #tpu.memory_space<hbm>>
      tpu.enqueue_dma source(%dma_start3A_48 : memref<82x128xi32, #tpu.memory_space<hbm>>) target(%arg6 : memref<82x128xi32, #tpu.memory_space<vmem>>) target_semaphore(%run_scoped3A : memref<!tpu.dma_semaphore, #tpu.memory_space<semaphore_mem>>)
      %dma_wait3A = arith.constant 0 : i32
      %dma_wait3A_49 = arith.constant 0 : i32
      %dma_wait3A_50 = tpu.memref_slice %arg3[%add3A, %dma_wait3A, %dma_wait3A_49] : memref<32x82x128xi32, #tpu.memory_space<hbm>> -> memref<1x82x128xi32, #tpu.memory_space<hbm>>
      %dma_wait3A_51 = tpu.memref_squeeze %dma_wait3A_50 : memref<1x82x128xi32, #tpu.memory_space<hbm>> -> memref<82x128xi32, #tpu.memory_space<hbm>>
      %dma_wait3A_52 = arith.constant 0 : i32
      %dma_wait3A_53 = arith.constant 0 : i32
      %dma_wait3A_54 = tpu.memref_slice %arg3[%add3A, %dma_wait3A_52, %dma_wait3A_53] : memref<32x82x128xi32, #tpu.memory_space<hbm>> -> memref<1x82x128xi32, #tpu.memory_space<hbm>>
      %dma_wait3A_55 = tpu.memref_squeeze %dma_wait3A_54 : memref<1x82x128xi32, #tpu.memory_space<hbm>> -> memref<82x128xi32, #tpu.memory_space<hbm>>
      tpu.wait_dma2 semaphore(%run_scoped3A : memref<!tpu.dma_semaphore, #tpu.memory_space<semaphore_mem>>) src(%dma_wait3A_55 : memref<82x128xi32, #tpu.memory_space<hbm>>) dst(%arg6 : memref<82x128xi32, #tpu.memory_space<vmem>>)
      tpu.yield
    }) : () -> ()
    "tpu.region"() ({
      %run_scoped3A = tpu.sem_alloc : memref<!tpu.dma_semaphore, #tpu.memory_space<semaphore_mem>>
      %dma_start3A = arith.constant 0 : i32
      %dma_start3A_42 = arith.constant 0 : i32
      %dma_start3A_43 = tpu.memref_slice %arg4[%add3A, %dma_start3A, %dma_start3A_42] : memref<32x82x128xi32, #tpu.memory_space<hbm>> -> memref<1x82x128xi32, #tpu.memory_space<hbm>>
      %dma_start3A_44 = tpu.memref_squeeze %dma_start3A_43 : memref<1x82x128xi32, #tpu.memory_space<hbm>> -> memref<82x128xi32, #tpu.memory_space<hbm>>
      %dma_start3A_45 = arith.constant 0 : i32
      %dma_start3A_46 = arith.constant 0 : i32
      %dma_start3A_47 = tpu.memref_slice %arg4[%add3A, %dma_start3A_45, %dma_start3A_46] : memref<32x82x128xi32, #tpu.memory_space<hbm>> -> memref<1x82x128xi32, #tpu.memory_space<hbm>>
      %dma_start3A_48 = tpu.memref_squeeze %dma_start3A_47 : memref<1x82x128xi32, #tpu.memory_space<hbm>> -> memref<82x128xi32, #tpu.memory_space<hbm>>
      tpu.enqueue_dma source(%dma_start3A_48 : memref<82x128xi32, #tpu.memory_space<hbm>>) target(%arg7 : memref<82x128xi32, #tpu.memory_space<vmem>>) target_semaphore(%run_scoped3A : memref<!tpu.dma_semaphore, #tpu.memory_space<semaphore_mem>>)
      %dma_wait3A = arith.constant 0 : i32
      %dma_wait3A_49 = arith.constant 0 : i32
      %dma_wait3A_50 = tpu.memref_slice %arg4[%add3A, %dma_wait3A, %dma_wait3A_49] : memref<32x82x128xi32, #tpu.memory_space<hbm>> -> memref<1x82x128xi32, #tpu.memory_space<hbm>>
      %dma_wait3A_51 = tpu.memref_squeeze %dma_wait3A_50 : memref<1x82x128xi32, #tpu.memory_space<hbm>> -> memref<82x128xi32, #tpu.memory_space<hbm>>
      %dma_wait3A_52 = arith.constant 0 : i32
      %dma_wait3A_53 = arith.constant 0 : i32
      %dma_wait3A_54 = tpu.memref_slice %arg4[%add3A, %dma_wait3A_52, %dma_wait3A_53] : memref<32x82x128xi32, #tpu.memory_space<hbm>> -> memref<1x82x128xi32, #tpu.memory_space<hbm>>
      %dma_wait3A_55 = tpu.memref_squeeze %dma_wait3A_54 : memref<1x82x128xi32, #tpu.memory_space<hbm>> -> memref<82x128xi32, #tpu.memory_space<hbm>>
      tpu.wait_dma2 semaphore(%run_scoped3A : memref<!tpu.dma_semaphore, #tpu.memory_space<semaphore_mem>>) src(%dma_wait3A_55 : memref<82x128xi32, #tpu.memory_space<hbm>>) dst(%arg7 : memref<82x128xi32, #tpu.memory_space<vmem>>)
      tpu.yield
    }) : () -> ()
    %scan3A = arith.constant 0 : i32
    %scan3A_1 = arith.constant 0 : i32
    %scan3A_2 = arith.constant 128 : i32
    %scan3A_3 = arith.addi %scan3A_1, %scan3A_2 : i32
    %scan3A_4 = arith.constant 1 : i32
    %scan3A_5 = scf.for %scan3A_42 = %scan3A_1 to %scan3A_3 step %scan3A_4 iter_args(%scan3A_43 = %scan3A) -> (i32)  : i32 {
      %broadcast_in_dim3A = arith.constant 0.000000e+00 : f32
      %broadcast_in_dim3A_44 = vector.broadcast %broadcast_in_dim3A : f32 to vector<16xf32>
      %swap3A = arith.index_cast %scan3A_42 : i32 to index
      %swap3A_45 = arith.constant 0 : index
      %swap3A_46 = tpu.vector_load %arg8[%swap3A, %swap3A_45] {strides = array<i32>} : memref<128x128xf32, #tpu.memory_space<vmem>>, vector<1x16xf32>,
      %swap3A_47 = vector.shape_cast %swap3A_46 : vector<1x16xf32> to vector<16xf32>
      %swap3A_48 = vector.shape_cast %broadcast_in_dim3A_44 : vector<16xf32> to vector<1x16xf32>
      tpu.vector_store %arg8[%swap3A, %swap3A_45], %swap3A_48 {strides = array<i32>} : memref<128x128xf32, #tpu.memory_space<vmem>>, vector<1x16xf32>,
      %broadcast_in_dim3A_49 = arith.constant 0.000000e+00 : f32
      %broadcast_in_dim3A_50 = vector.broadcast %broadcast_in_dim3A_49 : f32 to vector<16xf32>
      %swap3A_51 = arith.index_cast %scan3A_42 : i32 to index
      %swap3A_52 = arith.constant 16 : index
      %swap3A_53 = tpu.vector_load %arg8[%swap3A_51, %swap3A_52] {strides = array<i32>} : memref<128x128xf32, #tpu.memory_space<vmem>>, vector<1x16xf32>,
      %swap3A_54 = vector.shape_cast %swap3A_53 : vector<1x16xf32> to vector<16xf32>
      %swap3A_55 = vector.shape_cast %broadcast_in_dim3A_50 : vector<16xf32> to vector<1x16xf32>
      tpu.vector_store %arg8[%swap3A_51, %swap3A_52], %swap3A_55 {strides = array<i32>} : memref<128x128xf32, #tpu.memory_space<vmem>>, vector<1x16xf32>,
      %broadcast_in_dim3A_56 = arith.constant 0.000000e+00 : f32
      %broadcast_in_dim3A_57 = vector.broadcast %broadcast_in_dim3A_56 : f32 to vector<16xf32>
      %swap3A_58 = arith.index_cast %scan3A_42 : i32 to index
      %swap3A_59 = arith.constant 32 : index
      %swap3A_60 = tpu.vector_load %arg8[%swap3A_58, %swap3A_59] {strides = array<i32>} : memref<128x128xf32, #tpu.memory_space<vmem>>, vector<1x16xf32>,
      %swap3A_61 = vector.shape_cast %swap3A_60 : vector<1x16xf32> to vector<16xf32>
      %swap3A_62 = vector.shape_cast %broadcast_in_dim3A_57 : vector<16xf32> to vector<1x16xf32>
      tpu.vector_store %arg8[%swap3A_58, %swap3A_59], %swap3A_62 {strides = array<i32>} : memref<128x128xf32, #tpu.memory_space<vmem>>, vector<1x16xf32>,
      %broadcast_in_dim3A_63 = arith.constant 0.000000e+00 : f32
      %broadcast_in_dim3A_64 = vector.broadcast %broadcast_in_dim3A_63 : f32 to vector<16xf32>
      %swap3A_65 = arith.index_cast %scan3A_42 : i32 to index
      %swap3A_66 = arith.constant 48 : index
      %swap3A_67 = tpu.vector_load %arg8[%swap3A_65, %swap3A_66] {strides = array<i32>} : memref<128x128xf32, #tpu.memory_space<vmem>>, vector<1x16xf32>,
      %swap3A_68 = vector.shape_cast %swap3A_67 : vector<1x16xf32> to vector<16xf32>
      %swap3A_69 = vector.shape_cast %broadcast_in_dim3A_64 : vector<16xf32> to vector<1x16xf32>
      tpu.vector_store %arg8[%swap3A_65, %swap3A_66], %swap3A_69 {strides = array<i32>} : memref<128x128xf32, #tpu.memory_space<vmem>>, vector<1x16xf32>,
      %broadcast_in_dim3A_70 = arith.constant 0.000000e+00 : f32
      %broadcast_in_dim3A_71 = vector.broadcast %broadcast_in_dim3A_70 : f32 to vector<16xf32>
      %swap3A_72 = arith.index_cast %scan3A_42 : i32 to index
      %swap3A_73 = arith.constant 64 : index
      %swap3A_74 = tpu.vector_load %arg8[%swap3A_72, %swap3A_73] {strides = array<i32>} : memref<128x128xf32, #tpu.memory_space<vmem>>, vector<1x16xf32>,
      %swap3A_75 = vector.shape_cast %swap3A_74 : vector<1x16xf32> to vector<16xf32>
      %swap3A_76 = vector.shape_cast %broadcast_in_dim3A_71 : vector<16xf32> to vector<1x16xf32>
      tpu.vector_store %arg8[%swap3A_72, %swap3A_73], %swap3A_76 {strides = array<i32>} : memref<128x128xf32, #tpu.memory_space<vmem>>, vector<1x16xf32>,
      %broadcast_in_dim3A_77 = arith.constant 0.000000e+00 : f32
      %broadcast_in_dim3A_78 = vector.broadcast %broadcast_in_dim3A_77 : f32 to vector<16xf32>
      %swap3A_79 = arith.index_cast %scan3A_42 : i32 to index
      %swap3A_80 = arith.constant 80 : index
      %swap3A_81 = tpu.vector_load %arg8[%swap3A_79, %swap3A_80] {strides = array<i32>} : memref<128x128xf32, #tpu.memory_space<vmem>>, vector<1x16xf32>,
      %swap3A_82 = vector.shape_cast %swap3A_81 : vector<1x16xf32> to vector<16xf32>
      %swap3A_83 = vector.shape_cast %broadcast_in_dim3A_78 : vector<16xf32> to vector<1x16xf32>
      tpu.vector_store %arg8[%swap3A_79, %swap3A_80], %swap3A_83 {strides = array<i32>} : memref<128x128xf32, #tpu.memory_space<vmem>>, vector<1x16xf32>,
      %broadcast_in_dim3A_84 = arith.constant 0.000000e+00 : f32
      %broadcast_in_dim3A_85 = vector.broadcast %broadcast_in_dim3A_84 : f32 to vector<16xf32>
      %swap3A_86 = arith.index_cast %scan3A_42 : i32 to index
      %swap3A_87 = arith.constant 96 : index
      %swap3A_88 = tpu.vector_load %arg8[%swap3A_86, %swap3A_87] {strides = array<i32>} : memref<128x128xf32, #tpu.memory_space<vmem>>, vector<1x16xf32>,
      %swap3A_89 = vector.shape_cast %swap3A_88 : vector<1x16xf32> to vector<16xf32>
      %swap3A_90 = vector.shape_cast %broadcast_in_dim3A_85 : vector<16xf32> to vector<1x16xf32>
      tpu.vector_store %arg8[%swap3A_86, %swap3A_87], %swap3A_90 {strides = array<i32>} : memref<128x128xf32, #tpu.memory_space<vmem>>, vector<1x16xf32>,
      %broadcast_in_dim3A_91 = arith.constant 0.000000e+00 : f32
      %broadcast_in_dim3A_92 = vector.broadcast %broadcast_in_dim3A_91 : f32 to vector<16xf32>
      %swap3A_93 = arith.index_cast %scan3A_42 : i32 to index
      %swap3A_94 = arith.constant 112 : index
      %swap3A_95 = tpu.vector_load %arg8[%swap3A_93, %swap3A_94] {strides = array<i32>} : memref<128x128xf32, #tpu.memory_space<vmem>>, vector<1x16xf32>,
      %swap3A_96 = vector.shape_cast %swap3A_95 : vector<1x16xf32> to vector<16xf32>
      %swap3A_97 = vector.shape_cast %broadcast_in_dim3A_92 : vector<16xf32> to vector<1x16xf32>
      tpu.vector_store %arg8[%swap3A_93, %swap3A_94], %swap3A_97 {strides = array<i32>} : memref<128x128xf32, #tpu.memory_space<vmem>>, vector<1x16xf32>,
      %scan3A_98 = arith.constant 0 : i32
      scf.yield %scan3A_98 : i32
    }
    %scan3A_6 = arith.constant 128 : i32
    %mul3A_7 = arith.constant 632 : i32
    %mul3A_8 = arith.muli %arg1, %mul3A_7 : i32
    %add3A_9 = arith.constant 0 : i32
    %add3A_10 = arith.addi %mul3A_8, %add3A_9 : i32
    "tpu.region"() ({
      %run_scoped3A = tpu.sem_alloc : memref<!tpu.dma_semaphore, #tpu.memory_space<semaphore_mem>>
      %dma_start3A = arith.constant 0 : i32
      %dma_start3A_42 = arith.constant 0 : i32
      %dma_start3A_43 = tpu.memref_slice %arg8[%dma_start3A, %dma_start3A_42] : memref<128x128xf32, #tpu.memory_space<vmem>> -> memref<128x128xf32, #tpu.memory_space<vmem>>
      %dma_start3A_44 = arith.constant 0 : i32
      %dma_start3A_45 = tpu.memref_slice %arg9[%add3A_10, %dma_start3A_44] : memref<10112x128xf32, #tpu.memory_space<vmem_shared>> -> memref<128x128xf32, #tpu.memory_space<vmem_shared>>
      %dma_start3A_46 = arith.constant 0 : i32
      %dma_start3A_47 = tpu.memref_slice %arg9[%add3A_10, %dma_start3A_46] : memref<10112x128xf32, #tpu.memory_space<vmem_shared>> -> memref<128x128xf32, #tpu.memory_space<vmem_shared>>
      %dma_start3A_48 = arith.constant 0 : i32
      %dma_start3A_49 = arith.constant 0 : i32
      %dma_start3A_50 = tpu.memref_slice %arg8[%dma_start3A_48, %dma_start3A_49] : memref<128x128xf32, #tpu.memory_space<vmem>> -> memref<128x128xf32, #tpu.memory_space<vmem>>
      tpu.enqueue_dma source(%dma_start3A_50 : memref<128x128xf32, #tpu.memory_space<vmem>>) target(%dma_start3A_47 : memref<128x128xf32, #tpu.memory_space<vmem_shared>>) target_semaphore(%run_scoped3A : memref<!tpu.dma_semaphore, #tpu.memory_space<semaphore_mem>>)
      %dma_wait3A = arith.constant 0 : i32
      %dma_wait3A_51 = arith.constant 0 : i32
      %dma_wait3A_52 = tpu.memref_slice %arg8[%dma_wait3A, %dma_wait3A_51] : memref<128x128xf32, #tpu.memory_space<vmem>> -> memref<128x128xf32, #tpu.memory_space<vmem>>
      %dma_wait3A_53 = arith.constant 0 : i32
      %dma_wait3A_54 = tpu.memref_slice %arg9[%add3A_10, %dma_wait3A_53] : memref<10112x128xf32, #tpu.memory_space<vmem_shared>> -> memref<128x128xf32, #tpu.memory_space<vmem_shared>>
      %dma_wait3A_55 = arith.constant 0 : i32
      %dma_wait3A_56 = tpu.memref_slice %arg9[%add3A_10, %dma_wait3A_55] : memref<10112x128xf32, #tpu.memory_space<vmem_shared>> -> memref<128x128xf32, #tpu.memory_space<vmem_shared>>
      %dma_wait3A_57 = arith.constant 0 : i32
      %dma_wait3A_58 = arith.constant 0 : i32
      %dma_wait3A_59 = tpu.memref_slice %arg8[%dma_wait3A_57, %dma_wait3A_58] : memref<128x128xf32, #tpu.memory_space<vmem>> -> memref<128x128xf32, #tpu.memory_space<vmem>>
      tpu.wait_dma2 semaphore(%run_scoped3A : memref<!tpu.dma_semaphore, #tpu.memory_space<semaphore_mem>>) src(%dma_wait3A_59 : memref<128x128xf32, #tpu.memory_space<vmem>>) dst(%dma_wait3A_56 : memref<128x128xf32, #tpu.memory_space<vmem_shared>>)
      tpu.yield
    }) : () -> ()
    %mul3A_11 = arith.constant 632 : i32
    %mul3A_12 = arith.muli %arg1, %mul3A_11 : i32
    %add3A_13 = arith.constant 128 : i32
    %add3A_14 = arith.addi %mul3A_12, %add3A_13 : i32
    "tpu.region"() ({
      %run_scoped3A = tpu.sem_alloc : memref<!tpu.dma_semaphore, #tpu.memory_space<semaphore_mem>>
      %dma_start3A = arith.constant 0 : i32
      %dma_start3A_42 = arith.constant 0 : i32
      %dma_start3A_43 = tpu.memref_slice %arg8[%dma_start3A, %dma_start3A_42] : memref<128x128xf32, #tpu.memory_space<vmem>> -> memref<128x128xf32, #tpu.memory_space<vmem>>
      %dma_start3A_44 = arith.constant 0 : i32
      %dma_start3A_45 = tpu.memref_slice %arg9[%add3A_14, %dma_start3A_44] : memref<10112x128xf32, #tpu.memory_space<vmem_shared>> -> memref<128x128xf32, #tpu.memory_space<vmem_shared>>
      %dma_start3A_46 = arith.constant 0 : i32
      %dma_start3A_47 = tpu.memref_slice %arg9[%add3A_14, %dma_start3A_46] : memref<10112x128xf32, #tpu.memory_space<vmem_shared>> -> memref<128x128xf32, #tpu.memory_space<vmem_shared>>
      %dma_start3A_48 = arith.constant 0 : i32
      %dma_start3A_49 = arith.constant 0 : i32
      %dma_start3A_50 = tpu.memref_slice %arg8[%dma_start3A_48, %dma_start3A_49] : memref<128x128xf32, #tpu.memory_space<vmem>> -> memref<128x128xf32, #tpu.memory_space<vmem>>
      tpu.enqueue_dma source(%dma_start3A_50 : memref<128x128xf32, #tpu.memory_space<vmem>>) target(%dma_start3A_47 : memref<128x128xf32, #tpu.memory_space<vmem_shared>>) target_semaphore(%run_scoped3A : memref<!tpu.dma_semaphore, #tpu.memory_space<semaphore_mem>>)
      %dma_wait3A = arith.constant 0 : i32
      %dma_wait3A_51 = arith.constant 0 : i32
      %dma_wait3A_52 = tpu.memref_slice %arg8[%dma_wait3A, %dma_wait3A_51] : memref<128x128xf32, #tpu.memory_space<vmem>> -> memref<128x128xf32, #tpu.memory_space<vmem>>
      %dma_wait3A_53 = arith.constant 0 : i32
      %dma_wait3A_54 = tpu.memref_slice %arg9[%add3A_14, %dma_wait3A_53] : memref<10112x128xf32, #tpu.memory_space<vmem_shared>> -> memref<128x128xf32, #tpu.memory_space<vmem_shared>>
      %dma_wait3A_55 = arith.constant 0 : i32
      %dma_wait3A_56 = tpu.memref_slice %arg9[%add3A_14, %dma_wait3A_55] : memref<10112x128xf32, #tpu.memory_space<vmem_shared>> -> memref<128x128xf32, #tpu.memory_space<vmem_shared>>
      %dma_wait3A_57 = arith.constant 0 : i32
      %dma_wait3A_58 = arith.constant 0 : i32
      %dma_wait3A_59 = tpu.memref_slice %arg8[%dma_wait3A_57, %dma_wait3A_58] : memref<128x128xf32, #tpu.memory_space<vmem>> -> memref<128x128xf32, #tpu.memory_space<vmem>>
      tpu.wait_dma2 semaphore(%run_scoped3A : memref<!tpu.dma_semaphore, #tpu.memory_space<semaphore_mem>>) src(%dma_wait3A_59 : memref<128x128xf32, #tpu.memory_space<vmem>>) dst(%dma_wait3A_56 : memref<128x128xf32, #tpu.memory_space<vmem_shared>>)
      tpu.yield
    }) : () -> ()
    %mul3A_15 = arith.constant 632 : i32
    %mul3A_16 = arith.muli %arg1, %mul3A_15 : i32
    %add3A_17 = arith.constant 256 : i32
    %add3A_18 = arith.addi %mul3A_16, %add3A_17 : i32
    "tpu.region"() ({
      %run_scoped3A = tpu.sem_alloc : memref<!tpu.dma_semaphore, #tpu.memory_space<semaphore_mem>>
      %dma_start3A = arith.constant 0 : i32
      %dma_start3A_42 = arith.constant 0 : i32
      %dma_start3A_43 = tpu.memref_slice %arg8[%dma_start3A, %dma_start3A_42] : memref<128x128xf32, #tpu.memory_space<vmem>> -> memref<128x128xf32, #tpu.memory_space<vmem>>
      %dma_start3A_44 = arith.constant 0 : i32
      %dma_start3A_45 = tpu.memref_slice %arg9[%add3A_18, %dma_start3A_44] : memref<10112x128xf32, #tpu.memory_space<vmem_shared>> -> memref<128x128xf32, #tpu.memory_space<vmem_shared>>
      %dma_start3A_46 = arith.constant 0 : i32
      %dma_start3A_47 = tpu.memref_slice %arg9[%add3A_18, %dma_start3A_46] : memref<10112x128xf32, #tpu.memory_space<vmem_shared>> -> memref<128x128xf32, #tpu.memory_space<vmem_shared>>
      %dma_start3A_48 = arith.constant 0 : i32
      %dma_start3A_49 = arith.constant 0 : i32
      %dma_start3A_50 = tpu.memref_slice %arg8[%dma_start3A_48, %dma_start3A_49] : memref<128x128xf32, #tpu.memory_space<vmem>> -> memref<128x128xf32, #tpu.memory_space<vmem>>
      tpu.enqueue_dma source(%dma_start3A_50 : memref<128x128xf32, #tpu.memory_space<vmem>>) target(%dma_start3A_47 : memref<128x128xf32, #tpu.memory_space<vmem_shared>>) target_semaphore(%run_scoped3A : memref<!tpu.dma_semaphore, #tpu.memory_space<semaphore_mem>>)
      %dma_wait3A = arith.constant 0 : i32
      %dma_wait3A_51 = arith.constant 0 : i32
      %dma_wait3A_52 = tpu.memref_slice %arg8[%dma_wait3A, %dma_wait3A_51] : memref<128x128xf32, #tpu.memory_space<vmem>> -> memref<128x128xf32, #tpu.memory_space<vmem>>
      %dma_wait3A_53 = arith.constant 0 : i32
      %dma_wait3A_54 = tpu.memref_slice %arg9[%add3A_18, %dma_wait3A_53] : memref<10112x128xf32, #tpu.memory_space<vmem_shared>> -> memref<128x128xf32, #tpu.memory_space<vmem_shared>>
      %dma_wait3A_55 = arith.constant 0 : i32
      %dma_wait3A_56 = tpu.memref_slice %arg9[%add3A_18, %dma_wait3A_55] : memref<10112x128xf32, #tpu.memory_space<vmem_shared>> -> memref<128x128xf32, #tpu.memory_space<vmem_shared>>
      %dma_wait3A_57 = arith.constant 0 : i32
      %dma_wait3A_58 = arith.constant 0 : i32
      %dma_wait3A_59 = tpu.memref_slice %arg8[%dma_wait3A_57, %dma_wait3A_58] : memref<128x128xf32, #tpu.memory_space<vmem>> -> memref<128x128xf32, #tpu.memory_space<vmem>>
      tpu.wait_dma2 semaphore(%run_scoped3A : memref<!tpu.dma_semaphore, #tpu.memory_space<semaphore_mem>>) src(%dma_wait3A_59 : memref<128x128xf32, #tpu.memory_space<vmem>>) dst(%dma_wait3A_56 : memref<128x128xf32, #tpu.memory_space<vmem_shared>>)
      tpu.yield
    }) : () -> ()
    %mul3A_19 = arith.constant 632 : i32
    %mul3A_20 = arith.muli %arg1, %mul3A_19 : i32
    %add3A_21 = arith.constant 384 : i32
    %add3A_22 = arith.addi %mul3A_20, %add3A_21 : i32
    "tpu.region"() ({
      %run_scoped3A = tpu.sem_alloc : memref<!tpu.dma_semaphore, #tpu.memory_space<semaphore_mem>>
      %dma_start3A = arith.constant 0 : i32
      %dma_start3A_42 = arith.constant 0 : i32
      %dma_start3A_43 = tpu.memref_slice %arg8[%dma_start3A, %dma_start3A_42] : memref<128x128xf32, #tpu.memory_space<vmem>> -> memref<128x128xf32, #tpu.memory_space<vmem>>
      %dma_start3A_44 = arith.constant 0 : i32
      %dma_start3A_45 = tpu.memref_slice %arg9[%add3A_22, %dma_start3A_44] : memref<10112x128xf32, #tpu.memory_space<vmem_shared>> -> memref<128x128xf32, #tpu.memory_space<vmem_shared>>
      %dma_start3A_46 = arith.constant 0 : i32
      %dma_start3A_47 = tpu.memref_slice %arg9[%add3A_22, %dma_start3A_46] : memref<10112x128xf32, #tpu.memory_space<vmem_shared>> -> memref<128x128xf32, #tpu.memory_space<vmem_shared>>
      %dma_start3A_48 = arith.constant 0 : i32
      %dma_start3A_49 = arith.constant 0 : i32
      %dma_start3A_50 = tpu.memref_slice %arg8[%dma_start3A_48, %dma_start3A_49] : memref<128x128xf32, #tpu.memory_space<vmem>> -> memref<128x128xf32, #tpu.memory_space<vmem>>
      tpu.enqueue_dma source(%dma_start3A_50 : memref<128x128xf32, #tpu.memory_space<vmem>>) target(%dma_start3A_47 : memref<128x128xf32, #tpu.memory_space<vmem_shared>>) target_semaphore(%run_scoped3A : memref<!tpu.dma_semaphore, #tpu.memory_space<semaphore_mem>>)
      %dma_wait3A = arith.constant 0 : i32
      %dma_wait3A_51 = arith.constant 0 : i32
      %dma_wait3A_52 = tpu.memref_slice %arg8[%dma_wait3A, %dma_wait3A_51] : memref<128x128xf32, #tpu.memory_space<vmem>> -> memref<128x128xf32, #tpu.memory_space<vmem>>
      %dma_wait3A_53 = arith.constant 0 : i32
      %dma_wait3A_54 = tpu.memref_slice %arg9[%add3A_22, %dma_wait3A_53] : memref<10112x128xf32, #tpu.memory_space<vmem_shared>> -> memref<128x128xf32, #tpu.memory_space<vmem_shared>>
      %dma_wait3A_55 = arith.constant 0 : i32
      %dma_wait3A_56 = tpu.memref_slice %arg9[%add3A_22, %dma_wait3A_55] : memref<10112x128xf32, #tpu.memory_space<vmem_shared>> -> memref<128x128xf32, #tpu.memory_space<vmem_shared>>
      %dma_wait3A_57 = arith.constant 0 : i32
      %dma_wait3A_58 = arith.constant 0 : i32
      %dma_wait3A_59 = tpu.memref_slice %arg8[%dma_wait3A_57, %dma_wait3A_58] : memref<128x128xf32, #tpu.memory_space<vmem>> -> memref<128x128xf32, #tpu.memory_space<vmem>>
      tpu.wait_dma2 semaphore(%run_scoped3A : memref<!tpu.dma_semaphore, #tpu.memory_space<semaphore_mem>>) src(%dma_wait3A_59 : memref<128x128xf32, #tpu.memory_space<vmem>>) dst(%dma_wait3A_56 : memref<128x128xf32, #tpu.memory_space<vmem_shared>>)
      tpu.yield
    }) : () -> ()
    %mul3A_23 = arith.constant 632 : i32
    %mul3A_24 = arith.muli %arg1, %mul3A_23 : i32
    %add3A_25 = arith.constant 512 : i32
    %add3A_26 = arith.addi %mul3A_24, %add3A_25 : i32
    "tpu.region"() ({
      %run_scoped3A = tpu.sem_alloc : memref<!tpu.dma_semaphore, #tpu.memory_space<semaphore_mem>>
      %dma_start3A = arith.constant 0 : i32
      %dma_start3A_42 = arith.constant 0 : i32
      %dma_start3A_43 = tpu.memref_slice %arg8[%dma_start3A, %dma_start3A_42] : memref<128x128xf32, #tpu.memory_space<vmem>> -> memref<120x128xf32, #tpu.memory_space<vmem>>
      %dma_start3A_44 = arith.constant 0 : i32
      %dma_start3A_45 = tpu.memref_slice %arg9[%add3A_26, %dma_start3A_44] : memref<10112x128xf32, #tpu.memory_space<vmem_shared>> -> memref<120x128xf32, #tpu.memory_space<vmem_shared>>
      %dma_start3A_46 = arith.constant 0 : i32
      %dma_start3A_47 = tpu.memref_slice %arg9[%add3A_26, %dma_start3A_46] : memref<10112x128xf32, #tpu.memory_space<vmem_shared>> -> memref<120x128xf32, #tpu.memory_space<vmem_shared>>
      %dma_start3A_48 = arith.constant 0 : i32
      %dma_start3A_49 = arith.constant 0 : i32
      %dma_start3A_50 = tpu.memref_slice %arg8[%dma_start3A_48, %dma_start3A_49] : memref<128x128xf32, #tpu.memory_space<vmem>> -> memref<120x128xf32, #tpu.memory_space<vmem>>
      tpu.enqueue_dma source(%dma_start3A_50 : memref<120x128xf32, #tpu.memory_space<vmem>>) target(%dma_start3A_47 : memref<120x128xf32, #tpu.memory_space<vmem_shared>>) target_semaphore(%run_scoped3A : memref<!tpu.dma_semaphore, #tpu.memory_space<semaphore_mem>>)
      %dma_wait3A = arith.constant 0 : i32
      %dma_wait3A_51 = arith.constant 0 : i32
      %dma_wait3A_52 = tpu.memref_slice %arg8[%dma_wait3A, %dma_wait3A_51] : memref<128x128xf32, #tpu.memory_space<vmem>> -> memref<120x128xf32, #tpu.memory_space<vmem>>
      %dma_wait3A_53 = arith.constant 0 : i32
      %dma_wait3A_54 = tpu.memref_slice %arg9[%add3A_26, %dma_wait3A_53] : memref<10112x128xf32, #tpu.memory_space<vmem_shared>> -> memref<120x128xf32, #tpu.memory_space<vmem_shared>>
      %dma_wait3A_55 = arith.constant 0 : i32
      %dma_wait3A_56 = tpu.memref_slice %arg9[%add3A_26, %dma_wait3A_55] : memref<10112x128xf32, #tpu.memory_space<vmem_shared>> -> memref<120x128xf32, #tpu.memory_space<vmem_shared>>
      %dma_wait3A_57 = arith.constant 0 : i32
      %dma_wait3A_58 = arith.constant 0 : i32
      %dma_wait3A_59 = tpu.memref_slice %arg8[%dma_wait3A_57, %dma_wait3A_58] : memref<128x128xf32, #tpu.memory_space<vmem>> -> memref<120x128xf32, #tpu.memory_space<vmem>>
      tpu.wait_dma2 semaphore(%run_scoped3A : memref<!tpu.dma_semaphore, #tpu.memory_space<semaphore_mem>>) src(%dma_wait3A_59 : memref<120x128xf32, #tpu.memory_space<vmem>>) dst(%dma_wait3A_56 : memref<120x128xf32, #tpu.memory_space<vmem_shared>>)
      tpu.yield
    }) : () -> ()
    %barrier3A = arith.constant 0 : index
    tpu.barrier barrier_id(%barrier3A)
    %scan3A_27 = arith.constant 0 : i32
    %scan3A_28 = arith.constant 0 : i32
    %scan3A_29 = arith.constant 82 : i32
    %scan3A_30 = arith.addi %scan3A_28, %scan3A_29 : i32
    %scan3A_31 = arith.constant 1 : i32
    %scan3A_32 = scf.for %scan3A_42 = %scan3A_28 to %scan3A_30 step %scan3A_31 iter_args(%scan3A_43 = %scan3A_27) -> (i32)  : i32 {
      %dma_start3A = arith.constant 0 : i32
      %dma_start3A_44 = tpu.memref_slice %arg6[%scan3A_42, %dma_start3A] : memref<82x128xi32, #tpu.memory_space<vmem>> -> memref<1x128xi32, #tpu.memory_space<vmem>>
      %dma_start3A_45 = tpu.memref_squeeze %dma_start3A_44 : memref<1x128xi32, #tpu.memory_space<vmem>> -> memref<128xi32, #tpu.memory_space<vmem>>
      %dma_start3A_46 = arith.constant 0 : i32
      %dma_start3A_47 = arith.constant 0 : i32
      %dma_start3A_48 = tpu.memref_slice %arg2[%dma_start3A_46, %dma_start3A_47] : memref<10000x128xf32, #tpu.memory_space<hbm>> -> memref<10000x128xf32, #tpu.memory_space<hbm>>
      tpu.enqueue_indirect_dma source(%dma_start3A_48 : memref<10000x128xf32, #tpu.memory_space<hbm>>) target(%arg8 : memref<128x128xf32, #tpu.memory_space<vmem>>) offsets(%dma_start3A_45 : memref<128xi32, #tpu.memory_space<vmem>>) semaphore(%arg10 : memref<!tpu.dma_semaphore, #tpu.memory_space<semaphore_mem>>)
      %dma_wait3A = arith.constant 0 : i32
      %dma_wait3A_49 = tpu.memref_slice %arg6[%scan3A_42, %dma_wait3A] : memref<82x128xi32, #tpu.memory_space<vmem>> -> memref<1x128xi32, #tpu.memory_space<vmem>>
      %dma_wait3A_50 = tpu.memref_squeeze %dma_wait3A_49 : memref<1x128xi32, #tpu.memory_space<vmem>> -> memref<128xi32, #tpu.memory_space<vmem>>
      %dma_wait3A_51 = arith.constant 0 : i32
      %dma_wait3A_52 = arith.constant 0 : i32
      %dma_wait3A_53 = tpu.memref_slice %arg2[%dma_wait3A_51, %dma_wait3A_52] : memref<10000x128xf32, #tpu.memory_space<hbm>> -> memref<10000x128xf32, #tpu.memory_space<hbm>>
      tpu.wait_indirect_dma semaphore(%arg10 : memref<!tpu.dma_semaphore, #tpu.memory_space<semaphore_mem>>) src(%dma_wait3A_53 : memref<10000x128xf32, #tpu.memory_space<hbm>>) dst(%arg8 : memref<128x128xf32, #tpu.memory_space<vmem>>)
      "tpu.region"() ({
        %run_scoped3A = tpu.sem_alloc : memref<!tpu.dma_semaphore, #tpu.memory_space<semaphore_mem>>
        %dma_start3A_55 = arith.constant 0 : i32
        %dma_start3A_56 = tpu.memref_slice %arg7[%scan3A_42, %dma_start3A_55] : memref<82x128xi32, #tpu.memory_space<vmem>> -> memref<1x128xi32, #tpu.memory_space<vmem>>
        %dma_start3A_57 = tpu.memref_squeeze %dma_start3A_56 : memref<1x128xi32, #tpu.memory_space<vmem>> -> memref<128xi32, #tpu.memory_space<vmem>>
        %dma_start3A_58 = arith.constant 0 : i32
        %dma_start3A_59 = arith.constant 0 : i32
        %dma_start3A_60 = tpu.memref_slice %arg9[%dma_start3A_58, %dma_start3A_59] : memref<10112x128xf32, #tpu.memory_space<vmem_shared>> -> memref<10112x128xf32, #tpu.memory_space<vmem_shared>>
        tpu.enqueue_indirect_dma source(%arg8 : memref<128x128xf32, #tpu.memory_space<vmem>>) target(%dma_start3A_60 : memref<10112x128xf32, #tpu.memory_space<vmem_shared>>) offsets(%dma_start3A_57 : memref<128xi32, #tpu.memory_space<vmem>>) semaphore(%run_scoped3A : memref<!tpu.dma_semaphore, #tpu.memory_space<semaphore_mem>>) {add = true}
        %dma_wait3A_61 = arith.constant 0 : i32
        %dma_wait3A_62 = tpu.memref_slice %arg7[%scan3A_42, %dma_wait3A_61] : memref<82x128xi32, #tpu.memory_space<vmem>> -> memref<1x128xi32, #tpu.memory_space<vmem>>
        %dma_wait3A_63 = tpu.memref_squeeze %dma_wait3A_62 : memref<1x128xi32, #tpu.memory_space<vmem>> -> memref<128xi32, #tpu.memory_space<vmem>>
        %dma_wait3A_64 = arith.constant 0 : i32
        %dma_wait3A_65 = arith.constant 0 : i32
        %dma_wait3A_66 = tpu.memref_slice %arg9[%dma_wait3A_64, %dma_wait3A_65] : memref<10112x128xf32, #tpu.memory_space<vmem_shared>> -> memref<10112x128xf32, #tpu.memory_space<vmem_shared>>
        tpu.wait_indirect_dma semaphore(%run_scoped3A : memref<!tpu.dma_semaphore, #tpu.memory_space<semaphore_mem>>) src(%arg8 : memref<128x128xf32, #tpu.memory_space<vmem>>) dst(%dma_wait3A_66 : memref<10112x128xf32, #tpu.memory_space<vmem_shared>>)
        tpu.yield
      }) : () -> ()
      %scan3A_54 = arith.constant 0 : i32
      scf.yield %scan3A_54 : i32
    }
    %scan3A_33 = arith.constant 82 : i32
    %barrier3A_34 = arith.constant 0 : index
    tpu.barrier barrier_id(%barrier3A_34)
    %mul3A_35 = arith.constant 632 : i32
    %mul3A_36 = arith.muli %arg1, %mul3A_35 : i32
    %mul3A_37 = arith.constant 10112 : i32
    %mul3A_38 = arith.muli %arg0, %mul3A_37 : i32
    %mul3A_39 = arith.constant 632 : i32
    %mul3A_40 = arith.muli %arg1, %mul3A_39 : i32
    %add3A_41 = arith.addi %mul3A_38, %mul3A_40 : i32
    "tpu.region"() ({
      %run_scoped3A = tpu.sem_alloc : memref<!tpu.dma_semaphore, #tpu.memory_space<semaphore_mem>>
      %dma_start3A = arith.constant 0 : i32
      %dma_start3A_42 = tpu.memref_slice %arg5[%add3A_41, %dma_start3A] : memref<20224x128xf32, #tpu.memory_space<hbm>> -> memref<632x128xf32, #tpu.memory_space<hbm>>
      %dma_start3A_43 = arith.constant 0 : i32
      %dma_start3A_44 = tpu.memref_slice %arg9[%mul3A_36, %dma_start3A_43] : memref<10112x128xf32, #tpu.memory_space<vmem_shared>> -> memref<632x128xf32, #tpu.memory_space<vmem_shared>>
      tpu.enqueue_dma source(%dma_start3A_44 : memref<632x128xf32, #tpu.memory_space<vmem_shared>>) target(%dma_start3A_42 : memref<632x128xf32, #tpu.memory_space<hbm>>) target_semaphore(%run_scoped3A : memref<!tpu.dma_semaphore, #tpu.memory_space<semaphore_mem>>)
      %dma_wait3A = arith.constant 0 : i32
      %dma_wait3A_45 = tpu.memref_slice %arg5[%add3A_41, %dma_wait3A] : memref<20224x128xf32, #tpu.memory_space<hbm>> -> memref<632x128xf32, #tpu.memory_space<hbm>>
      %dma_wait3A_46 = arith.constant 0 : i32
      %dma_wait3A_47 = tpu.memref_slice %arg9[%mul3A_36, %dma_wait3A_46] : memref<10112x128xf32, #tpu.memory_space<vmem_shared>> -> memref<632x128xf32, #tpu.memory_space<vmem_shared>>
      tpu.wait_dma2 semaphore(%run_scoped3A : memref<!tpu.dma_semaphore, #tpu.memory_space<semaphore_mem>>) src(%dma_wait3A_47 : memref<632x128xf32, #tpu.memory_space<vmem_shared>>) dst(%dma_wait3A_45 : memref<632x128xf32, #tpu.memory_space<hbm>>)
      tpu.yield
    }) : () -> ()
    return
  }
}

module attributes {stable_mosaic.version = 14 : i64} {
  func.func @body(%arg0: memref<2x10112x128xf32, #tpu.memory_space<vmem>>, %arg1: memref<10000x128xf32, #tpu.memory_space<vmem>>, %arg2: memref<128x128xf32, #tpu.memory_space<vmem>>, %arg3: memref<10112x1xf32, #tpu.memory_space<vmem>>, %arg4: memref<10000x128xf32, #tpu.memory_space<vmem>>) attributes {dimension_semantics = [], scalar_prefetch = 0 : i64, scratch_operands = 0 : i64, tpu.core_type = #tpu.core_type<tc>} {
    %get3A = arith.constant 0 : index
    %get3A_0 = arith.constant 0 : index
    %get3A_1 = arith.constant 0 : index
    %get3A_2 = vector.load %arg0[%get3A, %get3A_0, %get3A_1] : memref<2x10112x128xf32, #tpu.memory_space<vmem>>, vector<1x10112x1xf32>
    %get3A_3 = vector.shape_cast %get3A_2 : vector<1x10112x1xf32> to vector<10112x1xf32>
    %get3A_4 = arith.constant 1 : index
    %get3A_5 = arith.constant 0 : index
    %get3A_6 = arith.constant 0 : index
    %get3A_7 = vector.load %arg0[%get3A_4, %get3A_5, %get3A_6] : memref<2x10112x128xf32, #tpu.memory_space<vmem>>, vector<1x10112x1xf32>
    %get3A_8 = vector.shape_cast %get3A_7 : vector<1x10112x1xf32> to vector<10112x1xf32>
    %add3A = arith.addf %get3A_3, %get3A_8 : vector<10112x1xf32>
    %gt3A = arith.constant 0.000000e+00 : f32
    %gt3A_9 = vector.broadcast %gt3A : f32 to vector<10112x1xf32>
    %gt3A_10 = arith.cmpf ogt, %add3A, %gt3A_9 : vector<10112x1xf32>
    %rsqrt3A = math.rsqrt %add3A : vector<10112x1xf32>
    %jit3A = arith.constant 0.000000e+00 : f32
    %broadcast_in_dim3A = vector.broadcast %jit3A : f32 to vector<10112x1xf32>
    %select_n3A = arith.select %gt3A_10, %rsqrt3A, %broadcast_in_dim3A : vector<10112x1xi1>, vector<10112x1xf32>
    %swap3A = arith.constant 0 : index
    %swap3A_11 = arith.constant 0 : index
    %swap3A_12 = vector.load %arg3[%swap3A, %swap3A_11] : memref<10112x1xf32, #tpu.memory_space<vmem>>, vector<10112x1xf32>
    tpu.vector_store %arg3[%swap3A, %swap3A_11], %select_n3A {strides = array<i32>} : memref<10112x1xf32, #tpu.memory_space<vmem>>, vector<10112x1xf32>,
    %get3A_13 = arith.constant 0 : index
    %get3A_14 = arith.constant 0 : index
    %get3A_15 = vector.load %arg1[%get3A_13, %get3A_14] : memref<10000x128xf32, #tpu.memory_space<vmem>>, vector<10000x128xf32>
    %get3A_16 = arith.constant 0 : index
    %get3A_17 = arith.constant 0 : index
    %get3A_18 = vector.load %arg2[%get3A_16, %get3A_17] : memref<128x128xf32, #tpu.memory_space<vmem>>, vector<128x128xf32>
    %dot_general3A = arith.constant dense<0.000000e+00> : vector<10000x128xf32>
    %dot_general3A_19 = tpu.matmul %get3A_15, %get3A_18, %dot_general3A {dimension_numbers = #tpu.dot_dimension_numbers<[1], [0], [0], [1], [0, 0, 1, 1], [], []>, transpose_lhs_hint = false} : vector<10000x128xf32>, vector<128x128xf32>, vector<10000x128xf32> -> vector<10000x128xf32>
    %slice3A = vector.extract_strided_slice %select_n3A {offsets = [0, 0], sizes = [10000, 1], strides = [1, 1]} : vector<10112x1xf32> to vector<10000x1xf32>
    %mul3A = vector.broadcast %slice3A : vector<10000x1xf32> to vector<10000x128xf32>
    %mul3A_20 = arith.mulf %dot_general3A_19, %mul3A : vector<10000x128xf32>
    %swap3A_21 = arith.constant 0 : index
    %swap3A_22 = arith.constant 0 : index
    %swap3A_23 = vector.load %arg4[%swap3A_21, %swap3A_22] : memref<10000x128xf32, #tpu.memory_space<vmem>>, vector<10000x128xf32>
    tpu.vector_store %arg4[%swap3A_21, %swap3A_22], %mul3A_20 {strides = array<i32>} : memref<10000x128xf32, #tpu.memory_space<vmem>>, vector<10000x128xf32>,
    return
  }
}

module attributes {stable_mosaic.version = 14 : i64} {
  func.func @body(%arg0: memref<2x10112x128xf32, #tpu.memory_space<vmem>>, %arg1: memref<10112x1xf32, #tpu.memory_space<vmem>>, %arg2: memref<1x128xf32, #tpu.memory_space<vmem>>, %arg3: memref<128x128xf32, #tpu.memory_space<vmem>>, %arg4: memref<10000x128xf32, #tpu.memory_space<vmem>>) attributes {dimension_semantics = [], scalar_prefetch = 0 : i64, scratch_operands = 0 : i64, tpu.core_type = #tpu.core_type<tc>} {
    %get3A = arith.constant 0 : index
    %get3A_0 = arith.constant 0 : index
    %get3A_1 = vector.load %arg1[%get3A, %get3A_0] : memref<10112x1xf32, #tpu.memory_space<vmem>>, vector<10112x1xf32>
    %get3A_2 = arith.constant 0 : index
    %get3A_3 = arith.constant 0 : index
    %get3A_4 = arith.constant 0 : index
    %get3A_5 = vector.load %arg0[%get3A_2, %get3A_3, %get3A_4] : memref<2x10112x128xf32, #tpu.memory_space<vmem>>, vector<1x10000x128xf32>
    %get3A_6 = vector.shape_cast %get3A_5 : vector<1x10000x128xf32> to vector<10000x128xf32>
    %get3A_7 = arith.constant 1 : index
    %get3A_8 = arith.constant 0 : index
    %get3A_9 = arith.constant 0 : index
    %get3A_10 = vector.load %arg0[%get3A_7, %get3A_8, %get3A_9] : memref<2x10112x128xf32, #tpu.memory_space<vmem>>, vector<1x10000x128xf32>
    %get3A_11 = vector.shape_cast %get3A_10 : vector<1x10000x128xf32> to vector<10000x128xf32>
    %add3A = arith.addf %get3A_6, %get3A_11 : vector<10000x128xf32>
    %slice3A = vector.extract_strided_slice %get3A_1 {offsets = [0, 0], sizes = [10000, 1], strides = [1, 1]} : vector<10112x1xf32> to vector<10000x1xf32>
    %mul3A = vector.broadcast %slice3A : vector<10000x1xf32> to vector<10000x128xf32>
    %mul3A_12 = arith.mulf %add3A, %mul3A : vector<10000x128xf32>
    %get3A_13 = arith.constant 0 : index
    %get3A_14 = arith.constant 0 : index
    %get3A_15 = vector.load %arg2[%get3A_13, %get3A_14] : memref<1x128xf32, #tpu.memory_space<vmem>>, vector<1x128xf32>
    %add3A_16 = vector.broadcast %get3A_15 : vector<1x128xf32> to vector<10000x128xf32>
    %add3A_17 = arith.addf %mul3A_12, %add3A_16 : vector<10000x128xf32>
    %max3A = arith.constant 0.000000e+00 : f32
    %max3A_18 = vector.broadcast %max3A : f32 to vector<10000x128xf32>
    %max3A_19 = arith.maximumf %add3A_17, %max3A_18 : vector<10000x128xf32>
    %get3A_20 = arith.constant 0 : index
    %get3A_21 = arith.constant 0 : index
    %get3A_22 = vector.load %arg3[%get3A_20, %get3A_21] : memref<128x128xf32, #tpu.memory_space<vmem>>, vector<128x128xf32>
    %dot_general3A = arith.constant dense<0.000000e+00> : vector<10000x128xf32>
    %dot_general3A_23 = tpu.matmul %max3A_19, %get3A_22, %dot_general3A {dimension_numbers = #tpu.dot_dimension_numbers<[1], [0], [0], [1], [0, 0, 1, 1], [], []>, transpose_lhs_hint = false} : vector<10000x128xf32>, vector<128x128xf32>, vector<10000x128xf32> -> vector<10000x128xf32>
    %slice3A_24 = vector.extract_strided_slice %get3A_1 {offsets = [0, 0], sizes = [10000, 1], strides = [1, 1]} : vector<10112x1xf32> to vector<10000x1xf32>
    %mul3A_25 = vector.broadcast %slice3A_24 : vector<10000x1xf32> to vector<10000x128xf32>
    %mul3A_26 = arith.mulf %dot_general3A_23, %mul3A_25 : vector<10000x128xf32>
    %swap3A = arith.constant 0 : index
    %swap3A_27 = arith.constant 0 : index
    %swap3A_28 = vector.load %arg4[%swap3A, %swap3A_27] : memref<10000x128xf32, #tpu.memory_space<vmem>>, vector<10000x128xf32>
    tpu.vector_store %arg4[%swap3A, %swap3A_27], %mul3A_26 {strides = array<i32>} : memref<10000x128xf32, #tpu.memory_space<vmem>>, vector<10000x128xf32>,
    return
  }
}

module attributes {stable_mosaic.version = 14 : i64} {
  func.func @body(%arg0: memref<2x10112x128xf32, #tpu.memory_space<vmem>>, %arg1: memref<10112x1xf32, #tpu.memory_space<vmem>>, %arg2: memref<1x128xf32, #tpu.memory_space<vmem>>, %arg3: memref<1x10112xi32, #tpu.memory_space<vmem>>, %arg4: memref<128x128xf32, #tpu.memory_space<vmem>>, %arg5: memref<1x128xf32, #tpu.memory_space<vmem>>, %arg6: memref<128x64xf32, #tpu.memory_space<vmem>>, %arg7: memref<1x64xf32, #tpu.memory_space<vmem>>, %arg8: memref<64x64xf32, #tpu.memory_space<vmem>>, %arg9: memref<64x128xf32, #tpu.memory_space<vmem>>) attributes {dimension_semantics = [], scalar_prefetch = 0 : i64, scratch_operands = 0 : i64, tpu.core_type = #tpu.core_type<tc>} {
    %get3A = arith.constant 0 : index
    %get3A_0 = arith.constant 0 : index
    %get3A_1 = vector.load %arg1[%get3A, %get3A_0] : memref<10112x1xf32, #tpu.memory_space<vmem>>, vector<10112x1xf32>
    %get3A_2 = arith.constant 0 : index
    %get3A_3 = arith.constant 0 : index
    %get3A_4 = arith.constant 0 : index
    %get3A_5 = vector.load %arg0[%get3A_2, %get3A_3, %get3A_4] : memref<2x10112x128xf32, #tpu.memory_space<vmem>>, vector<1x10112x128xf32>
    %get3A_6 = vector.shape_cast %get3A_5 : vector<1x10112x128xf32> to vector<10112x128xf32>
    %get3A_7 = arith.constant 1 : index
    %get3A_8 = arith.constant 0 : index
    %get3A_9 = arith.constant 0 : index
    %get3A_10 = vector.load %arg0[%get3A_7, %get3A_8, %get3A_9] : memref<2x10112x128xf32, #tpu.memory_space<vmem>>, vector<1x10112x128xf32>
    %get3A_11 = vector.shape_cast %get3A_10 : vector<1x10112x128xf32> to vector<10112x128xf32>
    %add3A = arith.addf %get3A_6, %get3A_11 : vector<10112x128xf32>
    %mul3A = vector.broadcast %get3A_1 : vector<10112x1xf32> to vector<10112x128xf32>
    %mul3A_12 = arith.mulf %add3A, %mul3A : vector<10112x128xf32>
    %get3A_13 = arith.constant 0 : index
    %get3A_14 = arith.constant 0 : index
    %get3A_15 = vector.load %arg2[%get3A_13, %get3A_14] : memref<1x128xf32, #tpu.memory_space<vmem>>, vector<1x128xf32>
    %add3A_16 = vector.broadcast %get3A_15 : vector<1x128xf32> to vector<10112x128xf32>
    %add3A_17 = arith.addf %mul3A_12, %add3A_16 : vector<10112x128xf32>
    %max3A = arith.constant 0.000000e+00 : f32
    %max3A_18 = vector.broadcast %max3A : f32 to vector<10112x128xf32>
    %max3A_19 = arith.maximumf %add3A_17, %max3A_18 : vector<10112x128xf32>
    %iota3A = tpu.iota {dimensions = array<i32: 0>} : vector<64x10112xi32>
    %get3A_20 = arith.constant 0 : index
    %get3A_21 = arith.constant 0 : index
    %get3A_22 = vector.load %arg3[%get3A_20, %get3A_21] : memref<1x10112xi32, #tpu.memory_space<vmem>>, vector<1x10112xi32>
    %eq3A = vector.broadcast %get3A_22 : vector<1x10112xi32> to vector<64x10112xi32>
    %eq3A_23 = arith.cmpi eq, %eq3A, %iota3A : vector<64x10112xi32>
    %convert_element_type3A = arith.extui %eq3A_23 : vector<64x10112xi1> to vector<64x10112xi32>
    %convert_element_type3A_24 = arith.sitofp %convert_element_type3A : vector<64x10112xi32> to vector<64x10112xf32>
    %dot_general3A = arith.constant dense<0.000000e+00> : vector<64x128xf32>
    %dot_general3A_25 = tpu.matmul %convert_element_type3A_24, %max3A_19, %dot_general3A {dimension_numbers = #tpu.dot_dimension_numbers<[1], [0], [0], [1], [0, 0, 1, 1], [], []>, transpose_lhs_hint = false} : vector<64x10112xf32>, vector<10112x128xf32>, vector<64x128xf32> -> vector<64x128xf32>
    %reduce_sum3A = arith.constant dense<0.000000e+00> : vector<64xf32>
    %reduce_sum3A_26 = vector.multi_reduction <add>, %convert_element_type3A_24, %reduce_sum3A [1] : vector<64x10112xf32> to vector<64xf32>
    %broadcast_in_dim3A = vector.shape_cast %reduce_sum3A_26 : vector<64xf32> to vector<64x1xf32>
    %max3A_27 = arith.constant 1.000000e+00 : f32
    %max3A_28 = vector.broadcast %max3A_27 : f32 to vector<64x1xf32>
    %max3A_29 = arith.maximumf %broadcast_in_dim3A, %max3A_28 : vector<64x1xf32>
    %div3A = vector.broadcast %max3A_29 : vector<64x1xf32> to vector<64x128xf32>
    %div3A_30 = arith.divf %dot_general3A_25, %div3A : vector<64x128xf32>
    %get3A_31 = arith.constant 0 : index
    %get3A_32 = arith.constant 0 : index
    %get3A_33 = vector.load %arg4[%get3A_31, %get3A_32] : memref<128x128xf32, #tpu.memory_space<vmem>>, vector<128x128xf32>
    %dot_general3A_34 = arith.constant dense<0.000000e+00> : vector<64x128xf32>
    %dot_general3A_35 = tpu.matmul %div3A_30, %get3A_33, %dot_general3A_34 {dimension_numbers = #tpu.dot_dimension_numbers<[1], [0], [0], [1], [0, 0, 1, 1], [], []>, transpose_lhs_hint = false} : vector<64x128xf32>, vector<128x128xf32>, vector<64x128xf32> -> vector<64x128xf32>
    %get3A_36 = arith.constant 0 : index
    %get3A_37 = arith.constant 0 : index
    %get3A_38 = vector.load %arg5[%get3A_36, %get3A_37] : memref<1x128xf32, #tpu.memory_space<vmem>>, vector<1x128xf32>
    %add3A_39 = vector.broadcast %get3A_38 : vector<1x128xf32> to vector<64x128xf32>
    %add3A_40 = arith.addf %dot_general3A_35, %add3A_39 : vector<64x128xf32>
    %max3A_41 = arith.constant 0.000000e+00 : f32
    %max3A_42 = vector.broadcast %max3A_41 : f32 to vector<64x128xf32>
    %max3A_43 = arith.maximumf %add3A_40, %max3A_42 : vector<64x128xf32>
    %swap3A = arith.constant 0 : index
    %swap3A_44 = arith.constant 0 : index
    %swap3A_45 = vector.load %arg9[%swap3A, %swap3A_44] : memref<64x128xf32, #tpu.memory_space<vmem>>, vector<64x128xf32>
    tpu.vector_store %arg9[%swap3A, %swap3A_44], %max3A_43 {strides = array<i32>} : memref<64x128xf32, #tpu.memory_space<vmem>>, vector<64x128xf32>,
    %get3A_46 = arith.constant 0 : index
    %get3A_47 = arith.constant 0 : index
    %get3A_48 = vector.load %arg6[%get3A_46, %get3A_47] : memref<128x64xf32, #tpu.memory_space<vmem>>, vector<128x64xf32>
    %dot_general3A_49 = arith.constant dense<0.000000e+00> : vector<64x64xf32>
    %dot_general3A_50 = tpu.matmul %max3A_43, %get3A_48, %dot_general3A_49 {dimension_numbers = #tpu.dot_dimension_numbers<[1], [0], [0], [1], [0, 0, 1, 1], [], []>, transpose_lhs_hint = false} : vector<64x128xf32>, vector<128x64xf32>, vector<64x64xf32> -> vector<64x64xf32>
    %get3A_51 = arith.constant 0 : index
    %get3A_52 = arith.constant 0 : index
    %get3A_53 = vector.load %arg7[%get3A_51, %get3A_52] : memref<1x64xf32, #tpu.memory_space<vmem>>, vector<1x64xf32>
    %add3A_54 = vector.broadcast %get3A_53 : vector<1x64xf32> to vector<64x64xf32>
    %add3A_55 = arith.addf %dot_general3A_50, %add3A_54 : vector<64x64xf32>
    %swap3A_56 = arith.constant 0 : index
    %swap3A_57 = arith.constant 0 : index
    %swap3A_58 = vector.load %arg8[%swap3A_56, %swap3A_57] : memref<64x64xf32, #tpu.memory_space<vmem>>, vector<64x64xf32>
    tpu.vector_store %arg8[%swap3A_56, %swap3A_57], %add3A_55 {strides = array<i32>} : memref<64x64xf32, #tpu.memory_space<vmem>>, vector<64x64xf32>,
    return
  }
}

</mosaic_0001>

<sc_bundles>
// kernel: kernel.10.cloned.1.call-start
scs
__scs_entry_jumppad:
0x0: {  	(pc) =	sbr.rel $0x88, $3  }
0x1: {  	(tag) =	ssettag $0x0;
	lr =	simm.s32 $0x1  }
0x2: {  	[smem:$0x3F94] =	sst lr;
	_ =	strace $0xD0000000  }
0x3: {  	_ = 	snop  }
0x4: {  	_ = 	snop  }
0x5: {  	_ = 	snop  }
0x6: {  	_ = 	snop  }
0x7: {  	_ = 	snop  }
__scs_overlays_trampoline_lowered:
0x8: {  	[smem:$0x3FA3] =	sst s0  }
0x9: {  	[smem:$0x3FA4] =	sst s1  }
0xa: {  	[smem:$0x3FA5] =	sst s2  }
0xb: {  	[smem:$0x3FA6] =	sst s3  }
0xc: {  	[smem:$0x3FA7] =	sst s4  }
0xd: {  	[smem:$0x3FA8] =	sst s5  }
0xe: {  	[smem:$0x3FA9] =	sst s6  }
0xf: {  	[smem:$0x3FAA] =	sst s7  }
0x10: {  	[smem:$0x3FAB] =	sst s8  }
0x11: {  	[smem:$0x3FAC] =	sst s9;
	s0 =	simm.s32 @!p0 $0x0  }
0x12: {  	s1 =	sld [smem:$0x3F92];
	s0 =	simm.s32 @p0 $0x1  }
0x13: {  	[smem:$0x3FAD] =	sst s0;
	s0 =	simm.s32 @!p1 $0x0  }
0x14: {  	s2 =	sld [smem:$0x3F91];
	s0 =	simm.s32 @p1 $0x1  }
0x15: {  	[smem:$0x3FAE] =	sst s0;
	s0 =	simm.s32 @!p2 $0x0  }
0x16: {  	s3 =	sld [smem:$0x3FDB];
	s0 =	simm.s32 @p2 $0x1  }
0x17: {  	s4 =	simm.s32 $0x1BF5;
	[smem:$0x3FB0] =	sst s0  }
0x18: {  	s0 =	sld [smem:$0x3F93];
	_ =	swait.ge [sflag:s4], $0x0  }
0x19: {  	s7 =	sld [smem:$0x3F94]  }
0x1a: {  	s8 =	sadd.s32 $0xFFFFE003, lr  }
0x1b: {  	s9 =	sadd.s32 $0xFFFFFEF7, lr;
	s5 =	simm.s32 $0xFFFFFFFF;
	p2 =	slt.u32 s8, $0xFFFFF086  }
0x1c: {  	p1 =	slt.u32 s9, $0xF7A;
	s5 =	simm.s32 @!p2 $0x0  }
0x1d: {  	s5 =	simm.s32 @p1 $0x1;
	p0 =	seq.s32 s7, s2  }
0x1e: {  	s7 =	smul.u32 @!p0 $0xF7A, s2;
	p2 =	seq.s32 @!p0 s5, $0x0  }
0x1f: {  	s9 =	smul.u32 $0xF7A, s1;
	s8 =	simm.s32 @!p0 $0x1BF5;
	p2 =	por !p2, p0  }
0x20: {  	[sflag:s8] =	ssyncset.s32 @!p0 $0xFFFFF086;
	s6 =	sadd.s32 @!p0 s3, s7;
	s7 =	simm.s32 @!p0 $0x108  }
0x21: {  	s3 =	sadd.s32 s3, s9;
	s6 =	sadd.s32 @!p0 $0x88, s6;
	s7 =	simm.s32 @p2 $0x1082  }
0x22: {  	[simem:s7], [sflag:s8] =	dma.local @!p0 [hbm:s6], $0xF7A  }
0x23: {  	s9 =	sor.u32 $0xD0000000, s2;
	s6 =	simm.s32 $0x108;
	_ =	swait.ge @!p0 [sflag:s8], $0x0  }
0x24: {  	s3 =	sadd.s32 $0x88, s3;
	s6 =	simm.s32 @!p1 $0x1082;
	[sflag:s4] =	ssyncset.s32 $0xFFFFF086  }
0x25: {  	[simem:s6], [sflag:s4] =	dma.local [hbm:s3], $0xF7A  }
0x26: {  	[smem:$0x3F94] =	sst s1;
	(tag) =	ssettag s2;
	_ =	strace s9  }
0x27: {  	s1 =	sld [smem:$0x3FA4]  }
0x28: {  	s2 =	sld [smem:$0x3FA5]  }
0x29: {  	s4 =	sld [smem:$0x3FA7]  }
0x2a: {  	p0 =	seq.s32 s5, $0x0;
	s5 =	sld [smem:$0x3FA8]  }
0x2b: {  	s6 =	sld [smem:$0x3FA9]  }
0x2c: {  	s7 =	sld [smem:$0x3FAA]  }
0x2d: {  	s3 =	simm.s32 $0x108;
	s8 =	sld [smem:$0x3FAB]  }
0x2e: {  	s3 =	simm.s32 @!p0 $0x1082;
	s9 =	sld [smem:$0x3FAC]  }
0x2f: {  	lr =	sadd.s32 s0, s3;
	s0 =	sld [smem:$0x3FA3]  }
0x30: {  	s3 =	sld [smem:$0x3FA6]  }
0x31: {  	[smem:$0x3FAF] =	sst s10  }
0x32: {  	s10 =	sld [smem:$0x3FAD];
	_ =	sdelay $0x3  }
0x33: {  	p0 =	seq.s32 s10, $0x1;
	s10 =	sld [smem:$0x3FAF];
	_ =	sdelay $0x3  }
0x34: {  	[smem:$0x3FAF] =	sst s10  }
0x35: {  	s10 =	sld [smem:$0x3FAE];
	_ =	sdelay $0x3  }
0x36: {  	p1 =	seq.s32 s10, $0x1;
	s10 =	sld [smem:$0x3FAF];
	_ =	sdelay $0x3  }
0x37: {  	[smem:$0x3FAF] =	sst s10  }
0x38: {  	s10 =	sld [smem:$0x3FB0]  }
0x39: {  	_ = 	snop;
	(pc) =	sbr.ind lr, $3  }
0x3a: {  	_ = 	snop  }
0x3b: {  	_ = 	snop  }
0x3c: {  	p2 =	seq.s32 s10, $0x1;
	s10 =	sld [smem:$0x3FAF]  }
0x3d: {  	_ =	shalt  }
0x3e: {  	_ =	shalt  }
0x3f: {  	_ =	shalt  }
0x40: {  	_ =	shalt  }
0x41: {  	_ =	shalt  }
0x42: {  	_ =	shalt  }
0x43: {  	_ =	shalt  }
0x44: {  	_ =	shalt  }
0x45: {  	_ =	shalt  }
0x46: {  	_ =	shalt  }
0x47: {  	_ =	shalt  }
0x48: {  	_ =	shalt  }
0x49: {  	_ =	shalt  }
0x4a: {  	_ =	shalt  }
0x4b: {  	_ =	shalt  }
0x4c: {  	_ =	shalt  }
0x4d: {  	_ =	shalt  }
0x4e: {  	_ =	shalt  }
0x4f: {  	_ =	shalt  }
0x50: {  	_ =	shalt  }
0x51: {  	_ =	shalt  }
0x52: {  	_ =	shalt  }
0x53: {  	_ =	shalt  }
0x54: {  	_ =	shalt  }
0x55: {  	_ =	shalt  }
0x56: {  	_ =	shalt  }
0x57: {  	_ =	shalt  }
0x58: {  	_ =	shalt  }
0x59: {  	_ =	shalt  }
0x5a: {  	_ =	shalt  }
0x5b: {  	_ =	shalt  }
0x5c: {  	_ =	shalt  }
0x5d: {  	_ =	shalt  }
0x5e: {  	_ =	shalt  }
0x5f: {  	_ =	shalt  }
0x60: {  	_ =	shalt  }
0x61: {  	_ =	shalt  }
0x62: {  	_ =	shalt  }
0x63: {  	_ =	shalt  }
0x64: {  	_ =	shalt  }
0x65: {  	_ =	shalt  }
0x66: {  	_ =	shalt  }
0x67: {  	_ =	shalt  }
0x68: {  	_ =	shalt  }
0x69: {  	_ =	shalt  }
0x6a: {  	_ =	shalt  }
0x6b: {  	_ =	shalt  }
0x6c: {  	_ =	shalt  }
0x6d: {  	_ =	shalt  }
0x6e: {  	_ =	shalt  }
0x6f: {  	_ =	shalt  }
0x70: {  	_ =	shalt  }
0x71: {  	_ =	shalt  }
0x72: {  	_ =	shalt  }
0x73: {  	_ =	shalt  }
0x74: {  	_ =	shalt  }
0x75: {  	_ =	shalt  }
0x76: {  	_ =	shalt  }
0x77: {  	_ =	shalt  }
0x78: {  	_ =	shalt  }
0x79: {  	_ =	shalt  }
0x7a: {  	_ =	shalt  }
0x7b: {  	_ =	shalt  }
0x7c: {  	_ =	shalt  }
0x7d: {  	_ =	shalt  }
0x7e: {  	_ =	shalt  }
0x7f: {  	_ =	shalt  }
0x80: {  	_ =	shalt  }
0x81: {  	_ =	shalt  }
0x82: {  	_ =	shalt  }
0x83: {  	_ =	shalt  }
0x84: {  	_ =	shalt  }
0x85: {  	_ =	shalt  }
0x86: {  	_ =	shalt  }
0x87: {  	_ =	shalt  }
.Lfunc_end0:
.L_simem_size_0:
called_computation_lowered:
.L_overlay_start_0:
0x88: {  	s2 =	sld [smem:$0x3FD9]  }
0x89: {  	s3 =	sld [smem:$0x3FFE];
	_ =	sdelay $0x1  }
0x8a: {  	s1 =	srdreg.scid  }
0x8b: {  	s0 =	sand.u32 $0x1, s1  }
0x8c: {  	s16 =	sshll.u32 s0, $0xA;
	s2 =	sadd.s32 s3, s2  }
0x8d: {  	s2 =	sadd.s32 s2, s16  }
0x8e: {  	[smem:$0x3FBB] =	sst s2  }
0x8f: {  	_ = 	snop  }
0x90: {  	(tm) =	ssettm $0x1  }
0x91: {  	s17 =	sld [smem:$0x3FFB];
	_ =	sdelay $0x3  }
0x92: {  	_ =	strace s17  }
0x93: {  	s2 =	sld [smem:$0x3FFC];
	_ =	sdelay $0x3  }
0x94: {  	_ =	strace s2  }
0x95: {  	s2 =	sld [smem:$0x3FFD];
	_ =	sdelay $0x3  }
0x96: {  	_ =	strace s2  }
0x97: {  	_ =	strace $0x8FFFFFFF  }
0x98: {  	s18 =	sld [smem:$0x3FDB];
	_ =	sdelay $0x1  }
0x99: {  	s19 =	simm.s32 $_scs_section_size  }
0x9a: {  	s4 =	simm.s32 $_size__tile_overlayer_lowered;
	s5 =	simm.s32 $_tile_overlayer_lowered  }
0x9b: {  	s22 =	simm.s32 $0x1BFF;
	s21 =	sshll.u32 s5, $0x1;
	s2 =	sadd.s32 s19, s18  }
0x9c: {  	s6 =	simm.s32 $0x0;
	s20 =	sshll.u32 s4, $0x1;
	s4 =	sadd.s32 s21, s2  }
0x9d: {  	[timem:s6], [sflag:s22] =	dma.local [hbm:s4], s20  }
0x9e: {  	_ =	swait.ge [sflag:s22], s20  }
0x9f: {  	s3 =	ssub.s32 $0x0, s20;
	[sflag:s22] =	ssyncset.done $0x0  }
0xa0: {  	[sflag:s22] =	ssyncadd.s32 s3;
	_ =	sdelay $0x1  }
0xa1: {  	s23 =	simm.s32 $0x1B8B  }
0xa2: {  	_ =	swait.ge [sflag:s23], $0x1  }
0xa3: {  	[sflag:s23] =	ssyncset.done $0x0  }
0xa4: {  	s25 =	simm.s32 $0x1B8E;
	s24 =	sld [smem:$0x3FFE];
	[sflag:s23] =	ssyncadd.s32 $0xFFFFFFFF  }
0xa5: {  	s26 =	simm.s32 $execute0_lowered;
	[smem:$0x3FD2] =	sst s25  }
0xa6: {  	s4 =	sshll.u32 s26, $0x1;
	_ =	strace $0x80000046;
	[dreg:$0x1] =	wrdreg $0xFFFFFFFF  }
0xa7: {  	s28 =	simm.s32 $_size_execute0_lowered;
	s2 =	sadd.s32 s2, s4;
	[dreg:$0x0] =	wrdreg $0x0  }
0xa8: {  	s4 =	sshll.u32 s28, $0x1;
	[dreg:$0x2] =	wrdreg s2  }
0xa9: {  	[dreg:$0x3] =	wrdreg s4  }
0xaa: {  	[dreg:$0x4] =	wrdreg $0xC0  }
0xab: {  	_ =	task [dreg:s6], $0x5FFFF  }
0xac: {  	[dreg:$0x1] =	wrdreg $0xFFFFFFFF  }
0xad: {  	[dreg:$0x0] =	wrdreg $0x60  }
0xae: {  	[dreg:$0x2] =	wrdreg s24  }
0xaf: {  	[dreg:$0x3] =	wrdreg $0xAC000  }
0xb0: {  	[dreg:$0x4] =	wrdreg $0x9  }
0xb1: {  	_ =	task.clear_ibuf [dreg:s6], $0x5FFFF;
	_ =	strace $0x90000046  }
0xb2: {  	s29 =	simm.s32 $0x9;
	_ =	strace $0x80000048  }
0xb3: {  	_ =	swait.ge [sflag:s29], $0x1  }
0xb4: {  	[sflag:s29] =	ssyncadd.s32 $0xFFFFFFFF  }
0xb5: {  	_ =	strace $0x90000048  }
0xb6: {  	_ =	sfence  }
0xb7: {  	s30 =	sld [smem:$0x0];
	_ =	sdelay $0x2  }
0xb8: {  	s31 =	sshll.u32 s1, $0xD;
	s1 =	sshrl.u32 s1, $0x2  }
0xb9: {  	s3 =	sand.u32 $0x4000, s31;
	s1 =	sadd.s32 s1, s30  }
0xba: {  	s0 =	sor.u32 s3, s0;
	s1 =	sshll.u32 s1, $0x11  }
0xbb: {  	s0 =	sor.u32 s1, s0  }
0xbc: {  	s0 =	sadd.s32 $0x8F2B, s0  }
0xbd: {  	[sflag:s0] =	ssyncadd.remote.s32 $0x1  }
0xbe: {  	_ =	sfence.sel $0xFFFF  }
0xbf: {  	[dreg:$0x0] =	wrdreg $0xFFFFFFFF;
	(pc) =	sbr.abs _section_cstart, $3  }
0xc0: {  	[dreg:$0x1] =	wrdreg $0xFFFFFFFF  }
0xc1: {  	_ =	task.clear_ibuf [dreg:s6], $0x2FFFF;
	_ =	strace $0x9FFFFFFF  }
0xc2: {  	(tm) =	ssettm $0x7FFFFFFF  }
0xc3: {  	_ =	shalt  }
tec
execute0_lowered:
.L_overlay_start_1:
0x0: {  	(tag) =	ssettag $0x1  }
0x1: {  	s1 =	srdreg.scid;
	s5 =	rddreg [dreg:$0x0]  }
0x2: {  	s0 =	stileid.u32;
	s2 =	rddreg [dreg:$0x1];
	s3 =	simm.s32 $0x0  }
0x3: {  	s12 =	simm.s32 $0x1;
	s13 =	simm.s32 $0x6C00;
	s14 =	simm.s32 $0x80  }
0x4: {  	s15 =	simm.s32 $0x2C00;
	s18 =	simm.s32 $0x0;
	s4 =	sand.u32 $0x1, s1  }
0x5: {  	s30 =	sshll.u32 s0, $0x1;
	s7 =	smul.u32 $0x2780, s0;
	[smem:$0x7FF] =	sst s3  }
0x6: {  	s9 =	smul.u32 $0x4F000, s0;
	s16 =	sshll.u32 s0, $0x6;
	s1 =	sor.u32 s4, s30  }
0x7: {  	s8 =	smul.u32 $0x27800, s4;
	s4 =	ssub.s32 $0x2, s4;
	s16 =	sor.u32 $0x1C01, s16  }
0x8: {  	s6 =	smul.u32 $0x580, s1;
	s1 =	rddreg [dreg:$0x2];
	_ =	strace $0x80000047  }
0x9: {  	s31 =	sshrl.u32 s4, $0x1;
	s9 =	sshrl.u32 s9, $0x2;
	s7 =	sadd.s32 s7, s8  }
0xa: {  	s11 =	ssub.s32 s4, s31;
	s4 =	sadd.s32 s9, s2;
	s6 =	sadd.s32 s6, s5  }
0xb: {  	s10 =	sadd.s32 s7, s5;
	s7 =	sadd.s32 $0x8000, s4;
	s8 =	sadd.s32 $0xC000, s4  }
0xc: {  	s9 =	sadd.s32 $0x10000, s4;
	s11 =	smax.u32 s11, $0x1;
	s17 =	sshrl.u32 s4, $0x3  }
0xd: {  	v0 =	vimm.f32 $1.000000000e+00;
	v1 =	vimm.f32 $0.0e+00;
	s5 =	sadd.s32 $0x3400, s6;
	s6 =	sadd.s32 $0x4000, s4;
	s10 =	sadd.s32 $0xE400, s10  }
.LBB2_1:
0xe: {  	[tilespmem:s3], [sflag:$0x1] =	stream.linear.gather [hbm4b:s5+s3], $0x2900, $0x38;
	[tilespmem:$0x1E800] =	vst v63  }
0xf: {  	_ =	swait.ge [sflag:s12], $0x2900  }
0x10: {  	[sflag:s12] =	ssyncset.done $0x0  }
0x11: {  	s19 =	simm.s32 $0x0;
	s20 =	simm.s32 $0x200;
	[sflag:s12] =	ssyncadd.s32 $0xFFFFD700  }
.LBB2_2:
0x12: {  	p0 =	sne.s32 s20, $0xFE00;
	[tilespmem:s19+$0x2C70] =	vst v0  }
0x13: {  	[tilespmem:s19+$0x2C00] =	vst v0  }
0x14: {  	[tilespmem:s19+$0x2C10] =	vst v0  }
.Ltmp0:
0x15: {  	[tilespmem:s19+$0x2C20] =	vst v0;
	(pc) =	sbr.rel @p0 .LBB2_2-.Ltmp0, $4  }
0x16: {  	[tilespmem:s19+$0x2C30] =	vst v0  }
0x17: {  	[tilespmem:s19+$0x2C40] =	vst v0  }
0x18: {  	[tilespmem:s19+$0x2C50] =	vst v0  }
0x19: {  	[tilespmem:s19+$0x2C60] =	vst v0;
	s19 =	sshra.s32 s20, $0x2;
	s20 =	sadd.s32 $0x200, s20  }
0x1a: {  	[tilespmem:s19+$0x2C70] =	vst v0  }
0x1b: {  	[tilespmem:s19+$0x2C00] =	vst v0  }
0x1c: {  	[tilespmem:s19+$0x2C10] =	vst v0  }
0x1d: {  	[tilespmem:s19+$0x2C20] =	vst v0  }
0x1e: {  	[tilespmem:s19+$0x2C30] =	vst v0  }
0x1f: {  	[tilespmem:s19+$0x2C40] =	vst v0  }
0x20: {  	[tilespmem:s19+$0x2C50] =	vst v0  }
0x21: {  	[tilespmem:s19+$0x2C60] =	vst v0;
	s19 =	simm.s32 $0x0;
	s20 =	simm.s32 $0x200  }
.LBB2_4:
0x22: {  	p0 =	sne.s32 s20, $0xFE00;
	[tilespmem:s19+$0x6C70] =	vst v1  }
0x23: {  	[tilespmem:s19+$0x6C00] =	vst v1  }
0x24: {  	[tilespmem:s19+$0x6C10] =	vst v1  }
.Ltmp1:
0x25: {  	[tilespmem:s19+$0x6C20] =	vst v1;
	(pc) =	sbr.rel @p0 .LBB2_4-.Ltmp1, $4  }
0x26: {  	[tilespmem:s19+$0x6C30] =	vst v1  }
0x27: {  	[tilespmem:s19+$0x6C40] =	vst v1  }
0x28: {  	[tilespmem:s19+$0x6C50] =	vst v1  }
0x29: {  	[tilespmem:s19+$0x6C60] =	vst v1;
	s19 =	sshra.s32 s20, $0x2;
	s20 =	sadd.s32 $0x200, s20  }
0x2a: {  	[tilespmem:s19+$0x6C70] =	vst v1  }
0x2b: {  	[tilespmem:s19+$0x6C00] =	vst v1  }
0x2c: {  	[tilespmem:s19+$0x6C10] =	vst v1  }
0x2d: {  	[tilespmem:s19+$0x6C20] =	vst v1  }
0x2e: {  	[tilespmem:s19+$0x6C30] =	vst v1  }
0x2f: {  	[tilespmem:s19+$0x6C40] =	vst v1  }
0x30: {  	[tilespmem:s19+$0x6C50] =	vst v1  }
0x31: {  	[tilespmem:s19+$0x6C60] =	vst v1  }
0x32: {  	[spmem:s4] =	stream.linear.scatter [tilespmem:s13], [sflag:$0x1], $0x4000, $0x38;
	[tilespmem:$0x1E800] =	vst v63  }
0x33: {  	_ =	swait.ge [sflag:s12], $0x4000  }
0x34: {  	[sflag:s12] =	ssyncset.done $0x0  }
0x35: {  	[sflag:s12] =	ssyncadd.s32 $0xFFFFC000  }
0x36: {  	[spmem:s6] =	stream.linear.scatter [tilespmem:s13], [sflag:$0x1], $0x4000, $0x38;
	[tilespmem:$0x1E800] =	vst v63  }
0x37: {  	_ =	swait.ge [sflag:s12], $0x4000  }
0x38: {  	[sflag:s12] =	ssyncset.done $0x0  }
0x39: {  	[sflag:s12] =	ssyncadd.s32 $0xFFFFC000  }
0x3a: {  	[spmem:s7] =	stream.linear.scatter [tilespmem:s13], [sflag:$0x1], $0x4000, $0x38;
	[tilespmem:$0x1E800] =	vst v63  }
0x3b: {  	_ =	swait.ge [sflag:s12], $0x4000  }
0x3c: {  	[sflag:s12] =	ssyncset.done $0x0  }
0x3d: {  	[sflag:s12] =	ssyncadd.s32 $0xFFFFC000  }
0x3e: {  	[spmem:s8] =	stream.linear.scatter [tilespmem:s13], [sflag:$0x1], $0x4000, $0x38;
	[tilespmem:$0x1E800] =	vst v63  }
0x3f: {  	_ =	swait.ge [sflag:s12], $0x4000  }
0x40: {  	[sflag:s12] =	ssyncset.done $0x0  }
0x41: {  	[sflag:s12] =	ssyncadd.s32 $0xFFFFC000  }
0x42: {  	[spmem:s9] =	stream.linear.scatter [tilespmem:s13], [sflag:$0x1], $0x3C00, $0x38;
	[tilespmem:$0x1E800] =	vst v63  }
0x43: {  	_ =	swait.ge [sflag:s12], $0x3C00  }
0x44: {  	[sflag:s12] =	ssyncset.done $0x0  }
0x45: {  	[sflag:s12] =	ssyncadd.s32 $0xFFFFC400  }
0x46: {  	s31 =	simm.s32 $0x0;
	[bflag:$0x0] =	sbarrier.arrive $0xFFFF  }
0x47: {  	[spmem:s2] =	stream.indirect.scatter.add.f32 [tilespmem:s15], [sflag:$0x1], $0x80, s31, s14, $0xb8;
	[tilespmem:$0x1E800] =	vst v63  }
0x48: {  	_ =	swait.ge [sflag:s12], $0x4000  }
0x49: {  	s19 =	simm.s32 $0x200;
	[sflag:s12] =	ssyncset.done $0x0  }
.LBB2_6:
0x4a: {  	s20 =	sshra.s32 s19, $0x2;
	[sflag:s12] =	ssyncadd.s32 $0xFFFFC000;
	p0 =	sne.s32 s19, $0xA200  }
0x4b: {  	[spmem:s2] =	stream.indirect.scatter.add.f32 [tilespmem:s15], [sflag:$0x1], $0x80, s20, s14, $0xb8;
	[tilespmem:$0x1E800] =	vst v63  }
.Ltmp2:
0x4c: {  	_ = 	snop;
	(pc) =	sbr.rel @p0 .LBB2_6-.Ltmp2, $4  }
0x4d: {  	_ = 	snop  }
0x4e: {  	s19 =	sadd.s32 $0x200, s19  }
0x4f: {  	_ =	swait.ge [sflag:s12], $0x4000  }
0x50: {  	[sflag:s12] =	ssyncset.done $0x0  }
0x51: {  	s18 =	sadd.s32 $0x1, s18  }
0x52: {  	[sflag:s12] =	ssyncadd.s32 $0xFFFFC000;
	p0 =	sne.s32 s18, s11  }
.Ltmp3:
0x53: {  	[bflag:$0x0] =	sbarrier.arrive $0xFFFF;
	(pc) =	sbr.rel @p0 .LBB2_1-.Ltmp3, $4  }
0x54: {  	[hbm:s10], [sflag:s16] =	dma.local [spmem:s17], $0x2780  }
0x55: {  	_ =	swait.ge [sflag:s12], $0x2780  }
0x56: {  	[sflag:s12] =	ssyncset.done $0x0  }
0x57: {  	[sflag:s12] =	ssyncadd.s32 $0xFFFFD880  }
0x58: {  	_ =	sfence.sel $0x180000  }
0x59: {  	[bflag:$0x0] =	sbarrier.arrive $0xFFFF  }
0x5a: {  	p0 =	sne.s32 s0, $0x0;
	_ =	strace $0x90000047  }
0x5b: {  	s0 =	sadd.s32 @!p0 $0x100000, s1;
	[bflag:$0x2] =	sbarrier.arrive $0xFFFF  }
0x5c: {  	[sflag:s0] =	ssyncadd.tile.s32 @!p0 $0x1;
	_ =	shalt  }
.Lfunc_end2:
_tile_overlayer_lowered:
.L_overlay_start_2:
0x5d: {  	(tag) =	ssettag $0x2  }
0x5e: {  	s0 =	rddreg [dreg:$0x0];
	s2 =	stileid.u32  }
0x5f: {  	s1 =	rddreg [dreg:$0x1];
	p0 =	sne.s32 s2, $0x0  }
0x60: {  	s3 =	rddreg [dreg:$0x2];
	[bflag:$0x3] =	sbarrier.arrive $0xFFFF;
	s2 =	simm.s32 @!p0 $0x1C01  }
0x61: {  	[timem:s3], [sflag:s2] =	dma.local @!p0 [hbm:s0], s1  }
0x62: {  	s0 =	simm.s32 @!p0 $0x1  }
0x63: {  	_ =	swait.ge @!p0 [sflag:s0], s1  }
0x64: {  	s1 =	ssub.s32 @!p0 $0x0, s1;
	[sflag:s0] =	ssyncset.done @!p0 $0x0  }
0x65: {  	[sflag:s0] =	ssyncadd.s32 @!p0 s1  }
0x66: {  	[bflag:$0x3] =	sbarrier.arrive $0xFFFF  }
0x67: {  	_ =	shalt  }

// kernel: kernel.13.cloned.1.call-start
scs
__scs_entry_jumppad:
0x0: {  	(pc) =	sbr.rel $0x88, $3  }
0x1: {  	(tag) =	ssettag $0x0;
	lr =	simm.s32 $0x1  }
0x2: {  	[smem:$0x3F94] =	sst lr;
	_ =	strace $0xD0000000  }
0x3: {  	_ = 	snop  }
0x4: {  	_ = 	snop  }
0x5: {  	_ = 	snop  }
0x6: {  	_ = 	snop  }
0x7: {  	_ = 	snop  }
__scs_overlays_trampoline_lowered:
0x8: {  	[smem:$0x3FA3] =	sst s0  }
0x9: {  	[smem:$0x3FA4] =	sst s1  }
0xa: {  	[smem:$0x3FA5] =	sst s2  }
0xb: {  	[smem:$0x3FA6] =	sst s3  }
0xc: {  	[smem:$0x3FA7] =	sst s4  }
0xd: {  	[smem:$0x3FA8] =	sst s5  }
0xe: {  	[smem:$0x3FA9] =	sst s6  }
0xf: {  	[smem:$0x3FAA] =	sst s7  }
0x10: {  	[smem:$0x3FAB] =	sst s8  }
0x11: {  	[smem:$0x3FAC] =	sst s9;
	s0 =	simm.s32 @!p0 $0x0  }
0x12: {  	s1 =	sld [smem:$0x3F92];
	s0 =	simm.s32 @p0 $0x1  }
0x13: {  	[smem:$0x3FAD] =	sst s0;
	s0 =	simm.s32 @!p1 $0x0  }
0x14: {  	s2 =	sld [smem:$0x3F91];
	s0 =	simm.s32 @p1 $0x1  }
0x15: {  	[smem:$0x3FAE] =	sst s0;
	s0 =	simm.s32 @!p2 $0x0  }
0x16: {  	s3 =	sld [smem:$0x3FDB];
	s0 =	simm.s32 @p2 $0x1  }
0x17: {  	s4 =	simm.s32 $0x1BF5;
	[smem:$0x3FB0] =	sst s0  }
0x18: {  	s0 =	sld [smem:$0x3F93];
	_ =	swait.ge [sflag:s4], $0x0  }
0x19: {  	s7 =	sld [smem:$0x3F94]  }
0x1a: {  	s8 =	sadd.s32 $0xFFFFE003, lr  }
0x1b: {  	s9 =	sadd.s32 $0xFFFFFEF7, lr;
	s5 =	simm.s32 $0xFFFFFFFF;
	p2 =	slt.u32 s8, $0xFFFFF086  }
0x1c: {  	p1 =	slt.u32 s9, $0xF7A;
	s5 =	simm.s32 @!p2 $0x0  }
0x1d: {  	s5 =	simm.s32 @p1 $0x1;
	p0 =	seq.s32 s7, s2  }
0x1e: {  	s7 =	smul.u32 @!p0 $0xF7A, s2;
	p2 =	seq.s32 @!p0 s5, $0x0  }
0x1f: {  	s9 =	smul.u32 $0xF7A, s1;
	s8 =	simm.s32 @!p0 $0x1BF5;
	p2 =	por !p2, p0  }
0x20: {  	[sflag:s8] =	ssyncset.s32 @!p0 $0xFFFFF086;
	s6 =	sadd.s32 @!p0 s3, s7;
	s7 =	simm.s32 @!p0 $0x108  }
0x21: {  	s3 =	sadd.s32 s3, s9;
	s6 =	sadd.s32 @!p0 $0x88, s6;
	s7 =	simm.s32 @p2 $0x1082  }
0x22: {  	[simem:s7], [sflag:s8] =	dma.local @!p0 [hbm:s6], $0xF7A  }
0x23: {  	s9 =	sor.u32 $0xD0000000, s2;
	s6 =	simm.s32 $0x108;
	_ =	swait.ge @!p0 [sflag:s8], $0x0  }
0x24: {  	s3 =	sadd.s32 $0x88, s3;
	s6 =	simm.s32 @!p1 $0x1082;
	[sflag:s4] =	ssyncset.s32 $0xFFFFF086  }
0x25: {  	[simem:s6], [sflag:s4] =	dma.local [hbm:s3], $0xF7A  }
0x26: {  	[smem:$0x3F94] =	sst s1;
	(tag) =	ssettag s2;
	_ =	strace s9  }
0x27: {  	s1 =	sld [smem:$0x3FA4]  }
0x28: {  	s2 =	sld [smem:$0x3FA5]  }
0x29: {  	s4 =	sld [smem:$0x3FA7]  }
0x2a: {  	p0 =	seq.s32 s5, $0x0;
	s5 =	sld [smem:$0x3FA8]  }
0x2b: {  	s6 =	sld [smem:$0x3FA9]  }
0x2c: {  	s7 =	sld [smem:$0x3FAA]  }
0x2d: {  	s3 =	simm.s32 $0x108;
	s8 =	sld [smem:$0x3FAB]  }
0x2e: {  	s3 =	simm.s32 @!p0 $0x1082;
	s9 =	sld [smem:$0x3FAC]  }
0x2f: {  	lr =	sadd.s32 s0, s3;
	s0 =	sld [smem:$0x3FA3]  }
0x30: {  	s3 =	sld [smem:$0x3FA6]  }
0x31: {  	[smem:$0x3FAF] =	sst s10  }
0x32: {  	s10 =	sld [smem:$0x3FAD];
	_ =	sdelay $0x3  }
0x33: {  	p0 =	seq.s32 s10, $0x1;
	s10 =	sld [smem:$0x3FAF];
	_ =	sdelay $0x3  }
0x34: {  	[smem:$0x3FAF] =	sst s10  }
0x35: {  	s10 =	sld [smem:$0x3FAE];
	_ =	sdelay $0x3  }
0x36: {  	p1 =	seq.s32 s10, $0x1;
	s10 =	sld [smem:$0x3FAF];
	_ =	sdelay $0x3  }
0x37: {  	[smem:$0x3FAF] =	sst s10  }
0x38: {  	s10 =	sld [smem:$0x3FB0]  }
0x39: {  	_ = 	snop;
	(pc) =	sbr.ind lr, $3  }
0x3a: {  	_ = 	snop  }
0x3b: {  	_ = 	snop  }
0x3c: {  	p2 =	seq.s32 s10, $0x1;
	s10 =	sld [smem:$0x3FAF]  }
0x3d: {  	_ =	shalt  }
0x3e: {  	_ =	shalt  }
0x3f: {  	_ =	shalt  }
0x40: {  	_ =	shalt  }
0x41: {  	_ =	shalt  }
0x42: {  	_ =	shalt  }
0x43: {  	_ =	shalt  }
0x44: {  	_ =	shalt  }
0x45: {  	_ =	shalt  }
0x46: {  	_ =	shalt  }
0x47: {  	_ =	shalt  }
0x48: {  	_ =	shalt  }
0x49: {  	_ =	shalt  }
0x4a: {  	_ =	shalt  }
0x4b: {  	_ =	shalt  }
0x4c: {  	_ =	shalt  }
0x4d: {  	_ =	shalt  }
0x4e: {  	_ =	shalt  }
0x4f: {  	_ =	shalt  }
0x50: {  	_ =	shalt  }
0x51: {  	_ =	shalt  }
0x52: {  	_ =	shalt  }
0x53: {  	_ =	shalt  }
0x54: {  	_ =	shalt  }
0x55: {  	_ =	shalt  }
0x56: {  	_ =	shalt  }
0x57: {  	_ =	shalt  }
0x58: {  	_ =	shalt  }
0x59: {  	_ =	shalt  }
0x5a: {  	_ =	shalt  }
0x5b: {  	_ =	shalt  }
0x5c: {  	_ =	shalt  }
0x5d: {  	_ =	shalt  }
0x5e: {  	_ =	shalt  }
0x5f: {  	_ =	shalt  }
0x60: {  	_ =	shalt  }
0x61: {  	_ =	shalt  }
0x62: {  	_ =	shalt  }
0x63: {  	_ =	shalt  }
0x64: {  	_ =	shalt  }
0x65: {  	_ =	shalt  }
0x66: {  	_ =	shalt  }
0x67: {  	_ =	shalt  }
0x68: {  	_ =	shalt  }
0x69: {  	_ =	shalt  }
0x6a: {  	_ =	shalt  }
0x6b: {  	_ =	shalt  }
0x6c: {  	_ =	shalt  }
0x6d: {  	_ =	shalt  }
0x6e: {  	_ =	shalt  }
0x6f: {  	_ =	shalt  }
0x70: {  	_ =	shalt  }
0x71: {  	_ =	shalt  }
0x72: {  	_ =	shalt  }
0x73: {  	_ =	shalt  }
0x74: {  	_ =	shalt  }
0x75: {  	_ =	shalt  }
0x76: {  	_ =	shalt  }
0x77: {  	_ =	shalt  }
0x78: {  	_ =	shalt  }
0x79: {  	_ =	shalt  }
0x7a: {  	_ =	shalt  }
0x7b: {  	_ =	shalt  }
0x7c: {  	_ =	shalt  }
0x7d: {  	_ =	shalt  }
0x7e: {  	_ =	shalt  }
0x7f: {  	_ =	shalt  }
0x80: {  	_ =	shalt  }
0x81: {  	_ =	shalt  }
0x82: {  	_ =	shalt  }
0x83: {  	_ =	shalt  }
0x84: {  	_ =	shalt  }
0x85: {  	_ =	shalt  }
0x86: {  	_ =	shalt  }
0x87: {  	_ =	shalt  }
.Lfunc_end0:
.L_simem_size_0:
called_computation.1_lowered:
.L_overlay_start_0:
0x88: {  	s2 =	sld [smem:$0x3FD9]  }
0x89: {  	s3 =	sld [smem:$0x3FFE];
	_ =	sdelay $0x1  }
0x8a: {  	s1 =	srdreg.scid  }
0x8b: {  	s0 =	sand.u32 $0x1, s1  }
0x8c: {  	s16 =	sshll.u32 s0, $0xA;
	s2 =	sadd.s32 s3, s2  }
0x8d: {  	s2 =	sadd.s32 s2, s16  }
0x8e: {  	[smem:$0x3FBB] =	sst s2  }
0x8f: {  	_ = 	snop  }
0x90: {  	(tm) =	ssettm $0x1  }
0x91: {  	s17 =	sld [smem:$0x3FFB];
	_ =	sdelay $0x3  }
0x92: {  	_ =	strace s17  }
0x93: {  	s2 =	sld [smem:$0x3FFC];
	_ =	sdelay $0x3  }
0x94: {  	_ =	strace s2  }
0x95: {  	s2 =	sld [smem:$0x3FFD];
	_ =	sdelay $0x3  }
0x96: {  	_ =	strace s2  }
0x97: {  	_ =	strace $0x8FFFFFFF  }
0x98: {  	s18 =	sld [smem:$0x3FDB];
	_ =	sdelay $0x1  }
0x99: {  	s19 =	simm.s32 $_scs_section_size  }
0x9a: {  	s4 =	simm.s32 $_size__tile_overlayer_lowered;
	s5 =	simm.s32 $_tile_overlayer_lowered  }
0x9b: {  	s22 =	simm.s32 $0x1BFF;
	s21 =	sshll.u32 s5, $0x1;
	s2 =	sadd.s32 s19, s18  }
0x9c: {  	s6 =	simm.s32 $0x0;
	s20 =	sshll.u32 s4, $0x1;
	s4 =	sadd.s32 s21, s2  }
0x9d: {  	[timem:s6], [sflag:s22] =	dma.local [hbm:s4], s20  }
0x9e: {  	_ =	swait.ge [sflag:s22], s20  }
0x9f: {  	s3 =	ssub.s32 $0x0, s20;
	[sflag:s22] =	ssyncset.done $0x0  }
0xa0: {  	[sflag:s22] =	ssyncadd.s32 s3;
	_ =	sdelay $0x1  }
0xa1: {  	s23 =	simm.s32 $0x1B8B  }
0xa2: {  	_ =	swait.ge [sflag:s23], $0x1  }
0xa3: {  	[sflag:s23] =	ssyncset.done $0x0  }
0xa4: {  	s25 =	simm.s32 $0x1B8E;
	s24 =	sld [smem:$0x3FFE];
	[sflag:s23] =	ssyncadd.s32 $0xFFFFFFFF  }
0xa5: {  	s26 =	simm.s32 $execute0_lowered;
	[smem:$0x3FD2] =	sst s25  }
0xa6: {  	s4 =	sshll.u32 s26, $0x1;
	_ =	strace $0x80000049;
	[dreg:$0x1] =	wrdreg $0xFFFFFFFF  }
0xa7: {  	s28 =	simm.s32 $_size_execute0_lowered;
	s2 =	sadd.s32 s2, s4;
	[dreg:$0x0] =	wrdreg $0x0  }
0xa8: {  	s4 =	sshll.u32 s28, $0x1;
	[dreg:$0x2] =	wrdreg s2  }
0xa9: {  	[dreg:$0x3] =	wrdreg s4  }
0xaa: {  	[dreg:$0x4] =	wrdreg $0xC0  }
0xab: {  	_ =	task [dreg:s6], $0x5FFFF  }
0xac: {  	[dreg:$0x1] =	wrdreg $0xFFFFFFFF  }
0xad: {  	[dreg:$0x0] =	wrdreg $0x60  }
0xae: {  	[dreg:$0x2] =	wrdreg s24  }
0xaf: {  	[dreg:$0x3] =	wrdreg $0x98000  }
0xb0: {  	[dreg:$0x4] =	wrdreg $0x9  }
0xb1: {  	_ =	task.clear_ibuf [dreg:s6], $0x5FFFF;
	_ =	strace $0x90000049  }
0xb2: {  	s29 =	simm.s32 $0x9;
	_ =	strace $0x8000004B  }
0xb3: {  	_ =	swait.ge [sflag:s29], $0x1  }
0xb4: {  	[sflag:s29] =	ssyncadd.s32 $0xFFFFFFFF  }
0xb5: {  	_ =	strace $0x9000004B  }
0xb6: {  	_ =	sfence  }
0xb7: {  	s30 =	sld [smem:$0x0];
	_ =	sdelay $0x2  }
0xb8: {  	s31 =	sshll.u32 s1, $0xD;
	s1 =	sshrl.u32 s1, $0x2  }
0xb9: {  	s3 =	sand.u32 $0x4000, s31;
	s1 =	sadd.s32 s1, s30  }
0xba: {  	s0 =	sor.u32 s3, s0;
	s1 =	sshll.u32 s1, $0x11  }
0xbb: {  	s0 =	sor.u32 s1, s0  }
0xbc: {  	s0 =	sadd.s32 $0x8F2B, s0  }
0xbd: {  	[sflag:s0] =	ssyncadd.remote.s32 $0x1  }
0xbe: {  	_ =	sfence.sel $0xFFFF  }
0xbf: {  	[dreg:$0x0] =	wrdreg $0xFFFFFFFF;
	(pc) =	sbr.abs _section_cstart, $3  }
0xc0: {  	[dreg:$0x1] =	wrdreg $0xFFFFFFFF  }
0xc1: {  	_ =	task.clear_ibuf [dreg:s6], $0x2FFFF;
	_ =	strace $0x9FFFFFFF  }
0xc2: {  	(tm) =	ssettm $0x7FFFFFFF  }
0xc3: {  	_ =	shalt  }
tec
execute0_lowered:
.L_overlay_start_1:
0x0: {  	(tag) =	ssettag $0x1  }
0x1: {  	s1 =	srdreg.scid;
	s5 =	rddreg [dreg:$0x0]  }
0x2: {  	s0 =	stileid.u32;
	s2 =	rddreg [dreg:$0x1];
	s3 =	simm.s32 $0x0  }
0x3: {  	s14 =	simm.s32 $0x2;
	s15 =	simm.s32 $0x2C00;
	s16 =	simm.s32 $0x5800  }
0x4: {  	s17 =	simm.s32 $0x80;
	s18 =	simm.s32 $0x1;
	s21 =	simm.s32 $0x0  }
0x5: {  	s6 =	sand.u32 $0x1, s1;
	s1 =	rddreg [dreg:$0x2];
	s8 =	smul.u32 $0x2780, s0  }
0x6: {  	s29 =	sshll.u32 s0, $0x1;
	[smem:$0x7FF] =	sst s3;
	s10 =	smul.u32 $0x4F000, s0  }
0x7: {  	s19 =	sshll.u32 s0, $0x6;
	s4 =	sor.u32 s6, s29;
	_ =	strace $0x8000004A  }
0x8: {  	s9 =	smul.u32 $0x27800, s6;
	s6 =	ssub.s32 $0x2, s6;
	s19 =	sor.u32 $0x1C02, s19  }
0x9: {  	s7 =	smul.u32 $0x580, s4;
	s4 =	sadd.s32 $0xE400, s5;
	s30 =	sshrl.u32 s6, $0x1  }
0xa: {  	s31 =	sshrl.u32 s10, $0x2;
	s8 =	sadd.s32 s8, s9;
	s13 =	ssub.s32 s6, s30  }
0xb: {  	s7 =	sadd.s32 s7, s5;
	s12 =	sadd.s32 s8, s5;
	s13 =	smax.u32 s13, $0x1  }
0xc: {  	s5 =	sadd.s32 $0x5D400, s7;
	s6 =	sadd.s32 $0x3400, s7;
	s7 =	sadd.s32 s31, s2  }
0xd: {  	s12 =	sadd.s32 $0x68400, s12;
	s8 =	sadd.s32 $0x4000, s7;
	s9 =	sadd.s32 $0x8000, s7  }
0xe: {  	v0 =	vimm.f32 $0.0e+00;
	s10 =	sadd.s32 $0xC000, s7;
	s11 =	sadd.s32 $0x10000, s7;
	s20 =	sshrl.u32 s7, $0x3  }
.LBB2_1:
0xf: {  	[tilespmem:s3], [sflag:$0x2] =	stream.linear.gather [hbm4b:s5+s3], $0x2900, $0x38;
	[tilespmem:$0x1D400] =	vst v63  }
0x10: {  	_ =	swait.ge [sflag:s14], $0x2900  }
0x11: {  	[sflag:s14] =	ssyncset.done $0x0  }
0x12: {  	[sflag:s14] =	ssyncadd.s32 $0xFFFFD700  }
0x13: {  	[tilespmem:s15], [sflag:$0x2] =	stream.linear.gather [hbm4b:s6+s3], $0x2900, $0x38;
	[tilespmem:$0x1D400] =	vst v63  }
0x14: {  	_ =	swait.ge [sflag:s14], $0x2900  }
0x15: {  	[sflag:s14] =	ssyncset.done $0x0  }
0x16: {  	s22 =	simm.s32 $0x0;
	s23 =	simm.s32 $0x200;
	[sflag:s14] =	ssyncadd.s32 $0xFFFFD700  }
.LBB2_2:
0x17: {  	p0 =	sne.s32 s23, $0xFE00;
	[tilespmem:s22+$0x5870] =	vst v0  }
0x18: {  	[tilespmem:s22+$0x5800] =	vst v0  }
0x19: {  	[tilespmem:s22+$0x5810] =	vst v0  }
.Ltmp0:
0x1a: {  	[tilespmem:s22+$0x5820] =	vst v0;
	(pc) =	sbr.rel @p0 .LBB2_2-.Ltmp0, $4  }
0x1b: {  	[tilespmem:s22+$0x5830] =	vst v0  }
0x1c: {  	[tilespmem:s22+$0x5840] =	vst v0  }
0x1d: {  	[tilespmem:s22+$0x5850] =	vst v0  }
0x1e: {  	[tilespmem:s22+$0x5860] =	vst v0;
	s22 =	sshra.s32 s23, $0x2;
	s23 =	sadd.s32 $0x200, s23  }
0x1f: {  	[tilespmem:s22+$0x5870] =	vst v0  }
0x20: {  	[tilespmem:s22+$0x5800] =	vst v0  }
0x21: {  	[tilespmem:s22+$0x5810] =	vst v0  }
0x22: {  	[tilespmem:s22+$0x5820] =	vst v0  }
0x23: {  	[tilespmem:s22+$0x5830] =	vst v0  }
0x24: {  	[tilespmem:s22+$0x5840] =	vst v0  }
0x25: {  	[tilespmem:s22+$0x5850] =	vst v0  }
0x26: {  	[tilespmem:s22+$0x5860] =	vst v0  }
0x27: {  	[spmem:s7] =	stream.linear.scatter [tilespmem:s16], [sflag:$0x2], $0x4000, $0x38;
	[tilespmem:$0x1D400] =	vst v63  }
0x28: {  	_ =	swait.ge [sflag:s14], $0x4000  }
0x29: {  	[sflag:s14] =	ssyncset.done $0x0  }
0x2a: {  	[sflag:s14] =	ssyncadd.s32 $0xFFFFC000  }
0x2b: {  	[spmem:s8] =	stream.linear.scatter [tilespmem:s16], [sflag:$0x2], $0x4000, $0x38;
	[tilespmem:$0x1D400] =	vst v63  }
0x2c: {  	_ =	swait.ge [sflag:s14], $0x4000  }
0x2d: {  	[sflag:s14] =	ssyncset.done $0x0  }
0x2e: {  	[sflag:s14] =	ssyncadd.s32 $0xFFFFC000  }
0x2f: {  	[spmem:s9] =	stream.linear.scatter [tilespmem:s16], [sflag:$0x2], $0x4000, $0x38;
	[tilespmem:$0x1D400] =	vst v63  }
0x30: {  	_ =	swait.ge [sflag:s14], $0x4000  }
0x31: {  	[sflag:s14] =	ssyncset.done $0x0  }
0x32: {  	[sflag:s14] =	ssyncadd.s32 $0xFFFFC000  }
0x33: {  	[spmem:s10] =	stream.linear.scatter [tilespmem:s16], [sflag:$0x2], $0x4000, $0x38;
	[tilespmem:$0x1D400] =	vst v63  }
0x34: {  	_ =	swait.ge [sflag:s14], $0x4000  }
0x35: {  	[sflag:s14] =	ssyncset.done $0x0  }
0x36: {  	[sflag:s14] =	ssyncadd.s32 $0xFFFFC000  }
0x37: {  	[spmem:s11] =	stream.linear.scatter [tilespmem:s16], [sflag:$0x2], $0x3C00, $0x38;
	[tilespmem:$0x1D400] =	vst v63  }
0x38: {  	_ =	swait.ge [sflag:s14], $0x3C00  }
0x39: {  	[sflag:s14] =	ssyncset.done $0x0  }
0x3a: {  	[sflag:s14] =	ssyncadd.s32 $0xFFFFC400  }
0x3b: {  	s30 =	simm.s32 $0x0;
	[bflag:$0x0] =	sbarrier.arrive $0xFFFF  }
0x3c: {  	[tilespmem:s16], [sflag:$0x1] =	stream.indirect.gather [hbm4b:s4+s17], $0x80, s30, s17, $0xb8;
	[tilespmem:$0x1D400] =	vst v63  }
0x3d: {  	_ =	swait.ge [sflag:s18], $0x4000  }
0x3e: {  	[sflag:s18] =	ssyncset.done $0x0  }
0x3f: {  	s31 =	simm.s32 $0x2C00;
	[sflag:s18] =	ssyncadd.s32 $0xFFFFC000  }
0x40: {  	[spmem:s2] =	stream.indirect.scatter.add.f32 [tilespmem:s16], [sflag:$0x2], $0x80, s31, s17, $0xb8;
	[tilespmem:$0x1D400] =	vst v63  }
0x41: {  	_ =	swait.ge [sflag:s14], $0x4000  }
0x42: {  	s22 =	simm.s32 $0x200;
	s23 =	simm.s32 $0x400;
	[sflag:s14] =	ssyncset.done $0x0  }
.LBB2_4:
0x43: {  	s24 =	sshra.s32 s22, $0x2  }
0x44: {  	[sflag:s14] =	ssyncadd.s32 $0xFFFFC000;
	s22 =	smov.u32 s23;
	s25 =	sadd.s32 $0x200, s23  }
0x45: {  	[tilespmem:s16], [sflag:$0x1] =	stream.indirect.gather [hbm4b:s4+s17], $0x80, s24, s17, $0xb8;
	[tilespmem:$0x1D400] =	vst v63  }
0x46: {  	p0 =	sne.s32 s23, $0xA200;
	_ =	swait.ge [sflag:s18], $0x4000  }
.Ltmp1:
0x47: {  	[sflag:s18] =	ssyncset.done $0x0;
	(pc) =	sbr.rel @p0 .LBB2_4-.Ltmp1, $4  }
0x48: {  	s23 =	sadd.s32 $0x2C00, s24;
	[sflag:s18] =	ssyncadd.s32 $0xFFFFC000  }
0x49: {  	[spmem:s2] =	stream.indirect.scatter.add.f32 [tilespmem:s16], [sflag:$0x2], $0x80, s23, s17, $0xb8;
	[tilespmem:$0x1D400] =	vst v63  }
0x4a: {  	_ =	swait.ge [sflag:s14], $0x4000  }
0x4b: {  	s23 =	smov.u32 s25;
	[sflag:s14] =	ssyncset.done $0x0  }
0x4c: {  	s22 =	sshra.s32 s22, $0x2;
	[sflag:s14] =	ssyncadd.s32 $0xFFFFC000  }
0x4d: {  	[tilespmem:s16], [sflag:$0x1] =	stream.indirect.gather [hbm4b:s4+s17], $0x80, s22, s17, $0xb8;
	[tilespmem:$0x1D400] =	vst v63  }
0x4e: {  	_ =	swait.ge [sflag:s18], $0x4000  }
0x4f: {  	[sflag:s18] =	ssyncset.done $0x0  }
0x50: {  	s22 =	sadd.s32 $0x2C00, s22;
	[sflag:s18] =	ssyncadd.s32 $0xFFFFC000  }
0x51: {  	[spmem:s2] =	stream.indirect.scatter.add.f32 [tilespmem:s16], [sflag:$0x2], $0x80, s22, s17, $0xb8;
	[tilespmem:$0x1D400] =	vst v63  }
0x52: {  	_ =	swait.ge [sflag:s14], $0x4000  }
0x53: {  	s21 =	sadd.s32 $0x1, s21;
	[sflag:s14] =	ssyncset.done $0x0  }
0x54: {  	p0 =	sne.s32 s21, s13;
	[sflag:s14] =	ssyncadd.s32 $0xFFFFC000  }
.Ltmp2:
0x55: {  	[bflag:$0x0] =	sbarrier.arrive $0xFFFF;
	(pc) =	sbr.rel @p0 .LBB2_1-.Ltmp2, $4  }
0x56: {  	[hbm:s12], [sflag:s19] =	dma.local [spmem:s20], $0x2780  }
0x57: {  	_ =	swait.ge [sflag:s14], $0x2780  }
0x58: {  	[sflag:s14] =	ssyncset.done $0x0  }
0x59: {  	[sflag:s14] =	ssyncadd.s32 $0xFFFFD880  }
0x5a: {  	_ =	sfence.sel $0x180000  }
0x5b: {  	[bflag:$0x0] =	sbarrier.arrive $0xFFFF  }
0x5c: {  	p0 =	sne.s32 s0, $0x0;
	_ =	strace $0x9000004A  }
0x5d: {  	s0 =	sadd.s32 @!p0 $0x100000, s1;
	[bflag:$0x2] =	sbarrier.arrive $0xFFFF  }
0x5e: {  	[sflag:s0] =	ssyncadd.tile.s32 @!p0 $0x1;
	_ =	shalt  }
.Lfunc_end2:
_tile_overlayer_lowered:
.L_overlay_start_2:
0x5f: {  	(tag) =	ssettag $0x2  }
0x60: {  	s0 =	rddreg [dreg:$0x0];
	s2 =	stileid.u32  }
0x61: {  	s1 =	rddreg [dreg:$0x1];
	p0 =	sne.s32 s2, $0x0  }
0x62: {  	s3 =	rddreg [dreg:$0x2];
	[bflag:$0x3] =	sbarrier.arrive $0xFFFF;
	s2 =	simm.s32 @!p0 $0x1C02  }
0x63: {  	[timem:s3], [sflag:s2] =	dma.local @!p0 [hbm:s0], s1  }
0x64: {  	s0 =	simm.s32 @!p0 $0x2  }
0x65: {  	_ =	swait.ge @!p0 [sflag:s0], s1  }
0x66: {  	s1 =	ssub.s32 @!p0 $0x0, s1;
	[sflag:s0] =	ssyncset.done @!p0 $0x0  }
0x67: {  	[sflag:s0] =	ssyncadd.s32 @!p0 s1  }
0x68: {  	[bflag:$0x3] =	sbarrier.arrive $0xFFFF  }
0x69: {  	_ =	shalt  }

// kernel: kernel.16.cloned.1.call-start
scs
__scs_entry_jumppad:
0x0: {  	(pc) =	sbr.rel $0x88, $3  }
0x1: {  	(tag) =	ssettag $0x0;
	lr =	simm.s32 $0x1  }
0x2: {  	[smem:$0x3F94] =	sst lr;
	_ =	strace $0xD0000000  }
0x3: {  	_ = 	snop  }
0x4: {  	_ = 	snop  }
0x5: {  	_ = 	snop  }
0x6: {  	_ = 	snop  }
0x7: {  	_ = 	snop  }
__scs_overlays_trampoline_lowered:
0x8: {  	[smem:$0x3FA3] =	sst s0  }
0x9: {  	[smem:$0x3FA4] =	sst s1  }
0xa: {  	[smem:$0x3FA5] =	sst s2  }
0xb: {  	[smem:$0x3FA6] =	sst s3  }
0xc: {  	[smem:$0x3FA7] =	sst s4  }
0xd: {  	[smem:$0x3FA8] =	sst s5  }
0xe: {  	[smem:$0x3FA9] =	sst s6  }
0xf: {  	[smem:$0x3FAA] =	sst s7  }
0x10: {  	[smem:$0x3FAB] =	sst s8  }
0x11: {  	[smem:$0x3FAC] =	sst s9;
	s0 =	simm.s32 @!p0 $0x0  }
0x12: {  	s1 =	sld [smem:$0x3F92];
	s0 =	simm.s32 @p0 $0x1  }
0x13: {  	[smem:$0x3FAD] =	sst s0;
	s0 =	simm.s32 @!p1 $0x0  }
0x14: {  	s2 =	sld [smem:$0x3F91];
	s0 =	simm.s32 @p1 $0x1  }
0x15: {  	[smem:$0x3FAE] =	sst s0;
	s0 =	simm.s32 @!p2 $0x0  }
0x16: {  	s3 =	sld [smem:$0x3FDB];
	s0 =	simm.s32 @p2 $0x1  }
0x17: {  	s4 =	simm.s32 $0x1BF5;
	[smem:$0x3FB0] =	sst s0  }
0x18: {  	s0 =	sld [smem:$0x3F93];
	_ =	swait.ge [sflag:s4], $0x0  }
0x19: {  	s7 =	sld [smem:$0x3F94]  }
0x1a: {  	s8 =	sadd.s32 $0xFFFFE003, lr  }
0x1b: {  	s9 =	sadd.s32 $0xFFFFFEF7, lr;
	s5 =	simm.s32 $0xFFFFFFFF;
	p2 =	slt.u32 s8, $0xFFFFF086  }
0x1c: {  	p1 =	slt.u32 s9, $0xF7A;
	s5 =	simm.s32 @!p2 $0x0  }
0x1d: {  	s5 =	simm.s32 @p1 $0x1;
	p0 =	seq.s32 s7, s2  }
0x1e: {  	s7 =	smul.u32 @!p0 $0xF7A, s2;
	p2 =	seq.s32 @!p0 s5, $0x0  }
0x1f: {  	s9 =	smul.u32 $0xF7A, s1;
	s8 =	simm.s32 @!p0 $0x1BF5;
	p2 =	por !p2, p0  }
0x20: {  	[sflag:s8] =	ssyncset.s32 @!p0 $0xFFFFF086;
	s6 =	sadd.s32 @!p0 s3, s7;
	s7 =	simm.s32 @!p0 $0x108  }
0x21: {  	s3 =	sadd.s32 s3, s9;
	s6 =	sadd.s32 @!p0 $0x88, s6;
	s7 =	simm.s32 @p2 $0x1082  }
0x22: {  	[simem:s7], [sflag:s8] =	dma.local @!p0 [hbm:s6], $0xF7A  }
0x23: {  	s9 =	sor.u32 $0xD0000000, s2;
	s6 =	simm.s32 $0x108;
	_ =	swait.ge @!p0 [sflag:s8], $0x0  }
0x24: {  	s3 =	sadd.s32 $0x88, s3;
	s6 =	simm.s32 @!p1 $0x1082;
	[sflag:s4] =	ssyncset.s32 $0xFFFFF086  }
0x25: {  	[simem:s6], [sflag:s4] =	dma.local [hbm:s3], $0xF7A  }
0x26: {  	[smem:$0x3F94] =	sst s1;
	(tag) =	ssettag s2;
	_ =	strace s9  }
0x27: {  	s1 =	sld [smem:$0x3FA4]  }
0x28: {  	s2 =	sld [smem:$0x3FA5]  }
0x29: {  	s4 =	sld [smem:$0x3FA7]  }
0x2a: {  	p0 =	seq.s32 s5, $0x0;
	s5 =	sld [smem:$0x3FA8]  }
0x2b: {  	s6 =	sld [smem:$0x3FA9]  }
0x2c: {  	s7 =	sld [smem:$0x3FAA]  }
0x2d: {  	s3 =	simm.s32 $0x108;
	s8 =	sld [smem:$0x3FAB]  }
0x2e: {  	s3 =	simm.s32 @!p0 $0x1082;
	s9 =	sld [smem:$0x3FAC]  }
0x2f: {  	lr =	sadd.s32 s0, s3;
	s0 =	sld [smem:$0x3FA3]  }
0x30: {  	s3 =	sld [smem:$0x3FA6]  }
0x31: {  	[smem:$0x3FAF] =	sst s10  }
0x32: {  	s10 =	sld [smem:$0x3FAD];
	_ =	sdelay $0x3  }
0x33: {  	p0 =	seq.s32 s10, $0x1;
	s10 =	sld [smem:$0x3FAF];
	_ =	sdelay $0x3  }
0x34: {  	[smem:$0x3FAF] =	sst s10  }
0x35: {  	s10 =	sld [smem:$0x3FAE];
	_ =	sdelay $0x3  }
0x36: {  	p1 =	seq.s32 s10, $0x1;
	s10 =	sld [smem:$0x3FAF];
	_ =	sdelay $0x3  }
0x37: {  	[smem:$0x3FAF] =	sst s10  }
0x38: {  	s10 =	sld [smem:$0x3FB0]  }
0x39: {  	_ = 	snop;
	(pc) =	sbr.ind lr, $3  }
0x3a: {  	_ = 	snop  }
0x3b: {  	_ = 	snop  }
0x3c: {  	p2 =	seq.s32 s10, $0x1;
	s10 =	sld [smem:$0x3FAF]  }
0x3d: {  	_ =	shalt  }
0x3e: {  	_ =	shalt  }
0x3f: {  	_ =	shalt  }
0x40: {  	_ =	shalt  }
0x41: {  	_ =	shalt  }
0x42: {  	_ =	shalt  }
0x43: {  	_ =	shalt  }
0x44: {  	_ =	shalt  }
0x45: {  	_ =	shalt  }
0x46: {  	_ =	shalt  }
0x47: {  	_ =	shalt  }
0x48: {  	_ =	shalt  }
0x49: {  	_ =	shalt  }
0x4a: {  	_ =	shalt  }
0x4b: {  	_ =	shalt  }
0x4c: {  	_ =	shalt  }
0x4d: {  	_ =	shalt  }
0x4e: {  	_ =	shalt  }
0x4f: {  	_ =	shalt  }
0x50: {  	_ =	shalt  }
0x51: {  	_ =	shalt  }
0x52: {  	_ =	shalt  }
0x53: {  	_ =	shalt  }
0x54: {  	_ =	shalt  }
0x55: {  	_ =	shalt  }
0x56: {  	_ =	shalt  }
0x57: {  	_ =	shalt  }
0x58: {  	_ =	shalt  }
0x59: {  	_ =	shalt  }
0x5a: {  	_ =	shalt  }
0x5b: {  	_ =	shalt  }
0x5c: {  	_ =	shalt  }
0x5d: {  	_ =	shalt  }
0x5e: {  	_ =	shalt  }
0x5f: {  	_ =	shalt  }
0x60: {  	_ =	shalt  }
0x61: {  	_ =	shalt  }
0x62: {  	_ =	shalt  }
0x63: {  	_ =	shalt  }
0x64: {  	_ =	shalt  }
0x65: {  	_ =	shalt  }
0x66: {  	_ =	shalt  }
0x67: {  	_ =	shalt  }
0x68: {  	_ =	shalt  }
0x69: {  	_ =	shalt  }
0x6a: {  	_ =	shalt  }
0x6b: {  	_ =	shalt  }
0x6c: {  	_ =	shalt  }
0x6d: {  	_ =	shalt  }
0x6e: {  	_ =	shalt  }
0x6f: {  	_ =	shalt  }
0x70: {  	_ =	shalt  }
0x71: {  	_ =	shalt  }
0x72: {  	_ =	shalt  }
0x73: {  	_ =	shalt  }
0x74: {  	_ =	shalt  }
0x75: {  	_ =	shalt  }
0x76: {  	_ =	shalt  }
0x77: {  	_ =	shalt  }
0x78: {  	_ =	shalt  }
0x79: {  	_ =	shalt  }
0x7a: {  	_ =	shalt  }
0x7b: {  	_ =	shalt  }
0x7c: {  	_ =	shalt  }
0x7d: {  	_ =	shalt  }
0x7e: {  	_ =	shalt  }
0x7f: {  	_ =	shalt  }
0x80: {  	_ =	shalt  }
0x81: {  	_ =	shalt  }
0x82: {  	_ =	shalt  }
0x83: {  	_ =	shalt  }
0x84: {  	_ =	shalt  }
0x85: {  	_ =	shalt  }
0x86: {  	_ =	shalt  }
0x87: {  	_ =	shalt  }
.Lfunc_end0:
.L_simem_size_0:
called_computation.2_lowered:
.L_overlay_start_0:
0x88: {  	s2 =	sld [smem:$0x3FD9]  }
0x89: {  	s3 =	sld [smem:$0x3FFE];
	_ =	sdelay $0x1  }
0x8a: {  	s1 =	srdreg.scid  }
0x8b: {  	s0 =	sand.u32 $0x1, s1  }
0x8c: {  	s16 =	sshll.u32 s0, $0xA;
	s2 =	sadd.s32 s3, s2  }
0x8d: {  	s2 =	sadd.s32 s2, s16  }
0x8e: {  	[smem:$0x3FBB] =	sst s2  }
0x8f: {  	_ = 	snop  }
0x90: {  	(tm) =	ssettm $0x1  }
0x91: {  	s17 =	sld [smem:$0x3FFB];
	_ =	sdelay $0x3  }
0x92: {  	_ =	strace s17  }
0x93: {  	s2 =	sld [smem:$0x3FFC];
	_ =	sdelay $0x3  }
0x94: {  	_ =	strace s2  }
0x95: {  	s2 =	sld [smem:$0x3FFD];
	_ =	sdelay $0x3  }
0x96: {  	_ =	strace s2  }
0x97: {  	_ =	strace $0x8FFFFFFF  }
0x98: {  	s18 =	sld [smem:$0x3FDB];
	_ =	sdelay $0x1  }
0x99: {  	s19 =	simm.s32 $_scs_section_size  }
0x9a: {  	s4 =	simm.s32 $_size__tile_overlayer_lowered;
	s5 =	simm.s32 $_tile_overlayer_lowered  }
0x9b: {  	s22 =	simm.s32 $0x1BFF;
	s21 =	sshll.u32 s5, $0x1;
	s2 =	sadd.s32 s19, s18  }
0x9c: {  	s6 =	simm.s32 $0x0;
	s20 =	sshll.u32 s4, $0x1;
	s4 =	sadd.s32 s21, s2  }
0x9d: {  	[timem:s6], [sflag:s22] =	dma.local [hbm:s4], s20  }
0x9e: {  	_ =	swait.ge [sflag:s22], s20  }
0x9f: {  	s3 =	ssub.s32 $0x0, s20;
	[sflag:s22] =	ssyncset.done $0x0  }
0xa0: {  	[sflag:s22] =	ssyncadd.s32 s3;
	_ =	sdelay $0x1  }
0xa1: {  	s23 =	simm.s32 $0x1B8B  }
0xa2: {  	_ =	swait.ge [sflag:s23], $0x1  }
0xa3: {  	[sflag:s23] =	ssyncset.done $0x0  }
0xa4: {  	s25 =	simm.s32 $0x1B8E;
	s24 =	sld [smem:$0x3FFE];
	[sflag:s23] =	ssyncadd.s32 $0xFFFFFFFF  }
0xa5: {  	s26 =	simm.s32 $execute0_lowered;
	[smem:$0x3FD2] =	sst s25  }
0xa6: {  	s4 =	sshll.u32 s26, $0x1;
	_ =	strace $0x8000004C;
	[dreg:$0x1] =	wrdreg $0xFFFFFFFF  }
0xa7: {  	s28 =	simm.s32 $_size_execute0_lowered;
	s2 =	sadd.s32 s2, s4;
	[dreg:$0x0] =	wrdreg $0x0  }
0xa8: {  	s4 =	sshll.u32 s28, $0x1;
	[dreg:$0x2] =	wrdreg s2  }
0xa9: {  	[dreg:$0x3] =	wrdreg s4  }
0xaa: {  	[dreg:$0x4] =	wrdreg $0xC0  }
0xab: {  	_ =	task [dreg:s6], $0x5FFFF  }
0xac: {  	[dreg:$0x1] =	wrdreg $0xFFFFFFFF  }
0xad: {  	[dreg:$0x0] =	wrdreg $0x60  }
0xae: {  	[dreg:$0x2] =	wrdreg s24  }
0xaf: {  	[dreg:$0x3] =	wrdreg $0x98000  }
0xb0: {  	[dreg:$0x4] =	wrdreg $0x9  }
0xb1: {  	_ =	task.clear_ibuf [dreg:s6], $0x5FFFF;
	_ =	strace $0x9000004C  }
0xb2: {  	s29 =	simm.s32 $0x9;
	_ =	strace $0x8000004E  }
0xb3: {  	_ =	swait.ge [sflag:s29], $0x1  }
0xb4: {  	[sflag:s29] =	ssyncadd.s32 $0xFFFFFFFF  }
0xb5: {  	_ =	strace $0x9000004E  }
0xb6: {  	_ =	sfence  }
0xb7: {  	s30 =	sld [smem:$0x0];
	_ =	sdelay $0x2  }
0xb8: {  	s31 =	sshll.u32 s1, $0xD;
	s1 =	sshrl.u32 s1, $0x2  }
0xb9: {  	s3 =	sand.u32 $0x4000, s31;
	s1 =	sadd.s32 s1, s30  }
0xba: {  	s0 =	sor.u32 s3, s0;
	s1 =	sshll.u32 s1, $0x11  }
0xbb: {  	s0 =	sor.u32 s1, s0  }
0xbc: {  	s0 =	sadd.s32 $0x8F2B, s0  }
0xbd: {  	[sflag:s0] =	ssyncadd.remote.s32 $0x1  }
0xbe: {  	_ =	sfence.sel $0xFFFF  }
0xbf: {  	[dreg:$0x0] =	wrdreg $0xFFFFFFFF;
	(pc) =	sbr.abs _section_cstart, $3  }
0xc0: {  	[dreg:$0x1] =	wrdreg $0xFFFFFFFF  }
0xc1: {  	_ =	task.clear_ibuf [dreg:s6], $0x2FFFF;
	_ =	strace $0x9FFFFFFF  }
0xc2: {  	(tm) =	ssettm $0x7FFFFFFF  }
0xc3: {  	_ =	shalt  }
tec
execute0_lowered:
.L_overlay_start_1:
0x0: {  	(tag) =	ssettag $0x1  }
0x1: {  	s1 =	srdreg.scid;
	s5 =	rddreg [dreg:$0x0]  }
0x2: {  	s0 =	stileid.u32;
	s2 =	rddreg [dreg:$0x1];
	s3 =	simm.s32 $0x0  }
0x3: {  	s14 =	simm.s32 $0x2;
	s15 =	simm.s32 $0x2C00;
	s16 =	simm.s32 $0x5800  }
0x4: {  	s17 =	simm.s32 $0x80;
	s18 =	simm.s32 $0x1;
	s21 =	simm.s32 $0x0  }
0x5: {  	s6 =	sand.u32 $0x1, s1;
	s1 =	rddreg [dreg:$0x2];
	s8 =	smul.u32 $0x2780, s0  }
0x6: {  	s29 =	sshll.u32 s0, $0x1;
	[smem:$0x7FF] =	sst s3;
	s10 =	smul.u32 $0x4F000, s0  }
0x7: {  	s19 =	sshll.u32 s0, $0x6;
	s4 =	sor.u32 s6, s29;
	_ =	strace $0x8000004D  }
0x8: {  	s9 =	smul.u32 $0x27800, s6;
	s6 =	ssub.s32 $0x2, s6;
	s19 =	sor.u32 $0x1C02, s19  }
0x9: {  	s7 =	smul.u32 $0x580, s4;
	s4 =	sadd.s32 $0xE400, s5;
	s30 =	sshrl.u32 s6, $0x1  }
0xa: {  	s31 =	sshrl.u32 s10, $0x2;
	s8 =	sadd.s32 s8, s9;
	s13 =	ssub.s32 s6, s30  }
0xb: {  	s7 =	sadd.s32 s7, s5;
	s12 =	sadd.s32 s8, s5;
	s13 =	smax.u32 s13, $0x1  }
0xc: {  	s5 =	sadd.s32 $0x5D400, s7;
	s6 =	sadd.s32 $0x3400, s7;
	s7 =	sadd.s32 s31, s2  }
0xd: {  	s12 =	sadd.s32 $0x68400, s12;
	s8 =	sadd.s32 $0x4000, s7;
	s9 =	sadd.s32 $0x8000, s7  }
0xe: {  	v0 =	vimm.f32 $0.0e+00;
	s10 =	sadd.s32 $0xC000, s7;
	s11 =	sadd.s32 $0x10000, s7;
	s20 =	sshrl.u32 s7, $0x3  }
.LBB2_1:
0xf: {  	[tilespmem:s3], [sflag:$0x2] =	stream.linear.gather [hbm4b:s5+s3], $0x2900, $0x38;
	[tilespmem:$0x1D400] =	vst v63  }
0x10: {  	_ =	swait.ge [sflag:s14], $0x2900  }
0x11: {  	[sflag:s14] =	ssyncset.done $0x0  }
0x12: {  	[sflag:s14] =	ssyncadd.s32 $0xFFFFD700  }
0x13: {  	[tilespmem:s15], [sflag:$0x2] =	stream.linear.gather [hbm4b:s6+s3], $0x2900, $0x38;
	[tilespmem:$0x1D400] =	vst v63  }
0x14: {  	_ =	swait.ge [sflag:s14], $0x2900  }
0x15: {  	[sflag:s14] =	ssyncset.done $0x0  }
0x16: {  	s22 =	simm.s32 $0x0;
	s23 =	simm.s32 $0x200;
	[sflag:s14] =	ssyncadd.s32 $0xFFFFD700  }
.LBB2_2:
0x17: {  	p0 =	sne.s32 s23, $0xFE00;
	[tilespmem:s22+$0x5870] =	vst v0  }
0x18: {  	[tilespmem:s22+$0x5800] =	vst v0  }
0x19: {  	[tilespmem:s22+$0x5810] =	vst v0  }
.Ltmp0:
0x1a: {  	[tilespmem:s22+$0x5820] =	vst v0;
	(pc) =	sbr.rel @p0 .LBB2_2-.Ltmp0, $4  }
0x1b: {  	[tilespmem:s22+$0x5830] =	vst v0  }
0x1c: {  	[tilespmem:s22+$0x5840] =	vst v0  }
0x1d: {  	[tilespmem:s22+$0x5850] =	vst v0  }
0x1e: {  	[tilespmem:s22+$0x5860] =	vst v0;
	s22 =	sshra.s32 s23, $0x2;
	s23 =	sadd.s32 $0x200, s23  }
0x1f: {  	[tilespmem:s22+$0x5870] =	vst v0  }
0x20: {  	[tilespmem:s22+$0x5800] =	vst v0  }
0x21: {  	[tilespmem:s22+$0x5810] =	vst v0  }
0x22: {  	[tilespmem:s22+$0x5820] =	vst v0  }
0x23: {  	[tilespmem:s22+$0x5830] =	vst v0  }
0x24: {  	[tilespmem:s22+$0x5840] =	vst v0  }
0x25: {  	[tilespmem:s22+$0x5850] =	vst v0  }
0x26: {  	[tilespmem:s22+$0x5860] =	vst v0  }
0x27: {  	[spmem:s7] =	stream.linear.scatter [tilespmem:s16], [sflag:$0x2], $0x4000, $0x38;
	[tilespmem:$0x1D400] =	vst v63  }
0x28: {  	_ =	swait.ge [sflag:s14], $0x4000  }
0x29: {  	[sflag:s14] =	ssyncset.done $0x0  }
0x2a: {  	[sflag:s14] =	ssyncadd.s32 $0xFFFFC000  }
0x2b: {  	[spmem:s8] =	stream.linear.scatter [tilespmem:s16], [sflag:$0x2], $0x4000, $0x38;
	[tilespmem:$0x1D400] =	vst v63  }
0x2c: {  	_ =	swait.ge [sflag:s14], $0x4000  }
0x2d: {  	[sflag:s14] =	ssyncset.done $0x0  }
0x2e: {  	[sflag:s14] =	ssyncadd.s32 $0xFFFFC000  }
0x2f: {  	[spmem:s9] =	stream.linear.scatter [tilespmem:s16], [sflag:$0x2], $0x4000, $0x38;
	[tilespmem:$0x1D400] =	vst v63  }
0x30: {  	_ =	swait.ge [sflag:s14], $0x4000  }
0x31: {  	[sflag:s14] =	ssyncset.done $0x0  }
0x32: {  	[sflag:s14] =	ssyncadd.s32 $0xFFFFC000  }
0x33: {  	[spmem:s10] =	stream.linear.scatter [tilespmem:s16], [sflag:$0x2], $0x4000, $0x38;
	[tilespmem:$0x1D400] =	vst v63  }
0x34: {  	_ =	swait.ge [sflag:s14], $0x4000  }
0x35: {  	[sflag:s14] =	ssyncset.done $0x0  }
0x36: {  	[sflag:s14] =	ssyncadd.s32 $0xFFFFC000  }
0x37: {  	[spmem:s11] =	stream.linear.scatter [tilespmem:s16], [sflag:$0x2], $0x3C00, $0x38;
	[tilespmem:$0x1D400] =	vst v63  }
0x38: {  	_ =	swait.ge [sflag:s14], $0x3C00  }
0x39: {  	[sflag:s14] =	ssyncset.done $0x0  }
0x3a: {  	[sflag:s14] =	ssyncadd.s32 $0xFFFFC400  }
0x3b: {  	s30 =	simm.s32 $0x0;
	[bflag:$0x0] =	sbarrier.arrive $0xFFFF  }
0x3c: {  	[tilespmem:s16], [sflag:$0x1] =	stream.indirect.gather [hbm4b:s4+s17], $0x80, s30, s17, $0xb8;
	[tilespmem:$0x1D400] =	vst v63  }
0x3d: {  	_ =	swait.ge [sflag:s18], $0x4000  }
0x3e: {  	[sflag:s18] =	ssyncset.done $0x0  }
0x3f: {  	s31 =	simm.s32 $0x2C00;
	[sflag:s18] =	ssyncadd.s32 $0xFFFFC000  }
0x40: {  	[spmem:s2] =	stream.indirect.scatter.add.f32 [tilespmem:s16], [sflag:$0x2], $0x80, s31, s17, $0xb8;
	[tilespmem:$0x1D400] =	vst v63  }
0x41: {  	_ =	swait.ge [sflag:s14], $0x4000  }
0x42: {  	s22 =	simm.s32 $0x200;
	s23 =	simm.s32 $0x400;
	[sflag:s14] =	ssyncset.done $0x0  }
.LBB2_4:
0x43: {  	s24 =	sshra.s32 s22, $0x2  }
0x44: {  	[sflag:s14] =	ssyncadd.s32 $0xFFFFC000;
	s22 =	smov.u32 s23;
	s25 =	sadd.s32 $0x200, s23  }
0x45: {  	[tilespmem:s16], [sflag:$0x1] =	stream.indirect.gather [hbm4b:s4+s17], $0x80, s24, s17, $0xb8;
	[tilespmem:$0x1D400] =	vst v63  }
0x46: {  	p0 =	sne.s32 s23, $0xA200;
	_ =	swait.ge [sflag:s18], $0x4000  }
.Ltmp1:
0x47: {  	[sflag:s18] =	ssyncset.done $0x0;
	(pc) =	sbr.rel @p0 .LBB2_4-.Ltmp1, $4  }
0x48: {  	s23 =	sadd.s32 $0x2C00, s24;
	[sflag:s18] =	ssyncadd.s32 $0xFFFFC000  }
0x49: {  	[spmem:s2] =	stream.indirect.scatter.add.f32 [tilespmem:s16], [sflag:$0x2], $0x80, s23, s17, $0xb8;
	[tilespmem:$0x1D400] =	vst v63  }
0x4a: {  	_ =	swait.ge [sflag:s14], $0x4000  }
0x4b: {  	s23 =	smov.u32 s25;
	[sflag:s14] =	ssyncset.done $0x0  }
0x4c: {  	s22 =	sshra.s32 s22, $0x2;
	[sflag:s14] =	ssyncadd.s32 $0xFFFFC000  }
0x4d: {  	[tilespmem:s16], [sflag:$0x1] =	stream.indirect.gather [hbm4b:s4+s17], $0x80, s22, s17, $0xb8;
	[tilespmem:$0x1D400] =	vst v63  }
0x4e: {  	_ =	swait.ge [sflag:s18], $0x4000  }
0x4f: {  	[sflag:s18] =	ssyncset.done $0x0  }
0x50: {  	s22 =	sadd.s32 $0x2C00, s22;
	[sflag:s18] =	ssyncadd.s32 $0xFFFFC000  }
0x51: {  	[spmem:s2] =	stream.indirect.scatter.add.f32 [tilespmem:s16], [sflag:$0x2], $0x80, s22, s17, $0xb8;
	[tilespmem:$0x1D400] =	vst v63  }
0x52: {  	_ =	swait.ge [sflag:s14], $0x4000  }
0x53: {  	s21 =	sadd.s32 $0x1, s21;
	[sflag:s14] =	ssyncset.done $0x0  }
0x54: {  	p0 =	sne.s32 s21, s13;
	[sflag:s14] =	ssyncadd.s32 $0xFFFFC000  }
.Ltmp2:
0x55: {  	[bflag:$0x0] =	sbarrier.arrive $0xFFFF;
	(pc) =	sbr.rel @p0 .LBB2_1-.Ltmp2, $4  }
0x56: {  	[hbm:s12], [sflag:s19] =	dma.local [spmem:s20], $0x2780  }
0x57: {  	_ =	swait.ge [sflag:s14], $0x2780  }
0x58: {  	[sflag:s14] =	ssyncset.done $0x0  }
0x59: {  	[sflag:s14] =	ssyncadd.s32 $0xFFFFD880  }
0x5a: {  	_ =	sfence.sel $0x180000  }
0x5b: {  	[bflag:$0x0] =	sbarrier.arrive $0xFFFF  }
0x5c: {  	p0 =	sne.s32 s0, $0x0;
	_ =	strace $0x9000004D  }
0x5d: {  	s0 =	sadd.s32 @!p0 $0x100000, s1;
	[bflag:$0x2] =	sbarrier.arrive $0xFFFF  }
0x5e: {  	[sflag:s0] =	ssyncadd.tile.s32 @!p0 $0x1;
	_ =	shalt  }
.Lfunc_end2:
_tile_overlayer_lowered:
.L_overlay_start_2:
0x5f: {  	(tag) =	ssettag $0x2  }
0x60: {  	s0 =	rddreg [dreg:$0x0];
	s2 =	stileid.u32  }
0x61: {  	s1 =	rddreg [dreg:$0x1];
	p0 =	sne.s32 s2, $0x0  }
0x62: {  	s3 =	rddreg [dreg:$0x2];
	[bflag:$0x3] =	sbarrier.arrive $0xFFFF;
	s2 =	simm.s32 @!p0 $0x1C02  }
0x63: {  	[timem:s3], [sflag:s2] =	dma.local @!p0 [hbm:s0], s1  }
0x64: {  	s0 =	simm.s32 @!p0 $0x2  }
0x65: {  	_ =	swait.ge @!p0 [sflag:s0], s1  }
0x66: {  	s1 =	ssub.s32 @!p0 $0x0, s1;
	[sflag:s0] =	ssyncset.done @!p0 $0x0  }
0x67: {  	[sflag:s0] =	ssyncadd.s32 @!p0 s1  }
0x68: {  	[bflag:$0x3] =	sbarrier.arrive $0xFFFF  }
0x69: {  	_ =	shalt  }

// kernel: kernel.19.cloned.1.call-start
scs
__scs_entry_jumppad:
0x0: {  	(pc) =	sbr.rel $0x88, $3  }
0x1: {  	(tag) =	ssettag $0x0;
	lr =	simm.s32 $0x1  }
0x2: {  	[smem:$0x3F94] =	sst lr;
	_ =	strace $0xD0000000  }
0x3: {  	_ = 	snop  }
0x4: {  	_ = 	snop  }
0x5: {  	_ = 	snop  }
0x6: {  	_ = 	snop  }
0x7: {  	_ = 	snop  }
__scs_overlays_trampoline_lowered:
0x8: {  	[smem:$0x3FA3] =	sst s0  }
0x9: {  	[smem:$0x3FA4] =	sst s1  }
0xa: {  	[smem:$0x3FA5] =	sst s2  }
0xb: {  	[smem:$0x3FA6] =	sst s3  }
0xc: {  	[smem:$0x3FA7] =	sst s4  }
0xd: {  	[smem:$0x3FA8] =	sst s5  }
0xe: {  	[smem:$0x3FA9] =	sst s6  }
0xf: {  	[smem:$0x3FAA] =	sst s7  }
0x10: {  	[smem:$0x3FAB] =	sst s8  }
0x11: {  	[smem:$0x3FAC] =	sst s9;
	s0 =	simm.s32 @!p0 $0x0  }
0x12: {  	s1 =	sld [smem:$0x3F92];
	s0 =	simm.s32 @p0 $0x1  }
0x13: {  	[smem:$0x3FAD] =	sst s0;
	s0 =	simm.s32 @!p1 $0x0  }
0x14: {  	s2 =	sld [smem:$0x3F91];
	s0 =	simm.s32 @p1 $0x1  }
0x15: {  	[smem:$0x3FAE] =	sst s0;
	s0 =	simm.s32 @!p2 $0x0  }
0x16: {  	s3 =	sld [smem:$0x3FDB];
	s0 =	simm.s32 @p2 $0x1  }
0x17: {  	s4 =	simm.s32 $0x1BF5;
	[smem:$0x3FB0] =	sst s0  }
0x18: {  	s0 =	sld [smem:$0x3F93];
	_ =	swait.ge [sflag:s4], $0x0  }
0x19: {  	s7 =	sld [smem:$0x3F94]  }
0x1a: {  	s8 =	sadd.s32 $0xFFFFE003, lr  }
0x1b: {  	s9 =	sadd.s32 $0xFFFFFEF7, lr;
	s5 =	simm.s32 $0xFFFFFFFF;
	p2 =	slt.u32 s8, $0xFFFFF086  }
0x1c: {  	p1 =	slt.u32 s9, $0xF7A;
	s5 =	simm.s32 @!p2 $0x0  }
0x1d: {  	s5 =	simm.s32 @p1 $0x1;
	p0 =	seq.s32 s7, s2  }
0x1e: {  	s7 =	smul.u32 @!p0 $0xF7A, s2;
	p2 =	seq.s32 @!p0 s5, $0x0  }
0x1f: {  	s9 =	smul.u32 $0xF7A, s1;
	s8 =	simm.s32 @!p0 $0x1BF5;
	p2 =	por !p2, p0  }
0x20: {  	[sflag:s8] =	ssyncset.s32 @!p0 $0xFFFFF086;
	s6 =	sadd.s32 @!p0 s3, s7;
	s7 =	simm.s32 @!p0 $0x108  }
0x21: {  	s3 =	sadd.s32 s3, s9;
	s6 =	sadd.s32 @!p0 $0x88, s6;
	s7 =	simm.s32 @p2 $0x1082  }
0x22: {  	[simem:s7], [sflag:s8] =	dma.local @!p0 [hbm:s6], $0xF7A  }
0x23: {  	s9 =	sor.u32 $0xD0000000, s2;
	s6 =	simm.s32 $0x108;
	_ =	swait.ge @!p0 [sflag:s8], $0x0  }
0x24: {  	s3 =	sadd.s32 $0x88, s3;
	s6 =	simm.s32 @!p1 $0x1082;
	[sflag:s4] =	ssyncset.s32 $0xFFFFF086  }
0x25: {  	[simem:s6], [sflag:s4] =	dma.local [hbm:s3], $0xF7A  }
0x26: {  	[smem:$0x3F94] =	sst s1;
	(tag) =	ssettag s2;
	_ =	strace s9  }
0x27: {  	s1 =	sld [smem:$0x3FA4]  }
0x28: {  	s2 =	sld [smem:$0x3FA5]  }
0x29: {  	s4 =	sld [smem:$0x3FA7]  }
0x2a: {  	p0 =	seq.s32 s5, $0x0;
	s5 =	sld [smem:$0x3FA8]  }
0x2b: {  	s6 =	sld [smem:$0x3FA9]  }
0x2c: {  	s7 =	sld [smem:$0x3FAA]  }
0x2d: {  	s3 =	simm.s32 $0x108;
	s8 =	sld [smem:$0x3FAB]  }
0x2e: {  	s3 =	simm.s32 @!p0 $0x1082;
	s9 =	sld [smem:$0x3FAC]  }
0x2f: {  	lr =	sadd.s32 s0, s3;
	s0 =	sld [smem:$0x3FA3]  }
0x30: {  	s3 =	sld [smem:$0x3FA6]  }
0x31: {  	[smem:$0x3FAF] =	sst s10  }
0x32: {  	s10 =	sld [smem:$0x3FAD];
	_ =	sdelay $0x3  }
0x33: {  	p0 =	seq.s32 s10, $0x1;
	s10 =	sld [smem:$0x3FAF];
	_ =	sdelay $0x3  }
0x34: {  	[smem:$0x3FAF] =	sst s10  }
0x35: {  	s10 =	sld [smem:$0x3FAE];
	_ =	sdelay $0x3  }
0x36: {  	p1 =	seq.s32 s10, $0x1;
	s10 =	sld [smem:$0x3FAF];
	_ =	sdelay $0x3  }
0x37: {  	[smem:$0x3FAF] =	sst s10  }
0x38: {  	s10 =	sld [smem:$0x3FB0]  }
0x39: {  	_ = 	snop;
	(pc) =	sbr.ind lr, $3  }
0x3a: {  	_ = 	snop  }
0x3b: {  	_ = 	snop  }
0x3c: {  	p2 =	seq.s32 s10, $0x1;
	s10 =	sld [smem:$0x3FAF]  }
0x3d: {  	_ =	shalt  }
0x3e: {  	_ =	shalt  }
0x3f: {  	_ =	shalt  }
0x40: {  	_ =	shalt  }
0x41: {  	_ =	shalt  }
0x42: {  	_ =	shalt  }
0x43: {  	_ =	shalt  }
0x44: {  	_ =	shalt  }
0x45: {  	_ =	shalt  }
0x46: {  	_ =	shalt  }
0x47: {  	_ =	shalt  }
0x48: {  	_ =	shalt  }
0x49: {  	_ =	shalt  }
0x4a: {  	_ =	shalt  }
0x4b: {  	_ =	shalt  }
0x4c: {  	_ =	shalt  }
0x4d: {  	_ =	shalt  }
0x4e: {  	_ =	shalt  }
0x4f: {  	_ =	shalt  }
0x50: {  	_ =	shalt  }
0x51: {  	_ =	shalt  }
0x52: {  	_ =	shalt  }
0x53: {  	_ =	shalt  }
0x54: {  	_ =	shalt  }
0x55: {  	_ =	shalt  }
0x56: {  	_ =	shalt  }
0x57: {  	_ =	shalt  }
0x58: {  	_ =	shalt  }
0x59: {  	_ =	shalt  }
0x5a: {  	_ =	shalt  }
0x5b: {  	_ =	shalt  }
0x5c: {  	_ =	shalt  }
0x5d: {  	_ =	shalt  }
0x5e: {  	_ =	shalt  }
0x5f: {  	_ =	shalt  }
0x60: {  	_ =	shalt  }
0x61: {  	_ =	shalt  }
0x62: {  	_ =	shalt  }
0x63: {  	_ =	shalt  }
0x64: {  	_ =	shalt  }
0x65: {  	_ =	shalt  }
0x66: {  	_ =	shalt  }
0x67: {  	_ =	shalt  }
0x68: {  	_ =	shalt  }
0x69: {  	_ =	shalt  }
0x6a: {  	_ =	shalt  }
0x6b: {  	_ =	shalt  }
0x6c: {  	_ =	shalt  }
0x6d: {  	_ =	shalt  }
0x6e: {  	_ =	shalt  }
0x6f: {  	_ =	shalt  }
0x70: {  	_ =	shalt  }
0x71: {  	_ =	shalt  }
0x72: {  	_ =	shalt  }
0x73: {  	_ =	shalt  }
0x74: {  	_ =	shalt  }
0x75: {  	_ =	shalt  }
0x76: {  	_ =	shalt  }
0x77: {  	_ =	shalt  }
0x78: {  	_ =	shalt  }
0x79: {  	_ =	shalt  }
0x7a: {  	_ =	shalt  }
0x7b: {  	_ =	shalt  }
0x7c: {  	_ =	shalt  }
0x7d: {  	_ =	shalt  }
0x7e: {  	_ =	shalt  }
0x7f: {  	_ =	shalt  }
0x80: {  	_ =	shalt  }
0x81: {  	_ =	shalt  }
0x82: {  	_ =	shalt  }
0x83: {  	_ =	shalt  }
0x84: {  	_ =	shalt  }
0x85: {  	_ =	shalt  }
0x86: {  	_ =	shalt  }
0x87: {  	_ =	shalt  }
.Lfunc_end0:
.L_simem_size_0:
called_computation.3_lowered:
.L_overlay_start_0:
0x88: {  	s2 =	sld [smem:$0x3FD9]  }
0x89: {  	s3 =	sld [smem:$0x3FFE];
	_ =	sdelay $0x1  }
0x8a: {  	s1 =	srdreg.scid  }
0x8b: {  	s0 =	sand.u32 $0x1, s1  }
0x8c: {  	s16 =	sshll.u32 s0, $0xA;
	s2 =	sadd.s32 s3, s2  }
0x8d: {  	s2 =	sadd.s32 s2, s16  }
0x8e: {  	[smem:$0x3FBB] =	sst s2  }
0x8f: {  	_ = 	snop  }
0x90: {  	(tm) =	ssettm $0x1  }
0x91: {  	s17 =	sld [smem:$0x3FFB];
	_ =	sdelay $0x3  }
0x92: {  	_ =	strace s17  }
0x93: {  	s2 =	sld [smem:$0x3FFC];
	_ =	sdelay $0x3  }
0x94: {  	_ =	strace s2  }
0x95: {  	s2 =	sld [smem:$0x3FFD];
	_ =	sdelay $0x3  }
0x96: {  	_ =	strace s2  }
0x97: {  	_ =	strace $0x8FFFFFFF  }
0x98: {  	s18 =	sld [smem:$0x3FDB];
	_ =	sdelay $0x1  }
0x99: {  	s19 =	simm.s32 $_scs_section_size  }
0x9a: {  	s4 =	simm.s32 $_size__tile_overlayer_lowered;
	s5 =	simm.s32 $_tile_overlayer_lowered  }
0x9b: {  	s22 =	simm.s32 $0x1BFF;
	s21 =	sshll.u32 s5, $0x1;
	s2 =	sadd.s32 s19, s18  }
0x9c: {  	s6 =	simm.s32 $0x0;
	s20 =	sshll.u32 s4, $0x1;
	s4 =	sadd.s32 s21, s2  }
0x9d: {  	[timem:s6], [sflag:s22] =	dma.local [hbm:s4], s20  }
0x9e: {  	_ =	swait.ge [sflag:s22], s20  }
0x9f: {  	s3 =	ssub.s32 $0x0, s20;
	[sflag:s22] =	ssyncset.done $0x0  }
0xa0: {  	[sflag:s22] =	ssyncadd.s32 s3;
	_ =	sdelay $0x1  }
0xa1: {  	s23 =	simm.s32 $0x1B8B  }
0xa2: {  	_ =	swait.ge [sflag:s23], $0x1  }
0xa3: {  	[sflag:s23] =	ssyncset.done $0x0  }
0xa4: {  	s25 =	simm.s32 $0x1B8E;
	s24 =	sld [smem:$0x3FFE];
	[sflag:s23] =	ssyncadd.s32 $0xFFFFFFFF  }
0xa5: {  	s26 =	simm.s32 $execute0_lowered;
	[smem:$0x3FD2] =	sst s25  }
0xa6: {  	s4 =	sshll.u32 s26, $0x1;
	_ =	strace $0x8000004F;
	[dreg:$0x1] =	wrdreg $0xFFFFFFFF  }
0xa7: {  	s28 =	simm.s32 $_size_execute0_lowered;
	s2 =	sadd.s32 s2, s4;
	[dreg:$0x0] =	wrdreg $0x0  }
0xa8: {  	s4 =	sshll.u32 s28, $0x1;
	[dreg:$0x2] =	wrdreg s2  }
0xa9: {  	[dreg:$0x3] =	wrdreg s4  }
0xaa: {  	[dreg:$0x4] =	wrdreg $0xC0  }
0xab: {  	_ =	task [dreg:s6], $0x5FFFF  }
0xac: {  	[dreg:$0x1] =	wrdreg $0xFFFFFFFF  }
0xad: {  	[dreg:$0x0] =	wrdreg $0x60  }
0xae: {  	[dreg:$0x2] =	wrdreg s24  }
0xaf: {  	[dreg:$0x3] =	wrdreg $0x98000  }
0xb0: {  	[dreg:$0x4] =	wrdreg $0x9  }
0xb1: {  	_ =	task.clear_ibuf [dreg:s6], $0x5FFFF;
	_ =	strace $0x9000004F  }
0xb2: {  	s29 =	simm.s32 $0x9;
	_ =	strace $0x80000051  }
0xb3: {  	_ =	swait.ge [sflag:s29], $0x1  }
0xb4: {  	[sflag:s29] =	ssyncadd.s32 $0xFFFFFFFF  }
0xb5: {  	_ =	strace $0x90000051  }
0xb6: {  	_ =	sfence  }
0xb7: {  	s30 =	sld [smem:$0x0];
	_ =	sdelay $0x2  }
0xb8: {  	s31 =	sshll.u32 s1, $0xD;
	s1 =	sshrl.u32 s1, $0x2  }
0xb9: {  	s3 =	sand.u32 $0x4000, s31;
	s1 =	sadd.s32 s1, s30  }
0xba: {  	s0 =	sor.u32 s3, s0;
	s1 =	sshll.u32 s1, $0x11  }
0xbb: {  	s0 =	sor.u32 s1, s0  }
0xbc: {  	s0 =	sadd.s32 $0x8F2B, s0  }
0xbd: {  	[sflag:s0] =	ssyncadd.remote.s32 $0x1  }
0xbe: {  	_ =	sfence.sel $0xFFFF  }
0xbf: {  	[dreg:$0x0] =	wrdreg $0xFFFFFFFF;
	(pc) =	sbr.abs _section_cstart, $3  }
0xc0: {  	[dreg:$0x1] =	wrdreg $0xFFFFFFFF  }
0xc1: {  	_ =	task.clear_ibuf [dreg:s6], $0x2FFFF;
	_ =	strace $0x9FFFFFFF  }
0xc2: {  	(tm) =	ssettm $0x7FFFFFFF  }
0xc3: {  	_ =	shalt  }
tec
execute0_lowered:
.L_overlay_start_1:
0x0: {  	(tag) =	ssettag $0x1  }
0x1: {  	s1 =	srdreg.scid;
	s5 =	rddreg [dreg:$0x0]  }
0x2: {  	s0 =	stileid.u32;
	s2 =	rddreg [dreg:$0x1];
	s3 =	simm.s32 $0x0  }
0x3: {  	s14 =	simm.s32 $0x2;
	s15 =	simm.s32 $0x2C00;
	s16 =	simm.s32 $0x5800  }
0x4: {  	s17 =	simm.s32 $0x80;
	s18 =	simm.s32 $0x1;
	s21 =	simm.s32 $0x0  }
0x5: {  	s6 =	sand.u32 $0x1, s1;
	s1 =	rddreg [dreg:$0x2];
	s8 =	smul.u32 $0x2780, s0  }
0x6: {  	s29 =	sshll.u32 s0, $0x1;
	[smem:$0x7FF] =	sst s3;
	s10 =	smul.u32 $0x4F000, s0  }
0x7: {  	s19 =	sshll.u32 s0, $0x6;
	s4 =	sor.u32 s6, s29;
	_ =	strace $0x80000050  }
0x8: {  	s9 =	smul.u32 $0x27800, s6;
	s6 =	ssub.s32 $0x2, s6;
	s19 =	sor.u32 $0x1C02, s19  }
0x9: {  	s7 =	smul.u32 $0x580, s4;
	s4 =	sadd.s32 $0xE400, s5;
	s30 =	sshrl.u32 s6, $0x1  }
0xa: {  	s31 =	sshrl.u32 s10, $0x2;
	s8 =	sadd.s32 s8, s9;
	s13 =	ssub.s32 s6, s30  }
0xb: {  	s7 =	sadd.s32 s7, s5;
	s12 =	sadd.s32 s8, s5;
	s13 =	smax.u32 s13, $0x1  }
0xc: {  	s5 =	sadd.s32 $0x5D400, s7;
	s6 =	sadd.s32 $0x3400, s7;
	s7 =	sadd.s32 s31, s2  }
0xd: {  	s12 =	sadd.s32 $0x68400, s12;
	s8 =	sadd.s32 $0x4000, s7;
	s9 =	sadd.s32 $0x8000, s7  }
0xe: {  	v0 =	vimm.f32 $0.0e+00;
	s10 =	sadd.s32 $0xC000, s7;
	s11 =	sadd.s32 $0x10000, s7;
	s20 =	sshrl.u32 s7, $0x3  }
.LBB2_1:
0xf: {  	[tilespmem:s3], [sflag:$0x2] =	stream.linear.gather [hbm4b:s5+s3], $0x2900, $0x38;
	[tilespmem:$0x1D400] =	vst v63  }
0x10: {  	_ =	swait.ge [sflag:s14], $0x2900  }
0x11: {  	[sflag:s14] =	ssyncset.done $0x0  }
0x12: {  	[sflag:s14] =	ssyncadd.s32 $0xFFFFD700  }
0x13: {  	[tilespmem:s15], [sflag:$0x2] =	stream.linear.gather [hbm4b:s6+s3], $0x2900, $0x38;
	[tilespmem:$0x1D400] =	vst v63  }
0x14: {  	_ =	swait.ge [sflag:s14], $0x2900  }
0x15: {  	[sflag:s14] =	ssyncset.done $0x0  }
0x16: {  	s22 =	simm.s32 $0x0;
	s23 =	simm.s32 $0x200;
	[sflag:s14] =	ssyncadd.s32 $0xFFFFD700  }
.LBB2_2:
0x17: {  	p0 =	sne.s32 s23, $0xFE00;
	[tilespmem:s22+$0x5870] =	vst v0  }
0x18: {  	[tilespmem:s22+$0x5800] =	vst v0  }
0x19: {  	[tilespmem:s22+$0x5810] =	vst v0  }
.Ltmp0:
0x1a: {  	[tilespmem:s22+$0x5820] =	vst v0;
	(pc) =	sbr.rel @p0 .LBB2_2-.Ltmp0, $4  }
0x1b: {  	[tilespmem:s22+$0x5830] =	vst v0  }
0x1c: {  	[tilespmem:s22+$0x5840] =	vst v0  }
0x1d: {  	[tilespmem:s22+$0x5850] =	vst v0  }
0x1e: {  	[tilespmem:s22+$0x5860] =	vst v0;
	s22 =	sshra.s32 s23, $0x2;
	s23 =	sadd.s32 $0x200, s23  }
0x1f: {  	[tilespmem:s22+$0x5870] =	vst v0  }
0x20: {  	[tilespmem:s22+$0x5800] =	vst v0  }
0x21: {  	[tilespmem:s22+$0x5810] =	vst v0  }
0x22: {  	[tilespmem:s22+$0x5820] =	vst v0  }
0x23: {  	[tilespmem:s22+$0x5830] =	vst v0  }
0x24: {  	[tilespmem:s22+$0x5840] =	vst v0  }
0x25: {  	[tilespmem:s22+$0x5850] =	vst v0  }
0x26: {  	[tilespmem:s22+$0x5860] =	vst v0  }
0x27: {  	[spmem:s7] =	stream.linear.scatter [tilespmem:s16], [sflag:$0x2], $0x4000, $0x38;
	[tilespmem:$0x1D400] =	vst v63  }
0x28: {  	_ =	swait.ge [sflag:s14], $0x4000  }
0x29: {  	[sflag:s14] =	ssyncset.done $0x0  }
0x2a: {  	[sflag:s14] =	ssyncadd.s32 $0xFFFFC000  }
0x2b: {  	[spmem:s8] =	stream.linear.scatter [tilespmem:s16], [sflag:$0x2], $0x4000, $0x38;
	[tilespmem:$0x1D400] =	vst v63  }
0x2c: {  	_ =	swait.ge [sflag:s14], $0x4000  }
0x2d: {  	[sflag:s14] =	ssyncset.done $0x0  }
0x2e: {  	[sflag:s14] =	ssyncadd.s32 $0xFFFFC000  }
0x2f: {  	[spmem:s9] =	stream.linear.scatter [tilespmem:s16], [sflag:$0x2], $0x4000, $0x38;
	[tilespmem:$0x1D400] =	vst v63  }
0x30: {  	_ =	swait.ge [sflag:s14], $0x4000  }
0x31: {  	[sflag:s14] =	ssyncset.done $0x0  }
0x32: {  	[sflag:s14] =	ssyncadd.s32 $0xFFFFC000  }
0x33: {  	[spmem:s10] =	stream.linear.scatter [tilespmem:s16], [sflag:$0x2], $0x4000, $0x38;
	[tilespmem:$0x1D400] =	vst v63  }
0x34: {  	_ =	swait.ge [sflag:s14], $0x4000  }
0x35: {  	[sflag:s14] =	ssyncset.done $0x0  }
0x36: {  	[sflag:s14] =	ssyncadd.s32 $0xFFFFC000  }
0x37: {  	[spmem:s11] =	stream.linear.scatter [tilespmem:s16], [sflag:$0x2], $0x3C00, $0x38;
	[tilespmem:$0x1D400] =	vst v63  }
0x38: {  	_ =	swait.ge [sflag:s14], $0x3C00  }
0x39: {  	[sflag:s14] =	ssyncset.done $0x0  }
0x3a: {  	[sflag:s14] =	ssyncadd.s32 $0xFFFFC400  }
0x3b: {  	s30 =	simm.s32 $0x0;
	[bflag:$0x0] =	sbarrier.arrive $0xFFFF  }
0x3c: {  	[tilespmem:s16], [sflag:$0x1] =	stream.indirect.gather [hbm4b:s4+s17], $0x80, s30, s17, $0xb8;
	[tilespmem:$0x1D400] =	vst v63  }
0x3d: {  	_ =	swait.ge [sflag:s18], $0x4000  }
0x3e: {  	[sflag:s18] =	ssyncset.done $0x0  }
0x3f: {  	s31 =	simm.s32 $0x2C00;
	[sflag:s18] =	ssyncadd.s32 $0xFFFFC000  }
0x40: {  	[spmem:s2] =	stream.indirect.scatter.add.f32 [tilespmem:s16], [sflag:$0x2], $0x80, s31, s17, $0xb8;
	[tilespmem:$0x1D400] =	vst v63  }
0x41: {  	_ =	swait.ge [sflag:s14], $0x4000  }
0x42: {  	s22 =	simm.s32 $0x200;
	s23 =	simm.s32 $0x400;
	[sflag:s14] =	ssyncset.done $0x0  }
.LBB2_4:
0x43: {  	s24 =	sshra.s32 s22, $0x2  }
0x44: {  	[sflag:s14] =	ssyncadd.s32 $0xFFFFC000;
	s22 =	smov.u32 s23;
	s25 =	sadd.s32 $0x200, s23  }
0x45: {  	[tilespmem:s16], [sflag:$0x1] =	stream.indirect.gather [hbm4b:s4+s17], $0x80, s24, s17, $0xb8;
	[tilespmem:$0x1D400] =	vst v63  }
0x46: {  	p0 =	sne.s32 s23, $0xA200;
	_ =	swait.ge [sflag:s18], $0x4000  }
.Ltmp1:
0x47: {  	[sflag:s18] =	ssyncset.done $0x0;
	(pc) =	sbr.rel @p0 .LBB2_4-.Ltmp1, $4  }
0x48: {  	s23 =	sadd.s32 $0x2C00, s24;
	[sflag:s18] =	ssyncadd.s32 $0xFFFFC000  }
0x49: {  	[spmem:s2] =	stream.indirect.scatter.add.f32 [tilespmem:s16], [sflag:$0x2], $0x80, s23, s17, $0xb8;
	[tilespmem:$0x1D400] =	vst v63  }
0x4a: {  	_ =	swait.ge [sflag:s14], $0x4000  }
0x4b: {  	s23 =	smov.u32 s25;
	[sflag:s14] =	ssyncset.done $0x0  }
0x4c: {  	s22 =	sshra.s32 s22, $0x2;
	[sflag:s14] =	ssyncadd.s32 $0xFFFFC000  }
0x4d: {  	[tilespmem:s16], [sflag:$0x1] =	stream.indirect.gather [hbm4b:s4+s17], $0x80, s22, s17, $0xb8;
	[tilespmem:$0x1D400] =	vst v63  }
0x4e: {  	_ =	swait.ge [sflag:s18], $0x4000  }
0x4f: {  	[sflag:s18] =	ssyncset.done $0x0  }
0x50: {  	s22 =	sadd.s32 $0x2C00, s22;
	[sflag:s18] =	ssyncadd.s32 $0xFFFFC000  }
0x51: {  	[spmem:s2] =	stream.indirect.scatter.add.f32 [tilespmem:s16], [sflag:$0x2], $0x80, s22, s17, $0xb8;
	[tilespmem:$0x1D400] =	vst v63  }
0x52: {  	_ =	swait.ge [sflag:s14], $0x4000  }
0x53: {  	s21 =	sadd.s32 $0x1, s21;
	[sflag:s14] =	ssyncset.done $0x0  }
0x54: {  	p0 =	sne.s32 s21, s13;
	[sflag:s14] =	ssyncadd.s32 $0xFFFFC000  }
.Ltmp2:
0x55: {  	[bflag:$0x0] =	sbarrier.arrive $0xFFFF;
	(pc) =	sbr.rel @p0 .LBB2_1-.Ltmp2, $4  }
0x56: {  	[hbm:s12], [sflag:s19] =	dma.local [spmem:s20], $0x2780  }
0x57: {  	_ =	swait.ge [sflag:s14], $0x2780  }
0x58: {  	[sflag:s14] =	ssyncset.done $0x0  }
0x59: {  	[sflag:s14] =	ssyncadd.s32 $0xFFFFD880  }
0x5a: {  	_ =	sfence.sel $0x180000  }
0x5b: {  	[bflag:$0x0] =	sbarrier.arrive $0xFFFF  }
0x5c: {  	p0 =	sne.s32 s0, $0x0;
	_ =	strace $0x90000050  }
0x5d: {  	s0 =	sadd.s32 @!p0 $0x100000, s1;
	[bflag:$0x2] =	sbarrier.arrive $0xFFFF  }
0x5e: {  	[sflag:s0] =	ssyncadd.tile.s32 @!p0 $0x1;
	_ =	shalt  }
.Lfunc_end2:
_tile_overlayer_lowered:
.L_overlay_start_2:
0x5f: {  	(tag) =	ssettag $0x2  }
0x60: {  	s0 =	rddreg [dreg:$0x0];
	s2 =	stileid.u32  }
0x61: {  	s1 =	rddreg [dreg:$0x1];
	p0 =	sne.s32 s2, $0x0  }
0x62: {  	s3 =	rddreg [dreg:$0x2];
	[bflag:$0x3] =	sbarrier.arrive $0xFFFF;
	s2 =	simm.s32 @!p0 $0x1C02  }
0x63: {  	[timem:s3], [sflag:s2] =	dma.local @!p0 [hbm:s0], s1  }
0x64: {  	s0 =	simm.s32 @!p0 $0x2  }
0x65: {  	_ =	swait.ge @!p0 [sflag:s0], s1  }
0x66: {  	s1 =	ssub.s32 @!p0 $0x0, s1;
	[sflag:s0] =	ssyncset.done @!p0 $0x0  }
0x67: {  	[sflag:s0] =	ssyncadd.s32 @!p0 s1  }
0x68: {  	[bflag:$0x3] =	sbarrier.arrive $0xFFFF  }
0x69: {  	_ =	shalt  }

</sc_bundles>
